<compile_context>
chip_gen: v7x
topology: tpu7x:2x2x1
jax: 0.10.2.dev20260603
libtpu: 0.0.44.dev20260713+nightly
codegen_flags: <defaults>
</compile_context>

<pallas_src>
import functools

import jax
import jax.numpy as jnp
import numpy as np
from jax import lax
from jax.experimental import pallas as pl
from jax.experimental.pallas import tpu as pltpu
from jax.experimental.pallas import tpu_sc as plsc

N = 10000
E = 160000
NP = 10240
EP = 163840
CHUNK = 128
CPT = (EP // 32) // CHUNK
ECH = E // CHUNK
_PAD_NP = np.stack([
    np.arange(30 * CHUNK).reshape(30, CHUNK) % N,
    N + np.arange(30 * CHUNK).reshape(30, CHUNK) % (NP - N),
], axis=1).astype(np.int32)

_mesh = plsc.VectorSubcoreMesh(core_axis_name="c", subcore_axis_name="s")
_f32 = jnp.float32
_sc_params = pltpu.CompilerParams(use_tc_tiling_on_sc=False)
_sc_vec_params = pltpu.CompilerParams(use_tc_tiling_on_sc=False,
                                      needs_layout_passes=False)
_RPT = NP // 16


def _stage_edges(ei_hbm, pad_hbm, eiv, tid):
    @pl.when(tid < 31)
    def _():
        pltpu.sync_copy(ei_hbm.at[pl.ds(tid * CPT, CPT)], eiv)

    @pl.when(tid == 31)
    def _():
        pltpu.sync_copy(ei_hbm.at[pl.ds(ECH - 10, 10)], eiv.at[pl.ds(0, 10)])
        pltpu.sync_copy(pad_hbm, eiv.at[pl.ds(10, 30)])


@functools.partial(
    pl.kernel,
    out_type=jax.ShapeDtypeStruct((2, NP, 64), _f32),
    mesh=_mesh,
    scratch_types=[
        pltpu.VMEM((CPT, 2, CHUNK), jnp.int32),
        pltpu.VMEM((NP,), _f32),
        pltpu.VMEM((16, _RPT), _f32),
        pltpu.VMEM((_RPT,), _f32),
        pltpu.VMEM((_RPT, 64), _f32),
        pltpu.VMEM_SHARED((16, NP), _f32),
        pltpu.SemaphoreType.DMA,
    ],
    compiler_params=_sc_vec_params,
)
def _deg_sc(ei_hbm, pad_hbm, znp_hbm, out_hbm, eiv, hist, mbuf, sums, obuf,
            shared, sem):
    cid = lax.axis_index("c")
    sid = lax.axis_index("s")
    tid = cid * 16 + sid
    _stage_edges(ei_hbm, pad_hbm, eiv, tid)
    pltpu.sync_copy(znp_hbm, hist)
    ones = jnp.ones((16,), _f32)

    @pl.loop(0, CPT)
    def _(j):
        for l in range(8):
            idx16 = eiv[j, 1, pl.ds(16 * l, 16)]
            plsc.addupdate_scatter(hist, [idx16], ones)

    pltpu.sync_copy(hist, shared.at[sid])
    plsc.subcore_barrier()
    pltpu.sync_copy(shared.at[:, pl.ds(sid * _RPT, _RPT)], mbuf)

    @pl.loop(0, _RPT, step=16)
    def _(i):
        v = mbuf[0, pl.ds(i, 16)]
        for t in range(1, 16):
            v = v + mbuf[t, pl.ds(i, 16)]
        sums[pl.ds(i, 16)] = v

    @pl.loop(0, _RPT)
    def _(n):
        row = plsc.load_gather(sums, [jnp.full((16,), n, jnp.int32)])
        for k in range(4):
            obuf[n, pl.ds(16 * k, 16)] = row

    pltpu.sync_copy(obuf, out_hbm.at[cid, pl.ds(sid * _RPT, _RPT)])


def _make_agg(nrows, d, psi_src=False):
    rpt = nrows // 16

    @functools.partial(
        pl.kernel,
        out_type=jax.ShapeDtypeStruct((2, nrows, d), _f32),
        mesh=_mesh,
        scratch_types=[
            pltpu.VMEM((CPT, 2, CHUNK), jnp.int32),
            [pltpu.VMEM((CHUNK, d), _f32)] * 8,
            [pltpu.SemaphoreType.DMA] * 8,
            [pltpu.SemaphoreType.DMA] * 8,
            pltpu.VMEM_SHARED((nrows, d), _f32),
        ],
        compiler_params=_sc_vec_params,
    )
    def _agg(y_hbm, ei_hbm, pad_hbm, zeros_hbm, out_hbm,
             eiv, bufs, gsems, ssems, acc):
        cid = lax.axis_index("c")
        sid = lax.axis_index("s")
        tid = cid * 16 + sid
        _stage_edges(ei_hbm, pad_hbm, eiv, tid)
        pltpu.sync_copy(zeros_hbm, acc.at[pl.ds(sid * rpt, rpt)])
        if psi_src:
            @pl.loop(0, CPT)
            def _(j):
                for l in range(8):
                    v = eiv[j, 0, pl.ds(16 * l, 16)]
                    eiv[j, 0, pl.ds(16 * l, 16)] = (
                        4 * (v >> 1) + (v & 1))
        plsc.subcore_barrier()

        for c in range(4):
            pltpu.async_copy(y_hbm.at[eiv.at[c, 0]], bufs[c], gsems[c])

        @pl.loop(0, CPT, step=8)
        def _(j):
            for k in range(8):
                b = k % 8
                pltpu.make_async_copy(y_hbm.at[eiv.at[j + k, 0]],
                                      bufs[b], gsems[b]).wait()
                pltpu.async_copy(bufs[b], acc.at[eiv.at[j + k, 1]],
                                 ssems[b], add=True)
                bn = (k + 4) % 8

                @pl.when(j + k + 4 < CPT)
                def _():
                    @pl.when(j + k >= 4)
                    def _():
                        pltpu.make_async_copy(
                            bufs[bn], acc.at[eiv.at[j + k - 4, 1]],
                            ssems[bn]).wait()

                    pltpu.async_copy(y_hbm.at[eiv.at[j + k + 4, 0]],
                                     bufs[bn], gsems[bn])

        for c in range(CPT - 8, CPT):
            b = c % 8
            pltpu.make_async_copy(bufs[b], acc.at[eiv.at[c, 1]],
                                  ssems[b]).wait()

        plsc.subcore_barrier()
        pltpu.sync_copy(
            acc.at[pl.ds(sid * rpt, rpt)],
            out_hbm.at[cid, pl.ds(sid * rpt, rpt)],
        )

    return _agg


_agg64 = _make_agg(NP, 64)
_agg32 = _make_agg(NP, 32, psi_src=True)


_R = 1024
_GRID = (NP // 2) // _R


def _disf(dpf_ref):
    degf = 1.0 + dpf_ref[0] + dpf_ref[1]
    return 1.0 / jnp.sqrt(degf)


def _dense1_body(xf_ref, wbd_ref, dpf_ref, y_ref, s_ref):
    xwf = jnp.dot(xf_ref[...], wbd_ref[...], preferred_element_type=_f32)
    disf = _disf(dpf_ref)
    y_ref[...] = xwf * disf
    s_ref[...] = xwf * (disf * disf)


def _dense1(xf, w1bd, dpf):
    return pl.pallas_call(
        _dense1_body,
        grid=(_GRID,),
        in_specs=[
            pl.BlockSpec((_R, 512), lambda i: (i, 0)),
            pl.BlockSpec((512, 128), lambda i: (0, 0)),
            pl.BlockSpec((2, _R, 128), lambda i: (0, i, 0)),
        ],
        out_specs=[
            pl.BlockSpec((_R, 128), lambda i: (i, 0)),
            pl.BlockSpec((_R, 128), lambda i: (i, 0)),
        ],
        out_shape=[
            jax.ShapeDtypeStruct((NP // 2, 128), _f32),
            jax.ShapeDtypeStruct((NP // 2, 128), _f32),
        ],
    )(xf, w1bd, dpf)


def _dense2_body(af_ref, sf_ref, dpf_ref, wbd_ref, bf_ref, yz_ref):
    disf = _disf(dpf_ref)
    aggf = af_ref[0] + af_ref[1]
    hf = jnp.maximum(aggf * disf + sf_ref[...] + bf_ref[...], 0.0)
    xw2 = jnp.dot(hf, wbd_ref[...], preferred_element_type=_f32)
    dis32 = jnp.concatenate([disf[:, 0:32], disf[:, 64:96]], axis=1)
    y2 = xw2 * dis32
    s2 = xw2 * (dis32 * dis32)
    yz_ref[...] = jnp.concatenate([y2, s2], axis=1)


def _dense2(af, sf, dpf, w2bd, b1f):
    return pl.pallas_call(
        _dense2_body,
        grid=(_GRID,),
        in_specs=[
            pl.BlockSpec((2, _R, 128), lambda i: (0, i, 0)),
            pl.BlockSpec((_R, 128), lambda i: (i, 0)),
            pl.BlockSpec((2, _R, 128), lambda i: (0, i, 0)),
            pl.BlockSpec((128, 64), lambda i: (0, 0)),
            pl.BlockSpec((1, 128), lambda i: (0, 0)),
        ],
        out_specs=pl.BlockSpec((_R, 128), lambda i: (i, 0)),
        out_shape=jax.ShapeDtypeStruct((NP // 2, 128), _f32),
    )(af, sf, dpf, w2bd, b1f)


def _dense3_body(af_ref, yz4_ref, dp4_ref, wbd_ref, bf_ref, bfc_ref, o_ref):
    deg4 = 1.0 + dp4_ref[0] + dp4_ref[1]
    dis4 = 1.0 / jnp.sqrt(deg4)
    dis32 = jnp.concatenate(
        [dis4[:, 0:32], dis4[:, 64:96], dis4[:, 128:160], dis4[:, 192:224]],
        axis=1)
    yz4 = yz4_ref[...]
    s2 = jnp.concatenate([yz4[:, 64:128], yz4[:, 192:256]], axis=1)
    a2 = af_ref[0] + af_ref[1]
    hf = jnp.maximum(a2 * dis32 + s2 + bf_ref[...], 0.0)
    o_ref[...] = (jnp.dot(hf, wbd_ref[...], preferred_element_type=_f32)
                  + bfc_ref[...])


def _dense3(af, yz4, dp4, wfcbd, b2f, bfc):
    return pl.pallas_call(
        _dense3_body,
        grid=(_GRID,),
        in_specs=[
            pl.BlockSpec((2, _R // 2, 128), lambda i: (0, i, 0)),
            pl.BlockSpec((_R // 2, 256), lambda i: (i, 0)),
            pl.BlockSpec((2, _R // 2, 256), lambda i: (0, i, 0)),
            pl.BlockSpec((128, 4), lambda i: (0, 0)),
            pl.BlockSpec((1, 128), lambda i: (0, 0)),
            pl.BlockSpec((1, 1), lambda i: (0, 0)),
        ],
        out_specs=pl.BlockSpec((_R // 2, 4), lambda i: (i, 0)),
        out_shape=jax.ShapeDtypeStruct((NP // 4, 4), _f32),
    )(af, yz4, dp4, wfcbd, b2f, bfc)


def kernel(x, edge_index, W1, b1, W2, b2, Wfc, bfc):
    ei = jnp.swapaxes(edge_index.astype(jnp.int32).reshape(2, ECH, CHUNK),
                      0, 1)
    padc = jnp.asarray(_PAD_NP)

    znp = jnp.zeros((NP,), _f32)
    z64 = jnp.zeros((NP // 16, 64), _f32)
    z32 = jnp.zeros((NP // 16, 32), _f32)

    w1bd = jnp.zeros((512, 128), _f32).at[:256, :64].set(W1).at[256:, 64:].set(W1)
    w2bd = jnp.zeros((128, 64), _f32).at[:64, :32].set(W2).at[64:, 32:].set(W2)
    wfcbd = jnp.zeros((128, 4), _f32)
    for k in range(4):
        wfcbd = wfcbd.at[32 * k:32 * (k + 1), k].set(Wfc[:, 0])
    b1f = jnp.tile(b1, 2).reshape(1, 128)
    b2f = jnp.tile(b2, 4).reshape(1, 128)

    xf = x.reshape(N // 2, 512)

    dp = _deg_sc(ei, padc, znp)
    dpf = dp.reshape(2, NP // 2, 128)
    y1f, s1f = _dense1(xf, w1bd, dpf)
    a1 = _agg64(y1f.reshape(NP, 64), ei, padc, z64)
    yz = _dense2(a1.reshape(2, NP // 2, 128), s1f, dpf, w2bd, b1f)
    a2 = _agg32(yz.reshape(2 * NP, 32), ei, padc, z32)
    o = _dense3(a2.reshape(2, NP // 4, 128), yz.reshape(NP // 4, 256),
                dp.reshape(2, NP // 4, 256), wfcbd, b2f,
                bfc.reshape(1, 1))
    return o.reshape(NP, 1)[:N]

# --- scband reference (transcript-rebuilt; emitter-appended) ---
"""Pipeline reference for scband-gcn-19026705121715 (READ-ONLY COPY).

The authoritative reference and input builder live on the scoring server;
editing this copy changes nothing except your own understanding.
"""

import jax, jax.numpy as jnp
import numpy as np

N_NODES = 10000
N_EDGES = 160000
D_IN = 256
D_H1 = 64
D_H2 = 32


def _glorot(key, shape):
    fan_in, fan_out = shape[0], shape[1]
    lim = jnp.sqrt(6.0 / (fan_in + fan_out))
    return jax.random.uniform(key, shape, minval=-lim, maxval=lim, dtype=jnp.float32)


def setup_inputs(seed: int = 0) -> dict:
    key = jax.random.key(seed)
    ks = jax.random.split(key, 8)
    x = jax.random.normal(ks[0], (N_NODES, D_IN), dtype=jnp.float32)
    edge_index = jax.random.randint(ks[1], (2, N_EDGES), 0, N_NODES, dtype=jnp.int64 if jax.config.jax_enable_x64 else jnp.int32)
    W1 = _glorot(ks[2], (D_IN, D_H1))
    b1 = jnp.zeros((D_H1,), dtype=jnp.float32)
    W2 = _glorot(ks[3], (D_H1, D_H2))
    b2 = jnp.zeros((D_H2,), dtype=jnp.float32)
    Wfc = _glorot(ks[4], (D_H2, 1))
    bfc = jnp.zeros((1,), dtype=jnp.float32)
    return {"x": x, "edge_index": edge_index, "W1": W1, "b1": b1, "W2": W2, "b2": b2, "Wfc": Wfc, "bfc": bfc}


def gcn_conv(x, edge_index, W, b):
    # Faithful PyG GCNConv: add self-loops, symmetric normalization, scatter-add aggregation.
    n = x.shape[0]
    loop = jnp.arange(n, dtype=edge_index.dtype)
    src = jnp.concatenate([edge_index[0], loop])
    dst = jnp.concatenate([edge_index[1], loop])
    deg = jnp.zeros((n,), dtype=x.dtype).at[dst].add(1.0)
    deg_inv_sqrt = jnp.where(deg > 0, 1.0 / jnp.sqrt(deg), 0.0)
    norm = deg_inv_sqrt[src] * deg_inv_sqrt[dst]
    xw = x @ W
    msg = xw[src] * norm[:, None]
    out = jnp.zeros((n, W.shape[1]), dtype=x.dtype).at[dst].add(msg)
    return out + b


def reference(x, edge_index, W1, b1, W2, b2, Wfc, bfc):
    h = jax.nn.relu(gcn_conv(x, edge_index, W1, b1))
    # dropout(p=0.2) is identity in eval mode
    h = jax.nn.relu(gcn_conv(h, edge_index, W2, b2))
    out = h @ Wfc + bfc
    return out

if __name__ == "__main__":
    import jax
    _d = setup_inputs()
    print(jax.jit(kernel)(*tuple(_d.values())))

</pallas_src>

<mosaic_0001>
#map = affine_map<(d0, d1) -> (0, 0)>
#map1 = affine_map<(d0, d1) -> (0, 0, 0)>
module attributes {stable_mosaic.version = 14 : i64} {
  func.func @_agg(%arg0: i32, %arg1: i32, %arg2: memref<10240x64xf32, #tpu.memory_space<hbm>>, %arg3: memref<1250x2x128xi32, #tpu.memory_space<hbm>>, %arg4: memref<30x2x128xi32, #tpu.memory_space<hbm>>, %arg5: memref<640x64xf32, #tpu.memory_space<hbm>>, %arg6: memref<2x10240x64xf32, #tpu.memory_space<hbm>>, %arg7: memref<40x2x128xi32, #tpu.memory_space<vmem>>, %arg8: memref<128x64xf32, #tpu.memory_space<vmem>>, %arg9: memref<128x64xf32, #tpu.memory_space<vmem>>, %arg10: memref<128x64xf32, #tpu.memory_space<vmem>>, %arg11: memref<128x64xf32, #tpu.memory_space<vmem>>, %arg12: memref<128x64xf32, #tpu.memory_space<vmem>>, %arg13: memref<128x64xf32, #tpu.memory_space<vmem>>, %arg14: memref<128x64xf32, #tpu.memory_space<vmem>>, %arg15: memref<128x64xf32, #tpu.memory_space<vmem>>, %arg16: memref<!tpu.dma_semaphore, #tpu.memory_space<semaphore_mem>>, %arg17: memref<!tpu.dma_semaphore, #tpu.memory_space<semaphore_mem>>, %arg18: memref<!tpu.dma_semaphore, #tpu.memory_space<semaphore_mem>>, %arg19: memref<!tpu.dma_semaphore, #tpu.memory_space<semaphore_mem>>, %arg20: memref<!tpu.dma_semaphore, #tpu.memory_space<semaphore_mem>>, %arg21: memref<!tpu.dma_semaphore, #tpu.memory_space<semaphore_mem>>, %arg22: memref<!tpu.dma_semaphore, #tpu.memory_space<semaphore_mem>>, %arg23: memref<!tpu.dma_semaphore, #tpu.memory_space<semaphore_mem>>, %arg24: memref<!tpu.dma_semaphore, #tpu.memory_space<semaphore_mem>>, %arg25: memref<!tpu.dma_semaphore, #tpu.memory_space<semaphore_mem>>, %arg26: memref<!tpu.dma_semaphore, #tpu.memory_space<semaphore_mem>>, %arg27: memref<!tpu.dma_semaphore, #tpu.memory_space<semaphore_mem>>, %arg28: memref<!tpu.dma_semaphore, #tpu.memory_space<semaphore_mem>>, %arg29: memref<!tpu.dma_semaphore, #tpu.memory_space<semaphore_mem>>, %arg30: memref<!tpu.dma_semaphore, #tpu.memory_space<semaphore_mem>>, %arg31: memref<!tpu.dma_semaphore, #tpu.memory_space<semaphore_mem>>, %arg32: memref<10240x64xf32, #tpu.memory_space<vmem_shared>>) attributes {dimension_semantics = [#tpu.dimension_semantics<core_parallel>, #tpu.dimension_semantics<subcore_parallel>], iteration_bounds = array<i64: 2, 16>, scalar_prefetch = 0 : i64, scratch_operands = 26 : i64, tpu.core_type = #tpu.core_type<sc_vector_subcore>, window_params = [{transform_indices = #map}, {transform_indices = #map1}, {transform_indices = #map1}, {transform_indices = #map}, {transform_indices = #map1}]} {
    %mul3A = arith.constant 16 : i32
    %mul3A_0 = arith.muli %arg0, %mul3A : i32
    %add3A = arith.addi %mul3A_0, %arg1 : i32
    %lt3A = arith.constant 31 : i32
    %lt3A_1 = arith.cmpi slt, %add3A, %lt3A : i32
    %convert_element_type3A = arith.extui %lt3A_1 : i1 to i32
    %cond3A = arith.constant 0 : i32
    %cond3A_2 = arith.cmpi ne, %convert_element_type3A, %cond3A : i32
    scf.if %cond3A_2 {
      %mul3A_112 = arith.constant 40 : i32
      %mul3A_113 = arith.muli %add3A, %mul3A_112 : i32
      "tpu.region"() ({
        %run_scoped3A = tpu.sem_alloc : memref<!tpu.dma_semaphore, #tpu.memory_space<semaphore_mem>>
        %dma_start3A_114 = arith.constant 0 : i32
        %dma_start3A_115 = arith.constant 0 : i32
        %dma_start3A_116 = tpu.memref_slice %arg3[%mul3A_113, %dma_start3A_114, %dma_start3A_115] : memref<1250x2x128xi32, #tpu.memory_space<hbm>> -> memref<40x2x128xi32, #tpu.memory_space<hbm>>
        %dma_start3A_117 = arith.constant 0 : i32
        %dma_start3A_118 = arith.constant 0 : i32
        %dma_start3A_119 = tpu.memref_slice %arg3[%mul3A_113, %dma_start3A_117, %dma_start3A_118] : memref<1250x2x128xi32, #tpu.memory_space<hbm>> -> memref<40x2x128xi32, #tpu.memory_space<hbm>>
        tpu.enqueue_dma source(%dma_start3A_119 : memref<40x2x128xi32, #tpu.memory_space<hbm>>) target(%arg7 : memref<40x2x128xi32, #tpu.memory_space<vmem>>) target_semaphore(%run_scoped3A : memref<!tpu.dma_semaphore, #tpu.memory_space<semaphore_mem>>)
        %dma_wait3A_120 = arith.constant 0 : i32
        %dma_wait3A_121 = arith.constant 0 : i32
        %dma_wait3A_122 = tpu.memref_slice %arg3[%mul3A_113, %dma_wait3A_120, %dma_wait3A_121] : memref<1250x2x128xi32, #tpu.memory_space<hbm>> -> memref<40x2x128xi32, #tpu.memory_space<hbm>>
        %dma_wait3A_123 = arith.constant 0 : i32
        %dma_wait3A_124 = arith.constant 0 : i32
        %dma_wait3A_125 = tpu.memref_slice %arg3[%mul3A_113, %dma_wait3A_123, %dma_wait3A_124] : memref<1250x2x128xi32, #tpu.memory_space<hbm>> -> memref<40x2x128xi32, #tpu.memory_space<hbm>>
        tpu.wait_dma2 semaphore(%run_scoped3A : memref<!tpu.dma_semaphore, #tpu.memory_space<semaphore_mem>>) src(%dma_wait3A_125 : memref<40x2x128xi32, #tpu.memory_space<hbm>>) dst(%arg7 : memref<40x2x128xi32, #tpu.memory_space<vmem>>)
        tpu.yield
      }) : () -> ()
    } else {
    }
    %eq3A = arith.constant 31 : i32
    %eq3A_3 = arith.cmpi eq, %add3A, %eq3A : i32
    %convert_element_type3A_4 = arith.extui %eq3A_3 : i1 to i32
    %cond3A_5 = arith.constant 0 : i32
    %cond3A_6 = arith.cmpi ne, %convert_element_type3A_4, %cond3A_5 : i32
    scf.if %cond3A_6 {
      "tpu.region"() ({
        %run_scoped3A = tpu.sem_alloc : memref<!tpu.dma_semaphore, #tpu.memory_space<semaphore_mem>>
        %dma_start3A_112 = arith.constant 0 : i32
        %dma_start3A_113 = arith.constant 0 : i32
        %dma_start3A_114 = arith.constant 0 : i32
        %dma_start3A_115 = tpu.memref_slice %arg7[%dma_start3A_112, %dma_start3A_113, %dma_start3A_114] : memref<40x2x128xi32, #tpu.memory_space<vmem>> -> memref<10x2x128xi32, #tpu.memory_space<vmem>>
        %dma_start3A_116 = arith.constant 1240 : i32
        %dma_start3A_117 = arith.constant 0 : i32
        %dma_start3A_118 = arith.constant 0 : i32
        %dma_start3A_119 = tpu.memref_slice %arg3[%dma_start3A_116, %dma_start3A_117, %dma_start3A_118] : memref<1250x2x128xi32, #tpu.memory_space<hbm>> -> memref<10x2x128xi32, #tpu.memory_space<hbm>>
        %dma_start3A_120 = arith.constant 0 : i32
        %dma_start3A_121 = arith.constant 0 : i32
        %dma_start3A_122 = arith.constant 0 : i32
        %dma_start3A_123 = tpu.memref_slice %arg7[%dma_start3A_120, %dma_start3A_121, %dma_start3A_122] : memref<40x2x128xi32, #tpu.memory_space<vmem>> -> memref<10x2x128xi32, #tpu.memory_space<vmem>>
        %dma_start3A_124 = arith.constant 1240 : i32
        %dma_start3A_125 = arith.constant 0 : i32
        %dma_start3A_126 = arith.constant 0 : i32
        %dma_start3A_127 = tpu.memref_slice %arg3[%dma_start3A_124, %dma_start3A_125, %dma_start3A_126] : memref<1250x2x128xi32, #tpu.memory_space<hbm>> -> memref<10x2x128xi32, #tpu.memory_space<hbm>>
        tpu.enqueue_dma source(%dma_start3A_127 : memref<10x2x128xi32, #tpu.memory_space<hbm>>) target(%dma_start3A_123 : memref<10x2x128xi32, #tpu.memory_space<vmem>>) target_semaphore(%run_scoped3A : memref<!tpu.dma_semaphore, #tpu.memory_space<semaphore_mem>>)
        %dma_wait3A_128 = arith.constant 0 : i32
        %dma_wait3A_129 = arith.constant 0 : i32
        %dma_wait3A_130 = arith.constant 0 : i32
        %dma_wait3A_131 = tpu.memref_slice %arg7[%dma_wait3A_128, %dma_wait3A_129, %dma_wait3A_130] : memref<40x2x128xi32, #tpu.memory_space<vmem>> -> memref<10x2x128xi32, #tpu.memory_space<vmem>>
        %dma_wait3A_132 = arith.constant 1240 : i32
        %dma_wait3A_133 = arith.constant 0 : i32
        %dma_wait3A_134 = arith.constant 0 : i32
        %dma_wait3A_135 = tpu.memref_slice %arg3[%dma_wait3A_132, %dma_wait3A_133, %dma_wait3A_134] : memref<1250x2x128xi32, #tpu.memory_space<hbm>> -> memref<10x2x128xi32, #tpu.memory_space<hbm>>
        %dma_wait3A_136 = arith.constant 0 : i32
        %dma_wait3A_137 = arith.constant 0 : i32
        %dma_wait3A_138 = arith.constant 0 : i32
        %dma_wait3A_139 = tpu.memref_slice %arg7[%dma_wait3A_136, %dma_wait3A_137, %dma_wait3A_138] : memref<40x2x128xi32, #tpu.memory_space<vmem>> -> memref<10x2x128xi32, #tpu.memory_space<vmem>>
        %dma_wait3A_140 = arith.constant 1240 : i32
        %dma_wait3A_141 = arith.constant 0 : i32
        %dma_wait3A_142 = arith.constant 0 : i32
        %dma_wait3A_143 = tpu.memref_slice %arg3[%dma_wait3A_140, %dma_wait3A_141, %dma_wait3A_142] : memref<1250x2x128xi32, #tpu.memory_space<hbm>> -> memref<10x2x128xi32, #tpu.memory_space<hbm>>
        tpu.wait_dma2 semaphore(%run_scoped3A : memref<!tpu.dma_semaphore, #tpu.memory_space<semaphore_mem>>) src(%dma_wait3A_143 : memref<10x2x128xi32, #tpu.memory_space<hbm>>) dst(%dma_wait3A_139 : memref<10x2x128xi32, #tpu.memory_space<vmem>>)
        tpu.yield
      }) : () -> ()
      "tpu.region"() ({
        %run_scoped3A = tpu.sem_alloc : memref<!tpu.dma_semaphore, #tpu.memory_space<semaphore_mem>>
        %dma_start3A_112 = arith.constant 10 : i32
        %dma_start3A_113 = arith.constant 0 : i32
        %dma_start3A_114 = arith.constant 0 : i32
        %dma_start3A_115 = tpu.memref_slice %arg7[%dma_start3A_112, %dma_start3A_113, %dma_start3A_114] : memref<40x2x128xi32, #tpu.memory_space<vmem>> -> memref<30x2x128xi32, #tpu.memory_space<vmem>>
        %dma_start3A_116 = arith.constant 10 : i32
        %dma_start3A_117 = arith.constant 0 : i32
        %dma_start3A_118 = arith.constant 0 : i32
        %dma_start3A_119 = tpu.memref_slice %arg7[%dma_start3A_116, %dma_start3A_117, %dma_start3A_118] : memref<40x2x128xi32, #tpu.memory_space<vmem>> -> memref<30x2x128xi32, #tpu.memory_space<vmem>>
        tpu.enqueue_dma source(%arg4 : memref<30x2x128xi32, #tpu.memory_space<hbm>>) target(%dma_start3A_119 : memref<30x2x128xi32, #tpu.memory_space<vmem>>) target_semaphore(%run_scoped3A : memref<!tpu.dma_semaphore, #tpu.memory_space<semaphore_mem>>)
        %dma_wait3A_120 = arith.constant 10 : i32
        %dma_wait3A_121 = arith.constant 0 : i32
        %dma_wait3A_122 = arith.constant 0 : i32
        %dma_wait3A_123 = tpu.memref_slice %arg7[%dma_wait3A_120, %dma_wait3A_121, %dma_wait3A_122] : memref<40x2x128xi32, #tpu.memory_space<vmem>> -> memref<30x2x128xi32, #tpu.memory_space<vmem>>
        %dma_wait3A_124 = arith.constant 10 : i32
        %dma_wait3A_125 = arith.constant 0 : i32
        %dma_wait3A_126 = arith.constant 0 : i32
        %dma_wait3A_127 = tpu.memref_slice %arg7[%dma_wait3A_124, %dma_wait3A_125, %dma_wait3A_126] : memref<40x2x128xi32, #tpu.memory_space<vmem>> -> memref<30x2x128xi32, #tpu.memory_space<vmem>>
        tpu.wait_dma2 semaphore(%run_scoped3A : memref<!tpu.dma_semaphore, #tpu.memory_space<semaphore_mem>>) src(%arg4 : memref<30x2x128xi32, #tpu.memory_space<hbm>>) dst(%dma_wait3A_127 : memref<30x2x128xi32, #tpu.memory_space<vmem>>)
        tpu.yield
      }) : () -> ()
    } else {
    }
    %mul3A_7 = arith.constant 640 : i32
    %mul3A_8 = arith.muli %arg1, %mul3A_7 : i32
    "tpu.region"() ({
      %run_scoped3A = tpu.sem_alloc : memref<!tpu.dma_semaphore, #tpu.memory_space<semaphore_mem>>
      %dma_start3A_112 = arith.constant 0 : i32
      %dma_start3A_113 = tpu.memref_slice %arg32[%mul3A_8, %dma_start3A_112] : memref<10240x64xf32, #tpu.memory_space<vmem_shared>> -> memref<640x64xf32, #tpu.memory_space<vmem_shared>>
      tpu.enqueue_dma source(%arg5 : memref<640x64xf32, #tpu.memory_space<hbm>>) target(%dma_start3A_113 : memref<640x64xf32, #tpu.memory_space<vmem_shared>>) target_semaphore(%run_scoped3A : memref<!tpu.dma_semaphore, #tpu.memory_space<semaphore_mem>>)
      %dma_wait3A_114 = arith.constant 0 : i32
      %dma_wait3A_115 = tpu.memref_slice %arg32[%mul3A_8, %dma_wait3A_114] : memref<10240x64xf32, #tpu.memory_space<vmem_shared>> -> memref<640x64xf32, #tpu.memory_space<vmem_shared>>
      tpu.wait_dma2 semaphore(%run_scoped3A : memref<!tpu.dma_semaphore, #tpu.memory_space<semaphore_mem>>) src(%arg5 : memref<640x64xf32, #tpu.memory_space<hbm>>) dst(%dma_wait3A_115 : memref<640x64xf32, #tpu.memory_space<vmem_shared>>)
      tpu.yield
    }) : () -> ()
    %barrier3A = arith.constant 0 : index
    tpu.barrier barrier_id(%barrier3A)
    %dma_start3A = arith.constant 0 : i32
    %dma_start3A_9 = arith.constant 0 : i32
    %dma_start3A_10 = arith.constant 0 : i32
    %dma_start3A_11 = tpu.memref_slice %arg7[%dma_start3A, %dma_start3A_9, %dma_start3A_10] : memref<40x2x128xi32, #tpu.memory_space<vmem>> -> memref<1x1x128xi32, #tpu.memory_space<vmem>>
    %dma_start3A_12 = tpu.memref_squeeze %dma_start3A_11 : memref<1x1x128xi32, #tpu.memory_space<vmem>> -> memref<128xi32, #tpu.memory_space<vmem>>
    %dma_start3A_13 = arith.constant 0 : i32
    %dma_start3A_14 = arith.constant 0 : i32
    %dma_start3A_15 = tpu.memref_slice %arg2[%dma_start3A_13, %dma_start3A_14] : memref<10240x64xf32, #tpu.memory_space<hbm>> -> memref<10240x64xf32, #tpu.memory_space<hbm>>
    tpu.enqueue_indirect_dma source(%dma_start3A_15 : memref<10240x64xf32, #tpu.memory_space<hbm>>) target(%arg8 : memref<128x64xf32, #tpu.memory_space<vmem>>) offsets(%dma_start3A_12 : memref<128xi32, #tpu.memory_space<vmem>>) semaphore(%arg16 : memref<!tpu.dma_semaphore, #tpu.memory_space<semaphore_mem>>)
    %dma_start3A_16 = arith.constant 1 : i32
    %dma_start3A_17 = arith.constant 0 : i32
    %dma_start3A_18 = arith.constant 0 : i32
    %dma_start3A_19 = tpu.memref_slice %arg7[%dma_start3A_16, %dma_start3A_17, %dma_start3A_18] : memref<40x2x128xi32, #tpu.memory_space<vmem>> -> memref<1x1x128xi32, #tpu.memory_space<vmem>>
    %dma_start3A_20 = tpu.memref_squeeze %dma_start3A_19 : memref<1x1x128xi32, #tpu.memory_space<vmem>> -> memref<128xi32, #tpu.memory_space<vmem>>
    %dma_start3A_21 = arith.constant 0 : i32
    %dma_start3A_22 = arith.constant 0 : i32
    %dma_start3A_23 = tpu.memref_slice %arg2[%dma_start3A_21, %dma_start3A_22] : memref<10240x64xf32, #tpu.memory_space<hbm>> -> memref<10240x64xf32, #tpu.memory_space<hbm>>
    tpu.enqueue_indirect_dma source(%dma_start3A_23 : memref<10240x64xf32, #tpu.memory_space<hbm>>) target(%arg9 : memref<128x64xf32, #tpu.memory_space<vmem>>) offsets(%dma_start3A_20 : memref<128xi32, #tpu.memory_space<vmem>>) semaphore(%arg17 : memref<!tpu.dma_semaphore, #tpu.memory_space<semaphore_mem>>)
    %dma_start3A_24 = arith.constant 2 : i32
    %dma_start3A_25 = arith.constant 0 : i32
    %dma_start3A_26 = arith.constant 0 : i32
    %dma_start3A_27 = tpu.memref_slice %arg7[%dma_start3A_24, %dma_start3A_25, %dma_start3A_26] : memref<40x2x128xi32, #tpu.memory_space<vmem>> -> memref<1x1x128xi32, #tpu.memory_space<vmem>>
    %dma_start3A_28 = tpu.memref_squeeze %dma_start3A_27 : memref<1x1x128xi32, #tpu.memory_space<vmem>> -> memref<128xi32, #tpu.memory_space<vmem>>
    %dma_start3A_29 = arith.constant 0 : i32
    %dma_start3A_30 = arith.constant 0 : i32
    %dma_start3A_31 = tpu.memref_slice %arg2[%dma_start3A_29, %dma_start3A_30] : memref<10240x64xf32, #tpu.memory_space<hbm>> -> memref<10240x64xf32, #tpu.memory_space<hbm>>
    tpu.enqueue_indirect_dma source(%dma_start3A_31 : memref<10240x64xf32, #tpu.memory_space<hbm>>) target(%arg10 : memref<128x64xf32, #tpu.memory_space<vmem>>) offsets(%dma_start3A_28 : memref<128xi32, #tpu.memory_space<vmem>>) semaphore(%arg18 : memref<!tpu.dma_semaphore, #tpu.memory_space<semaphore_mem>>)
    %dma_start3A_32 = arith.constant 3 : i32
    %dma_start3A_33 = arith.constant 0 : i32
    %dma_start3A_34 = arith.constant 0 : i32
    %dma_start3A_35 = tpu.memref_slice %arg7[%dma_start3A_32, %dma_start3A_33, %dma_start3A_34] : memref<40x2x128xi32, #tpu.memory_space<vmem>> -> memref<1x1x128xi32, #tpu.memory_space<vmem>>
    %dma_start3A_36 = tpu.memref_squeeze %dma_start3A_35 : memref<1x1x128xi32, #tpu.memory_space<vmem>> -> memref<128xi32, #tpu.memory_space<vmem>>
    %dma_start3A_37 = arith.constant 0 : i32
    %dma_start3A_38 = arith.constant 0 : i32
    %dma_start3A_39 = tpu.memref_slice %arg2[%dma_start3A_37, %dma_start3A_38] : memref<10240x64xf32, #tpu.memory_space<hbm>> -> memref<10240x64xf32, #tpu.memory_space<hbm>>
    tpu.enqueue_indirect_dma source(%dma_start3A_39 : memref<10240x64xf32, #tpu.memory_space<hbm>>) target(%arg11 : memref<128x64xf32, #tpu.memory_space<vmem>>) offsets(%dma_start3A_36 : memref<128xi32, #tpu.memory_space<vmem>>) semaphore(%arg19 : memref<!tpu.dma_semaphore, #tpu.memory_space<semaphore_mem>>)
    %scan3A = arith.constant 0 : i32
    %scan3A_40 = arith.constant 5 : i32
    %scan3A_41 = arith.addi %scan3A, %scan3A_40 : i32
    %scan3A_42 = arith.constant 1 : i32
    scf.for %scan3A_112 = %scan3A to %scan3A_41 step %scan3A_42  : i32 {
      %mul3A_113 = arith.constant 8 : i32
      %mul3A_114 = arith.muli %scan3A_112, %mul3A_113 : i32
      %add3A_115 = arith.constant 0 : i32
      %add3A_116 = arith.addi %add3A_115, %mul3A_114 : i32
      %add3A_117 = arith.constant 0 : i32
      %add3A_118 = arith.addi %add3A_116, %add3A_117 : i32
      %dma_wait3A_119 = arith.constant 0 : i32
      %dma_wait3A_120 = arith.constant 0 : i32
      %dma_wait3A_121 = tpu.memref_slice %arg7[%add3A_118, %dma_wait3A_119, %dma_wait3A_120] : memref<40x2x128xi32, #tpu.memory_space<vmem>> -> memref<1x1x128xi32, #tpu.memory_space<vmem>>
      %dma_wait3A_122 = tpu.memref_squeeze %dma_wait3A_121 : memref<1x1x128xi32, #tpu.memory_space<vmem>> -> memref<128xi32, #tpu.memory_space<vmem>>
      %dma_wait3A_123 = arith.constant 0 : i32
      %dma_wait3A_124 = arith.constant 0 : i32
      %dma_wait3A_125 = tpu.memref_slice %arg2[%dma_wait3A_123, %dma_wait3A_124] : memref<10240x64xf32, #tpu.memory_space<hbm>> -> memref<10240x64xf32, #tpu.memory_space<hbm>>
      tpu.wait_indirect_dma semaphore(%arg16 : memref<!tpu.dma_semaphore, #tpu.memory_space<semaphore_mem>>) src(%dma_wait3A_125 : memref<10240x64xf32, #tpu.memory_space<hbm>>) dst(%arg8 : memref<128x64xf32, #tpu.memory_space<vmem>>)
      %add3A_126 = arith.constant 0 : i32
      %add3A_127 = arith.addi %add3A_116, %add3A_126 : i32
      %dma_start3A_128 = arith.constant 1 : i32
      %dma_start3A_129 = arith.constant 0 : i32
      %dma_start3A_130 = tpu.memref_slice %arg7[%add3A_127, %dma_start3A_128, %dma_start3A_129] : memref<40x2x128xi32, #tpu.memory_space<vmem>> -> memref<1x1x128xi32, #tpu.memory_space<vmem>>
      %dma_start3A_131 = tpu.memref_squeeze %dma_start3A_130 : memref<1x1x128xi32, #tpu.memory_space<vmem>> -> memref<128xi32, #tpu.memory_space<vmem>>
      %dma_start3A_132 = arith.constant 0 : i32
      %dma_start3A_133 = arith.constant 0 : i32
      %dma_start3A_134 = tpu.memref_slice %arg32[%dma_start3A_132, %dma_start3A_133] : memref<10240x64xf32, #tpu.memory_space<vmem_shared>> -> memref<10240x64xf32, #tpu.memory_space<vmem_shared>>
      tpu.enqueue_indirect_dma source(%arg8 : memref<128x64xf32, #tpu.memory_space<vmem>>) target(%dma_start3A_134 : memref<10240x64xf32, #tpu.memory_space<vmem_shared>>) offsets(%dma_start3A_131 : memref<128xi32, #tpu.memory_space<vmem>>) semaphore(%arg24 : memref<!tpu.dma_semaphore, #tpu.memory_space<semaphore_mem>>) {add = true}
      %add3A_135 = arith.constant 0 : i32
      %add3A_136 = arith.addi %add3A_116, %add3A_135 : i32
      %add3A_137 = arith.constant 4 : i32
      %add3A_138 = arith.addi %add3A_136, %add3A_137 : i32
      %lt3A_139 = arith.constant 40 : i32
      %lt3A_140 = arith.cmpi slt, %add3A_138, %lt3A_139 : i32
      %convert_element_type3A_141 = arith.extui %lt3A_140 : i1 to i32
      %cond3A_142 = arith.constant 0 : i32
      %cond3A_143 = arith.cmpi ne, %convert_element_type3A_141, %cond3A_142 : i32
      scf.if %cond3A_143 {
        %add3A_333 = arith.constant 0 : i32
        %add3A_334 = arith.addi %add3A_116, %add3A_333 : i32
        %ge3A = arith.constant 4 : i32
        %ge3A_335 = arith.cmpi sge, %add3A_334, %ge3A : i32
        %convert_element_type3A_336 = arith.extui %ge3A_335 : i1 to i32
        %cond3A_337 = arith.constant 0 : i32
        %cond3A_338 = arith.cmpi ne, %convert_element_type3A_336, %cond3A_337 : i32
        scf.if %cond3A_338 {
          %add3A_350 = arith.constant 0 : i32
          %add3A_351 = arith.addi %add3A_116, %add3A_350 : i32
          %sub3A = arith.constant 4 : i32
          %sub3A_352 = arith.subi %add3A_351, %sub3A : i32
          %dma_wait3A_353 = arith.constant 1 : i32
          %dma_wait3A_354 = arith.constant 0 : i32
          %dma_wait3A_355 = tpu.memref_slice %arg7[%sub3A_352, %dma_wait3A_353, %dma_wait3A_354] : memref<40x2x128xi32, #tpu.memory_space<vmem>> -> memref<1x1x128xi32, #tpu.memory_space<vmem>>
          %dma_wait3A_356 = tpu.memref_squeeze %dma_wait3A_355 : memref<1x1x128xi32, #tpu.memory_space<vmem>> -> memref<128xi32, #tpu.memory_space<vmem>>
          %dma_wait3A_357 = arith.constant 0 : i32
          %dma_wait3A_358 = arith.constant 0 : i32
          %dma_wait3A_359 = tpu.memref_slice %arg32[%dma_wait3A_357, %dma_wait3A_358] : memref<10240x64xf32, #tpu.memory_space<vmem_shared>> -> memref<10240x64xf32, #tpu.memory_space<vmem_shared>>
          tpu.wait_indirect_dma semaphore(%arg28 : memref<!tpu.dma_semaphore, #tpu.memory_space<semaphore_mem>>) src(%arg12 : memref<128x64xf32, #tpu.memory_space<vmem>>) dst(%dma_wait3A_359 : memref<10240x64xf32, #tpu.memory_space<vmem_shared>>)
        } else {
        }
        %add3A_339 = arith.constant 0 : i32
        %add3A_340 = arith.addi %add3A_116, %add3A_339 : i32
        %add3A_341 = arith.constant 4 : i32
        %add3A_342 = arith.addi %add3A_340, %add3A_341 : i32
        %dma_start3A_343 = arith.constant 0 : i32
        %dma_start3A_344 = arith.constant 0 : i32
        %dma_start3A_345 = tpu.memref_slice %arg7[%add3A_342, %dma_start3A_343, %dma_start3A_344] : memref<40x2x128xi32, #tpu.memory_space<vmem>> -> memref<1x1x128xi32, #tpu.memory_space<vmem>>
        %dma_start3A_346 = tpu.memref_squeeze %dma_start3A_345 : memref<1x1x128xi32, #tpu.memory_space<vmem>> -> memref<128xi32, #tpu.memory_space<vmem>>
        %dma_start3A_347 = arith.constant 0 : i32
        %dma_start3A_348 = arith.constant 0 : i32
        %dma_start3A_349 = tpu.memref_slice %arg2[%dma_start3A_347, %dma_start3A_348] : memref<10240x64xf32, #tpu.memory_space<hbm>> -> memref<10240x64xf32, #tpu.memory_space<hbm>>
        tpu.enqueue_indirect_dma source(%dma_start3A_349 : memref<10240x64xf32, #tpu.memory_space<hbm>>) target(%arg12 : memref<128x64xf32, #tpu.memory_space<vmem>>) offsets(%dma_start3A_346 : memref<128xi32, #tpu.memory_space<vmem>>) semaphore(%arg20 : memref<!tpu.dma_semaphore, #tpu.memory_space<semaphore_mem>>)
      } else {
      }
      %add3A_144 = arith.constant 1 : i32
      %add3A_145 = arith.addi %add3A_116, %add3A_144 : i32
      %dma_wait3A_146 = arith.constant 0 : i32
      %dma_wait3A_147 = arith.constant 0 : i32
      %dma_wait3A_148 = tpu.memref_slice %arg7[%add3A_145, %dma_wait3A_146, %dma_wait3A_147] : memref<40x2x128xi32, #tpu.memory_space<vmem>> -> memref<1x1x128xi32, #tpu.memory_space<vmem>>
      %dma_wait3A_149 = tpu.memref_squeeze %dma_wait3A_148 : memref<1x1x128xi32, #tpu.memory_space<vmem>> -> memref<128xi32, #tpu.memory_space<vmem>>
      %dma_wait3A_150 = arith.constant 0 : i32
      %dma_wait3A_151 = arith.constant 0 : i32
      %dma_wait3A_152 = tpu.memref_slice %arg2[%dma_wait3A_150, %dma_wait3A_151] : memref<10240x64xf32, #tpu.memory_space<hbm>> -> memref<10240x64xf32, #tpu.memory_space<hbm>>
      tpu.wait_indirect_dma semaphore(%arg17 : memref<!tpu.dma_semaphore, #tpu.memory_space<semaphore_mem>>) src(%dma_wait3A_152 : memref<10240x64xf32, #tpu.memory_space<hbm>>) dst(%arg9 : memref<128x64xf32, #tpu.memory_space<vmem>>)
      %add3A_153 = arith.constant 1 : i32
      %add3A_154 = arith.addi %add3A_116, %add3A_153 : i32
      %dma_start3A_155 = arith.constant 1 : i32
      %dma_start3A_156 = arith.constant 0 : i32
      %dma_start3A_157 = tpu.memref_slice %arg7[%add3A_154, %dma_start3A_155, %dma_start3A_156] : memref<40x2x128xi32, #tpu.memory_space<vmem>> -> memref<1x1x128xi32, #tpu.memory_space<vmem>>
      %dma_start3A_158 = tpu.memref_squeeze %dma_start3A_157 : memref<1x1x128xi32, #tpu.memory_space<vmem>> -> memref<128xi32, #tpu.memory_space<vmem>>
      %dma_start3A_159 = arith.constant 0 : i32
      %dma_start3A_160 = arith.constant 0 : i32
      %dma_start3A_161 = tpu.memref_slice %arg32[%dma_start3A_159, %dma_start3A_160] : memref<10240x64xf32, #tpu.memory_space<vmem_shared>> -> memref<10240x64xf32, #tpu.memory_space<vmem_shared>>
      tpu.enqueue_indirect_dma source(%arg9 : memref<128x64xf32, #tpu.memory_space<vmem>>) target(%dma_start3A_161 : memref<10240x64xf32, #tpu.memory_space<vmem_shared>>) offsets(%dma_start3A_158 : memref<128xi32, #tpu.memory_space<vmem>>) semaphore(%arg25 : memref<!tpu.dma_semaphore, #tpu.memory_space<semaphore_mem>>) {add = true}
      %add3A_162 = arith.constant 1 : i32
      %add3A_163 = arith.addi %add3A_116, %add3A_162 : i32
      %add3A_164 = arith.constant 4 : i32
      %add3A_165 = arith.addi %add3A_163, %add3A_164 : i32
      %lt3A_166 = arith.constant 40 : i32
      %lt3A_167 = arith.cmpi slt, %add3A_165, %lt3A_166 : i32
      %convert_element_type3A_168 = arith.extui %lt3A_167 : i1 to i32
      %cond3A_169 = arith.constant 0 : i32
      %cond3A_170 = arith.cmpi ne, %convert_element_type3A_168, %cond3A_169 : i32
      scf.if %cond3A_170 {
        %add3A_333 = arith.constant 1 : i32
        %add3A_334 = arith.addi %add3A_116, %add3A_333 : i32
        %ge3A = arith.constant 4 : i32
        %ge3A_335 = arith.cmpi sge, %add3A_334, %ge3A : i32
        %convert_element_type3A_336 = arith.extui %ge3A_335 : i1 to i32
        %cond3A_337 = arith.constant 0 : i32
        %cond3A_338 = arith.cmpi ne, %convert_element_type3A_336, %cond3A_337 : i32
        scf.if %cond3A_338 {
          %add3A_350 = arith.constant 1 : i32
          %add3A_351 = arith.addi %add3A_116, %add3A_350 : i32
          %sub3A = arith.constant 4 : i32
          %sub3A_352 = arith.subi %add3A_351, %sub3A : i32
          %dma_wait3A_353 = arith.constant 1 : i32
          %dma_wait3A_354 = arith.constant 0 : i32
          %dma_wait3A_355 = tpu.memref_slice %arg7[%sub3A_352, %dma_wait3A_353, %dma_wait3A_354] : memref<40x2x128xi32, #tpu.memory_space<vmem>> -> memref<1x1x128xi32, #tpu.memory_space<vmem>>
          %dma_wait3A_356 = tpu.memref_squeeze %dma_wait3A_355 : memref<1x1x128xi32, #tpu.memory_space<vmem>> -> memref<128xi32, #tpu.memory_space<vmem>>
          %dma_wait3A_357 = arith.constant 0 : i32
          %dma_wait3A_358 = arith.constant 0 : i32
          %dma_wait3A_359 = tpu.memref_slice %arg32[%dma_wait3A_357, %dma_wait3A_358] : memref<10240x64xf32, #tpu.memory_space<vmem_shared>> -> memref<10240x64xf32, #tpu.memory_space<vmem_shared>>
          tpu.wait_indirect_dma semaphore(%arg29 : memref<!tpu.dma_semaphore, #tpu.memory_space<semaphore_mem>>) src(%arg13 : memref<128x64xf32, #tpu.memory_space<vmem>>) dst(%dma_wait3A_359 : memref<10240x64xf32, #tpu.memory_space<vmem_shared>>)
        } else {
        }
        %add3A_339 = arith.constant 1 : i32
        %add3A_340 = arith.addi %add3A_116, %add3A_339 : i32
        %add3A_341 = arith.constant 4 : i32
        %add3A_342 = arith.addi %add3A_340, %add3A_341 : i32
        %dma_start3A_343 = arith.constant 0 : i32
        %dma_start3A_344 = arith.constant 0 : i32
        %dma_start3A_345 = tpu.memref_slice %arg7[%add3A_342, %dma_start3A_343, %dma_start3A_344] : memref<40x2x128xi32, #tpu.memory_space<vmem>> -> memref<1x1x128xi32, #tpu.memory_space<vmem>>
        %dma_start3A_346 = tpu.memref_squeeze %dma_start3A_345 : memref<1x1x128xi32, #tpu.memory_space<vmem>> -> memref<128xi32, #tpu.memory_space<vmem>>
        %dma_start3A_347 = arith.constant 0 : i32
        %dma_start3A_348 = arith.constant 0 : i32
        %dma_start3A_349 = tpu.memref_slice %arg2[%dma_start3A_347, %dma_start3A_348] : memref<10240x64xf32, #tpu.memory_space<hbm>> -> memref<10240x64xf32, #tpu.memory_space<hbm>>
        tpu.enqueue_indirect_dma source(%dma_start3A_349 : memref<10240x64xf32, #tpu.memory_space<hbm>>) target(%arg13 : memref<128x64xf32, #tpu.memory_space<vmem>>) offsets(%dma_start3A_346 : memref<128xi32, #tpu.memory_space<vmem>>) semaphore(%arg21 : memref<!tpu.dma_semaphore, #tpu.memory_space<semaphore_mem>>)
      } else {
      }
      %add3A_171 = arith.constant 2 : i32
      %add3A_172 = arith.addi %add3A_116, %add3A_171 : i32
      %dma_wait3A_173 = arith.constant 0 : i32
      %dma_wait3A_174 = arith.constant 0 : i32
      %dma_wait3A_175 = tpu.memref_slice %arg7[%add3A_172, %dma_wait3A_173, %dma_wait3A_174] : memref<40x2x128xi32, #tpu.memory_space<vmem>> -> memref<1x1x128xi32, #tpu.memory_space<vmem>>
      %dma_wait3A_176 = tpu.memref_squeeze %dma_wait3A_175 : memref<1x1x128xi32, #tpu.memory_space<vmem>> -> memref<128xi32, #tpu.memory_space<vmem>>
      %dma_wait3A_177 = arith.constant 0 : i32
      %dma_wait3A_178 = arith.constant 0 : i32
      %dma_wait3A_179 = tpu.memref_slice %arg2[%dma_wait3A_177, %dma_wait3A_178] : memref<10240x64xf32, #tpu.memory_space<hbm>> -> memref<10240x64xf32, #tpu.memory_space<hbm>>
      tpu.wait_indirect_dma semaphore(%arg18 : memref<!tpu.dma_semaphore, #tpu.memory_space<semaphore_mem>>) src(%dma_wait3A_179 : memref<10240x64xf32, #tpu.memory_space<hbm>>) dst(%arg10 : memref<128x64xf32, #tpu.memory_space<vmem>>)
      %add3A_180 = arith.constant 2 : i32
      %add3A_181 = arith.addi %add3A_116, %add3A_180 : i32
      %dma_start3A_182 = arith.constant 1 : i32
      %dma_start3A_183 = arith.constant 0 : i32
      %dma_start3A_184 = tpu.memref_slice %arg7[%add3A_181, %dma_start3A_182, %dma_start3A_183] : memref<40x2x128xi32, #tpu.memory_space<vmem>> -> memref<1x1x128xi32, #tpu.memory_space<vmem>>
      %dma_start3A_185 = tpu.memref_squeeze %dma_start3A_184 : memref<1x1x128xi32, #tpu.memory_space<vmem>> -> memref<128xi32, #tpu.memory_space<vmem>>
      %dma_start3A_186 = arith.constant 0 : i32
      %dma_start3A_187 = arith.constant 0 : i32
      %dma_start3A_188 = tpu.memref_slice %arg32[%dma_start3A_186, %dma_start3A_187] : memref<10240x64xf32, #tpu.memory_space<vmem_shared>> -> memref<10240x64xf32, #tpu.memory_space<vmem_shared>>
      tpu.enqueue_indirect_dma source(%arg10 : memref<128x64xf32, #tpu.memory_space<vmem>>) target(%dma_start3A_188 : memref<10240x64xf32, #tpu.memory_space<vmem_shared>>) offsets(%dma_start3A_185 : memref<128xi32, #tpu.memory_space<vmem>>) semaphore(%arg26 : memref<!tpu.dma_semaphore, #tpu.memory_space<semaphore_mem>>) {add = true}
      %add3A_189 = arith.constant 2 : i32
      %add3A_190 = arith.addi %add3A_116, %add3A_189 : i32
      %add3A_191 = arith.constant 4 : i32
      %add3A_192 = arith.addi %add3A_190, %add3A_191 : i32
      %lt3A_193 = arith.constant 40 : i32
      %lt3A_194 = arith.cmpi slt, %add3A_192, %lt3A_193 : i32
      %convert_element_type3A_195 = arith.extui %lt3A_194 : i1 to i32
      %cond3A_196 = arith.constant 0 : i32
      %cond3A_197 = arith.cmpi ne, %convert_element_type3A_195, %cond3A_196 : i32
      scf.if %cond3A_197 {
        %add3A_333 = arith.constant 2 : i32
        %add3A_334 = arith.addi %add3A_116, %add3A_333 : i32
        %ge3A = arith.constant 4 : i32
        %ge3A_335 = arith.cmpi sge, %add3A_334, %ge3A : i32
        %convert_element_type3A_336 = arith.extui %ge3A_335 : i1 to i32
        %cond3A_337 = arith.constant 0 : i32
        %cond3A_338 = arith.cmpi ne, %convert_element_type3A_336, %cond3A_337 : i32
        scf.if %cond3A_338 {
          %add3A_350 = arith.constant 2 : i32
          %add3A_351 = arith.addi %add3A_116, %add3A_350 : i32
          %sub3A = arith.constant 4 : i32
          %sub3A_352 = arith.subi %add3A_351, %sub3A : i32
          %dma_wait3A_353 = arith.constant 1 : i32
          %dma_wait3A_354 = arith.constant 0 : i32
          %dma_wait3A_355 = tpu.memref_slice %arg7[%sub3A_352, %dma_wait3A_353, %dma_wait3A_354] : memref<40x2x128xi32, #tpu.memory_space<vmem>> -> memref<1x1x128xi32, #tpu.memory_space<vmem>>
          %dma_wait3A_356 = tpu.memref_squeeze %dma_wait3A_355 : memref<1x1x128xi32, #tpu.memory_space<vmem>> -> memref<128xi32, #tpu.memory_space<vmem>>
          %dma_wait3A_357 = arith.constant 0 : i32
          %dma_wait3A_358 = arith.constant 0 : i32
          %dma_wait3A_359 = tpu.memref_slice %arg32[%dma_wait3A_357, %dma_wait3A_358] : memref<10240x64xf32, #tpu.memory_space<vmem_shared>> -> memref<10240x64xf32, #tpu.memory_space<vmem_shared>>
          tpu.wait_indirect_dma semaphore(%arg30 : memref<!tpu.dma_semaphore, #tpu.memory_space<semaphore_mem>>) src(%arg14 : memref<128x64xf32, #tpu.memory_space<vmem>>) dst(%dma_wait3A_359 : memref<10240x64xf32, #tpu.memory_space<vmem_shared>>)
        } else {
        }
        %add3A_339 = arith.constant 2 : i32
        %add3A_340 = arith.addi %add3A_116, %add3A_339 : i32
        %add3A_341 = arith.constant 4 : i32
        %add3A_342 = arith.addi %add3A_340, %add3A_341 : i32
        %dma_start3A_343 = arith.constant 0 : i32
        %dma_start3A_344 = arith.constant 0 : i32
        %dma_start3A_345 = tpu.memref_slice %arg7[%add3A_342, %dma_start3A_343, %dma_start3A_344] : memref<40x2x128xi32, #tpu.memory_space<vmem>> -> memref<1x1x128xi32, #tpu.memory_space<vmem>>
        %dma_start3A_346 = tpu.memref_squeeze %dma_start3A_345 : memref<1x1x128xi32, #tpu.memory_space<vmem>> -> memref<128xi32, #tpu.memory_space<vmem>>
        %dma_start3A_347 = arith.constant 0 : i32
        %dma_start3A_348 = arith.constant 0 : i32
        %dma_start3A_349 = tpu.memref_slice %arg2[%dma_start3A_347, %dma_start3A_348] : memref<10240x64xf32, #tpu.memory_space<hbm>> -> memref<10240x64xf32, #tpu.memory_space<hbm>>
        tpu.enqueue_indirect_dma source(%dma_start3A_349 : memref<10240x64xf32, #tpu.memory_space<hbm>>) target(%arg14 : memref<128x64xf32, #tpu.memory_space<vmem>>) offsets(%dma_start3A_346 : memref<128xi32, #tpu.memory_space<vmem>>) semaphore(%arg22 : memref<!tpu.dma_semaphore, #tpu.memory_space<semaphore_mem>>)
      } else {
      }
      %add3A_198 = arith.constant 3 : i32
      %add3A_199 = arith.addi %add3A_116, %add3A_198 : i32
      %dma_wait3A_200 = arith.constant 0 : i32
      %dma_wait3A_201 = arith.constant 0 : i32
      %dma_wait3A_202 = tpu.memref_slice %arg7[%add3A_199, %dma_wait3A_200, %dma_wait3A_201] : memref<40x2x128xi32, #tpu.memory_space<vmem>> -> memref<1x1x128xi32, #tpu.memory_space<vmem>>
      %dma_wait3A_203 = tpu.memref_squeeze %dma_wait3A_202 : memref<1x1x128xi32, #tpu.memory_space<vmem>> -> memref<128xi32, #tpu.memory_space<vmem>>
      %dma_wait3A_204 = arith.constant 0 : i32
      %dma_wait3A_205 = arith.constant 0 : i32
      %dma_wait3A_206 = tpu.memref_slice %arg2[%dma_wait3A_204, %dma_wait3A_205] : memref<10240x64xf32, #tpu.memory_space<hbm>> -> memref<10240x64xf32, #tpu.memory_space<hbm>>
      tpu.wait_indirect_dma semaphore(%arg19 : memref<!tpu.dma_semaphore, #tpu.memory_space<semaphore_mem>>) src(%dma_wait3A_206 : memref<10240x64xf32, #tpu.memory_space<hbm>>) dst(%arg11 : memref<128x64xf32, #tpu.memory_space<vmem>>)
      %add3A_207 = arith.constant 3 : i32
      %add3A_208 = arith.addi %add3A_116, %add3A_207 : i32
      %dma_start3A_209 = arith.constant 1 : i32
      %dma_start3A_210 = arith.constant 0 : i32
      %dma_start3A_211 = tpu.memref_slice %arg7[%add3A_208, %dma_start3A_209, %dma_start3A_210] : memref<40x2x128xi32, #tpu.memory_space<vmem>> -> memref<1x1x128xi32, #tpu.memory_space<vmem>>
      %dma_start3A_212 = tpu.memref_squeeze %dma_start3A_211 : memref<1x1x128xi32, #tpu.memory_space<vmem>> -> memref<128xi32, #tpu.memory_space<vmem>>
      %dma_start3A_213 = arith.constant 0 : i32
      %dma_start3A_214 = arith.constant 0 : i32
      %dma_start3A_215 = tpu.memref_slice %arg32[%dma_start3A_213, %dma_start3A_214] : memref<10240x64xf32, #tpu.memory_space<vmem_shared>> -> memref<10240x64xf32, #tpu.memory_space<vmem_shared>>
      tpu.enqueue_indirect_dma source(%arg11 : memref<128x64xf32, #tpu.memory_space<vmem>>) target(%dma_start3A_215 : memref<10240x64xf32, #tpu.memory_space<vmem_shared>>) offsets(%dma_start3A_212 : memref<128xi32, #tpu.memory_space<vmem>>) semaphore(%arg27 : memref<!tpu.dma_semaphore, #tpu.memory_space<semaphore_mem>>) {add = true}
      %add3A_216 = arith.constant 3 : i32
      %add3A_217 = arith.addi %add3A_116, %add3A_216 : i32
      %add3A_218 = arith.constant 4 : i32
      %add3A_219 = arith.addi %add3A_217, %add3A_218 : i32
      %lt3A_220 = arith.constant 40 : i32
      %lt3A_221 = arith.cmpi slt, %add3A_219, %lt3A_220 : i32
      %convert_element_type3A_222 = arith.extui %lt3A_221 : i1 to i32
      %cond3A_223 = arith.constant 0 : i32
      %cond3A_224 = arith.cmpi ne, %convert_element_type3A_222, %cond3A_223 : i32
      scf.if %cond3A_224 {
        %add3A_333 = arith.constant 3 : i32
        %add3A_334 = arith.addi %add3A_116, %add3A_333 : i32
        %ge3A = arith.constant 4 : i32
        %ge3A_335 = arith.cmpi sge, %add3A_334, %ge3A : i32
        %convert_element_type3A_336 = arith.extui %ge3A_335 : i1 to i32
        %cond3A_337 = arith.constant 0 : i32
        %cond3A_338 = arith.cmpi ne, %convert_element_type3A_336, %cond3A_337 : i32
        scf.if %cond3A_338 {
          %add3A_350 = arith.constant 3 : i32
          %add3A_351 = arith.addi %add3A_116, %add3A_350 : i32
          %sub3A = arith.constant 4 : i32
          %sub3A_352 = arith.subi %add3A_351, %sub3A : i32
          %dma_wait3A_353 = arith.constant 1 : i32
          %dma_wait3A_354 = arith.constant 0 : i32
          %dma_wait3A_355 = tpu.memref_slice %arg7[%sub3A_352, %dma_wait3A_353, %dma_wait3A_354] : memref<40x2x128xi32, #tpu.memory_space<vmem>> -> memref<1x1x128xi32, #tpu.memory_space<vmem>>
          %dma_wait3A_356 = tpu.memref_squeeze %dma_wait3A_355 : memref<1x1x128xi32, #tpu.memory_space<vmem>> -> memref<128xi32, #tpu.memory_space<vmem>>
          %dma_wait3A_357 = arith.constant 0 : i32
          %dma_wait3A_358 = arith.constant 0 : i32
          %dma_wait3A_359 = tpu.memref_slice %arg32[%dma_wait3A_357, %dma_wait3A_358] : memref<10240x64xf32, #tpu.memory_space<vmem_shared>> -> memref<10240x64xf32, #tpu.memory_space<vmem_shared>>
          tpu.wait_indirect_dma semaphore(%arg31 : memref<!tpu.dma_semaphore, #tpu.memory_space<semaphore_mem>>) src(%arg15 : memref<128x64xf32, #tpu.memory_space<vmem>>) dst(%dma_wait3A_359 : memref<10240x64xf32, #tpu.memory_space<vmem_shared>>)
        } else {
        }
        %add3A_339 = arith.constant 3 : i32
        %add3A_340 = arith.addi %add3A_116, %add3A_339 : i32
        %add3A_341 = arith.constant 4 : i32
        %add3A_342 = arith.addi %add3A_340, %add3A_341 : i32
        %dma_start3A_343 = arith.constant 0 : i32
        %dma_start3A_344 = arith.constant 0 : i32
        %dma_start3A_345 = tpu.memref_slice %arg7[%add3A_342, %dma_start3A_343, %dma_start3A_344] : memref<40x2x128xi32, #tpu.memory_space<vmem>> -> memref<1x1x128xi32, #tpu.memory_space<vmem>>
        %dma_start3A_346 = tpu.memref_squeeze %dma_start3A_345 : memref<1x1x128xi32, #tpu.memory_space<vmem>> -> memref<128xi32, #tpu.memory_space<vmem>>
        %dma_start3A_347 = arith.constant 0 : i32
        %dma_start3A_348 = arith.constant 0 : i32
        %dma_start3A_349 = tpu.memref_slice %arg2[%dma_start3A_347, %dma_start3A_348] : memref<10240x64xf32, #tpu.memory_space<hbm>> -> memref<10240x64xf32, #tpu.memory_space<hbm>>
        tpu.enqueue_indirect_dma source(%dma_start3A_349 : memref<10240x64xf32, #tpu.memory_space<hbm>>) target(%arg15 : memref<128x64xf32, #tpu.memory_space<vmem>>) offsets(%dma_start3A_346 : memref<128xi32, #tpu.memory_space<vmem>>) semaphore(%arg23 : memref<!tpu.dma_semaphore, #tpu.memory_space<semaphore_mem>>)
      } else {
      }
      %add3A_225 = arith.constant 4 : i32
      %add3A_226 = arith.addi %add3A_116, %add3A_225 : i32
      %dma_wait3A_227 = arith.constant 0 : i32
      %dma_wait3A_228 = arith.constant 0 : i32
      %dma_wait3A_229 = tpu.memref_slice %arg7[%add3A_226, %dma_wait3A_227, %dma_wait3A_228] : memref<40x2x128xi32, #tpu.memory_space<vmem>> -> memref<1x1x128xi32, #tpu.memory_space<vmem>>
      %dma_wait3A_230 = tpu.memref_squeeze %dma_wait3A_229 : memref<1x1x128xi32, #tpu.memory_space<vmem>> -> memref<128xi32, #tpu.memory_space<vmem>>
      %dma_wait3A_231 = arith.constant 0 : i32
      %dma_wait3A_232 = arith.constant 0 : i32
      %dma_wait3A_233 = tpu.memref_slice %arg2[%dma_wait3A_231, %dma_wait3A_232] : memref<10240x64xf32, #tpu.memory_space<hbm>> -> memref<10240x64xf32, #tpu.memory_space<hbm>>
      tpu.wait_indirect_dma semaphore(%arg20 : memref<!tpu.dma_semaphore, #tpu.memory_space<semaphore_mem>>) src(%dma_wait3A_233 : memref<10240x64xf32, #tpu.memory_space<hbm>>) dst(%arg12 : memref<128x64xf32, #tpu.memory_space<vmem>>)
      %add3A_234 = arith.constant 4 : i32
      %add3A_235 = arith.addi %add3A_116, %add3A_234 : i32
      %dma_start3A_236 = arith.constant 1 : i32
      %dma_start3A_237 = arith.constant 0 : i32
      %dma_start3A_238 = tpu.memref_slice %arg7[%add3A_235, %dma_start3A_236, %dma_start3A_237] : memref<40x2x128xi32, #tpu.memory_space<vmem>> -> memref<1x1x128xi32, #tpu.memory_space<vmem>>
      %dma_start3A_239 = tpu.memref_squeeze %dma_start3A_238 : memref<1x1x128xi32, #tpu.memory_space<vmem>> -> memref<128xi32, #tpu.memory_space<vmem>>
      %dma_start3A_240 = arith.constant 0 : i32
      %dma_start3A_241 = arith.constant 0 : i32
      %dma_start3A_242 = tpu.memref_slice %arg32[%dma_start3A_240, %dma_start3A_241] : memref<10240x64xf32, #tpu.memory_space<vmem_shared>> -> memref<10240x64xf32, #tpu.memory_space<vmem_shared>>
      tpu.enqueue_indirect_dma source(%arg12 : memref<128x64xf32, #tpu.memory_space<vmem>>) target(%dma_start3A_242 : memref<10240x64xf32, #tpu.memory_space<vmem_shared>>) offsets(%dma_start3A_239 : memref<128xi32, #tpu.memory_space<vmem>>) semaphore(%arg28 : memref<!tpu.dma_semaphore, #tpu.memory_space<semaphore_mem>>) {add = true}
      %add3A_243 = arith.constant 4 : i32
      %add3A_244 = arith.addi %add3A_116, %add3A_243 : i32
      %add3A_245 = arith.constant 4 : i32
      %add3A_246 = arith.addi %add3A_244, %add3A_245 : i32
      %lt3A_247 = arith.constant 40 : i32
      %lt3A_248 = arith.cmpi slt, %add3A_246, %lt3A_247 : i32
      %convert_element_type3A_249 = arith.extui %lt3A_248 : i1 to i32
      %cond3A_250 = arith.constant 0 : i32
      %cond3A_251 = arith.cmpi ne, %convert_element_type3A_249, %cond3A_250 : i32
      scf.if %cond3A_251 {
        %add3A_333 = arith.constant 4 : i32
        %add3A_334 = arith.addi %add3A_116, %add3A_333 : i32
        %ge3A = arith.constant 4 : i32
        %ge3A_335 = arith.cmpi sge, %add3A_334, %ge3A : i32
        %convert_element_type3A_336 = arith.extui %ge3A_335 : i1 to i32
        %cond3A_337 = arith.constant 0 : i32
        %cond3A_338 = arith.cmpi ne, %convert_element_type3A_336, %cond3A_337 : i32
        scf.if %cond3A_338 {
          %add3A_350 = arith.constant 4 : i32
          %add3A_351 = arith.addi %add3A_116, %add3A_350 : i32
          %sub3A = arith.constant 4 : i32
          %sub3A_352 = arith.subi %add3A_351, %sub3A : i32
          %dma_wait3A_353 = arith.constant 1 : i32
          %dma_wait3A_354 = arith.constant 0 : i32
          %dma_wait3A_355 = tpu.memref_slice %arg7[%sub3A_352, %dma_wait3A_353, %dma_wait3A_354] : memref<40x2x128xi32, #tpu.memory_space<vmem>> -> memref<1x1x128xi32, #tpu.memory_space<vmem>>
          %dma_wait3A_356 = tpu.memref_squeeze %dma_wait3A_355 : memref<1x1x128xi32, #tpu.memory_space<vmem>> -> memref<128xi32, #tpu.memory_space<vmem>>
          %dma_wait3A_357 = arith.constant 0 : i32
          %dma_wait3A_358 = arith.constant 0 : i32
          %dma_wait3A_359 = tpu.memref_slice %arg32[%dma_wait3A_357, %dma_wait3A_358] : memref<10240x64xf32, #tpu.memory_space<vmem_shared>> -> memref<10240x64xf32, #tpu.memory_space<vmem_shared>>
          tpu.wait_indirect_dma semaphore(%arg24 : memref<!tpu.dma_semaphore, #tpu.memory_space<semaphore_mem>>) src(%arg8 : memref<128x64xf32, #tpu.memory_space<vmem>>) dst(%dma_wait3A_359 : memref<10240x64xf32, #tpu.memory_space<vmem_shared>>)
        } else {
        }
        %add3A_339 = arith.constant 4 : i32
        %add3A_340 = arith.addi %add3A_116, %add3A_339 : i32
        %add3A_341 = arith.constant 4 : i32
        %add3A_342 = arith.addi %add3A_340, %add3A_341 : i32
        %dma_start3A_343 = arith.constant 0 : i32
        %dma_start3A_344 = arith.constant 0 : i32
        %dma_start3A_345 = tpu.memref_slice %arg7[%add3A_342, %dma_start3A_343, %dma_start3A_344] : memref<40x2x128xi32, #tpu.memory_space<vmem>> -> memref<1x1x128xi32, #tpu.memory_space<vmem>>
        %dma_start3A_346 = tpu.memref_squeeze %dma_start3A_345 : memref<1x1x128xi32, #tpu.memory_space<vmem>> -> memref<128xi32, #tpu.memory_space<vmem>>
        %dma_start3A_347 = arith.constant 0 : i32
        %dma_start3A_348 = arith.constant 0 : i32
        %dma_start3A_349 = tpu.memref_slice %arg2[%dma_start3A_347, %dma_start3A_348] : memref<10240x64xf32, #tpu.memory_space<hbm>> -> memref<10240x64xf32, #tpu.memory_space<hbm>>
        tpu.enqueue_indirect_dma source(%dma_start3A_349 : memref<10240x64xf32, #tpu.memory_space<hbm>>) target(%arg8 : memref<128x64xf32, #tpu.memory_space<vmem>>) offsets(%dma_start3A_346 : memref<128xi32, #tpu.memory_space<vmem>>) semaphore(%arg16 : memref<!tpu.dma_semaphore, #tpu.memory_space<semaphore_mem>>)
      } else {
      }
      %add3A_252 = arith.constant 5 : i32
      %add3A_253 = arith.addi %add3A_116, %add3A_252 : i32
      %dma_wait3A_254 = arith.constant 0 : i32
      %dma_wait3A_255 = arith.constant 0 : i32
      %dma_wait3A_256 = tpu.memref_slice %arg7[%add3A_253, %dma_wait3A_254, %dma_wait3A_255] : memref<40x2x128xi32, #tpu.memory_space<vmem>> -> memref<1x1x128xi32, #tpu.memory_space<vmem>>
      %dma_wait3A_257 = tpu.memref_squeeze %dma_wait3A_256 : memref<1x1x128xi32, #tpu.memory_space<vmem>> -> memref<128xi32, #tpu.memory_space<vmem>>
      %dma_wait3A_258 = arith.constant 0 : i32
      %dma_wait3A_259 = arith.constant 0 : i32
      %dma_wait3A_260 = tpu.memref_slice %arg2[%dma_wait3A_258, %dma_wait3A_259] : memref<10240x64xf32, #tpu.memory_space<hbm>> -> memref<10240x64xf32, #tpu.memory_space<hbm>>
      tpu.wait_indirect_dma semaphore(%arg21 : memref<!tpu.dma_semaphore, #tpu.memory_space<semaphore_mem>>) src(%dma_wait3A_260 : memref<10240x64xf32, #tpu.memory_space<hbm>>) dst(%arg13 : memref<128x64xf32, #tpu.memory_space<vmem>>)
      %add3A_261 = arith.constant 5 : i32
      %add3A_262 = arith.addi %add3A_116, %add3A_261 : i32
      %dma_start3A_263 = arith.constant 1 : i32
      %dma_start3A_264 = arith.constant 0 : i32
      %dma_start3A_265 = tpu.memref_slice %arg7[%add3A_262, %dma_start3A_263, %dma_start3A_264] : memref<40x2x128xi32, #tpu.memory_space<vmem>> -> memref<1x1x128xi32, #tpu.memory_space<vmem>>
      %dma_start3A_266 = tpu.memref_squeeze %dma_start3A_265 : memref<1x1x128xi32, #tpu.memory_space<vmem>> -> memref<128xi32, #tpu.memory_space<vmem>>
      %dma_start3A_267 = arith.constant 0 : i32
      %dma_start3A_268 = arith.constant 0 : i32
      %dma_start3A_269 = tpu.memref_slice %arg32[%dma_start3A_267, %dma_start3A_268] : memref<10240x64xf32, #tpu.memory_space<vmem_shared>> -> memref<10240x64xf32, #tpu.memory_space<vmem_shared>>
      tpu.enqueue_indirect_dma source(%arg13 : memref<128x64xf32, #tpu.memory_space<vmem>>) target(%dma_start3A_269 : memref<10240x64xf32, #tpu.memory_space<vmem_shared>>) offsets(%dma_start3A_266 : memref<128xi32, #tpu.memory_space<vmem>>) semaphore(%arg29 : memref<!tpu.dma_semaphore, #tpu.memory_space<semaphore_mem>>) {add = true}
      %add3A_270 = arith.constant 5 : i32
      %add3A_271 = arith.addi %add3A_116, %add3A_270 : i32
      %add3A_272 = arith.constant 4 : i32
      %add3A_273 = arith.addi %add3A_271, %add3A_272 : i32
      %lt3A_274 = arith.constant 40 : i32
      %lt3A_275 = arith.cmpi slt, %add3A_273, %lt3A_274 : i32
      %convert_element_type3A_276 = arith.extui %lt3A_275 : i1 to i32
      %cond3A_277 = arith.constant 0 : i32
      %cond3A_278 = arith.cmpi ne, %convert_element_type3A_276, %cond3A_277 : i32
      scf.if %cond3A_278 {
        %add3A_333 = arith.constant 5 : i32
        %add3A_334 = arith.addi %add3A_116, %add3A_333 : i32
        %ge3A = arith.constant 4 : i32
        %ge3A_335 = arith.cmpi sge, %add3A_334, %ge3A : i32
        %convert_element_type3A_336 = arith.extui %ge3A_335 : i1 to i32
        %cond3A_337 = arith.constant 0 : i32
        %cond3A_338 = arith.cmpi ne, %convert_element_type3A_336, %cond3A_337 : i32
        scf.if %cond3A_338 {
          %add3A_350 = arith.constant 5 : i32
          %add3A_351 = arith.addi %add3A_116, %add3A_350 : i32
          %sub3A = arith.constant 4 : i32
          %sub3A_352 = arith.subi %add3A_351, %sub3A : i32
          %dma_wait3A_353 = arith.constant 1 : i32
          %dma_wait3A_354 = arith.constant 0 : i32
          %dma_wait3A_355 = tpu.memref_slice %arg7[%sub3A_352, %dma_wait3A_353, %dma_wait3A_354] : memref<40x2x128xi32, #tpu.memory_space<vmem>> -> memref<1x1x128xi32, #tpu.memory_space<vmem>>
          %dma_wait3A_356 = tpu.memref_squeeze %dma_wait3A_355 : memref<1x1x128xi32, #tpu.memory_space<vmem>> -> memref<128xi32, #tpu.memory_space<vmem>>
          %dma_wait3A_357 = arith.constant 0 : i32
          %dma_wait3A_358 = arith.constant 0 : i32
          %dma_wait3A_359 = tpu.memref_slice %arg32[%dma_wait3A_357, %dma_wait3A_358] : memref<10240x64xf32, #tpu.memory_space<vmem_shared>> -> memref<10240x64xf32, #tpu.memory_space<vmem_shared>>
          tpu.wait_indirect_dma semaphore(%arg25 : memref<!tpu.dma_semaphore, #tpu.memory_space<semaphore_mem>>) src(%arg9 : memref<128x64xf32, #tpu.memory_space<vmem>>) dst(%dma_wait3A_359 : memref<10240x64xf32, #tpu.memory_space<vmem_shared>>)
        } else {
        }
        %add3A_339 = arith.constant 5 : i32
        %add3A_340 = arith.addi %add3A_116, %add3A_339 : i32
        %add3A_341 = arith.constant 4 : i32
        %add3A_342 = arith.addi %add3A_340, %add3A_341 : i32
        %dma_start3A_343 = arith.constant 0 : i32
        %dma_start3A_344 = arith.constant 0 : i32
        %dma_start3A_345 = tpu.memref_slice %arg7[%add3A_342, %dma_start3A_343, %dma_start3A_344] : memref<40x2x128xi32, #tpu.memory_space<vmem>> -> memref<1x1x128xi32, #tpu.memory_space<vmem>>
        %dma_start3A_346 = tpu.memref_squeeze %dma_start3A_345 : memref<1x1x128xi32, #tpu.memory_space<vmem>> -> memref<128xi32, #tpu.memory_space<vmem>>
        %dma_start3A_347 = arith.constant 0 : i32
        %dma_start3A_348 = arith.constant 0 : i32
        %dma_start3A_349 = tpu.memref_slice %arg2[%dma_start3A_347, %dma_start3A_348] : memref<10240x64xf32, #tpu.memory_space<hbm>> -> memref<10240x64xf32, #tpu.memory_space<hbm>>
        tpu.enqueue_indirect_dma source(%dma_start3A_349 : memref<10240x64xf32, #tpu.memory_space<hbm>>) target(%arg9 : memref<128x64xf32, #tpu.memory_space<vmem>>) offsets(%dma_start3A_346 : memref<128xi32, #tpu.memory_space<vmem>>) semaphore(%arg17 : memref<!tpu.dma_semaphore, #tpu.memory_space<semaphore_mem>>)
      } else {
      }
      %add3A_279 = arith.constant 6 : i32
      %add3A_280 = arith.addi %add3A_116, %add3A_279 : i32
      %dma_wait3A_281 = arith.constant 0 : i32
      %dma_wait3A_282 = arith.constant 0 : i32
      %dma_wait3A_283 = tpu.memref_slice %arg7[%add3A_280, %dma_wait3A_281, %dma_wait3A_282] : memref<40x2x128xi32, #tpu.memory_space<vmem>> -> memref<1x1x128xi32, #tpu.memory_space<vmem>>
      %dma_wait3A_284 = tpu.memref_squeeze %dma_wait3A_283 : memref<1x1x128xi32, #tpu.memory_space<vmem>> -> memref<128xi32, #tpu.memory_space<vmem>>
      %dma_wait3A_285 = arith.constant 0 : i32
      %dma_wait3A_286 = arith.constant 0 : i32
      %dma_wait3A_287 = tpu.memref_slice %arg2[%dma_wait3A_285, %dma_wait3A_286] : memref<10240x64xf32, #tpu.memory_space<hbm>> -> memref<10240x64xf32, #tpu.memory_space<hbm>>
      tpu.wait_indirect_dma semaphore(%arg22 : memref<!tpu.dma_semaphore, #tpu.memory_space<semaphore_mem>>) src(%dma_wait3A_287 : memref<10240x64xf32, #tpu.memory_space<hbm>>) dst(%arg14 : memref<128x64xf32, #tpu.memory_space<vmem>>)
      %add3A_288 = arith.constant 6 : i32
      %add3A_289 = arith.addi %add3A_116, %add3A_288 : i32
      %dma_start3A_290 = arith.constant 1 : i32
      %dma_start3A_291 = arith.constant 0 : i32
      %dma_start3A_292 = tpu.memref_slice %arg7[%add3A_289, %dma_start3A_290, %dma_start3A_291] : memref<40x2x128xi32, #tpu.memory_space<vmem>> -> memref<1x1x128xi32, #tpu.memory_space<vmem>>
      %dma_start3A_293 = tpu.memref_squeeze %dma_start3A_292 : memref<1x1x128xi32, #tpu.memory_space<vmem>> -> memref<128xi32, #tpu.memory_space<vmem>>
      %dma_start3A_294 = arith.constant 0 : i32
      %dma_start3A_295 = arith.constant 0 : i32
      %dma_start3A_296 = tpu.memref_slice %arg32[%dma_start3A_294, %dma_start3A_295] : memref<10240x64xf32, #tpu.memory_space<vmem_shared>> -> memref<10240x64xf32, #tpu.memory_space<vmem_shared>>
      tpu.enqueue_indirect_dma source(%arg14 : memref<128x64xf32, #tpu.memory_space<vmem>>) target(%dma_start3A_296 : memref<10240x64xf32, #tpu.memory_space<vmem_shared>>) offsets(%dma_start3A_293 : memref<128xi32, #tpu.memory_space<vmem>>) semaphore(%arg30 : memref<!tpu.dma_semaphore, #tpu.memory_space<semaphore_mem>>) {add = true}
      %add3A_297 = arith.constant 6 : i32
      %add3A_298 = arith.addi %add3A_116, %add3A_297 : i32
      %add3A_299 = arith.constant 4 : i32
      %add3A_300 = arith.addi %add3A_298, %add3A_299 : i32
      %lt3A_301 = arith.constant 40 : i32
      %lt3A_302 = arith.cmpi slt, %add3A_300, %lt3A_301 : i32
      %convert_element_type3A_303 = arith.extui %lt3A_302 : i1 to i32
      %cond3A_304 = arith.constant 0 : i32
      %cond3A_305 = arith.cmpi ne, %convert_element_type3A_303, %cond3A_304 : i32
      scf.if %cond3A_305 {
        %add3A_333 = arith.constant 6 : i32
        %add3A_334 = arith.addi %add3A_116, %add3A_333 : i32
        %ge3A = arith.constant 4 : i32
        %ge3A_335 = arith.cmpi sge, %add3A_334, %ge3A : i32
        %convert_element_type3A_336 = arith.extui %ge3A_335 : i1 to i32
        %cond3A_337 = arith.constant 0 : i32
        %cond3A_338 = arith.cmpi ne, %convert_element_type3A_336, %cond3A_337 : i32
        scf.if %cond3A_338 {
          %add3A_350 = arith.constant 6 : i32
          %add3A_351 = arith.addi %add3A_116, %add3A_350 : i32
          %sub3A = arith.constant 4 : i32
          %sub3A_352 = arith.subi %add3A_351, %sub3A : i32
          %dma_wait3A_353 = arith.constant 1 : i32
          %dma_wait3A_354 = arith.constant 0 : i32
          %dma_wait3A_355 = tpu.memref_slice %arg7[%sub3A_352, %dma_wait3A_353, %dma_wait3A_354] : memref<40x2x128xi32, #tpu.memory_space<vmem>> -> memref<1x1x128xi32, #tpu.memory_space<vmem>>
          %dma_wait3A_356 = tpu.memref_squeeze %dma_wait3A_355 : memref<1x1x128xi32, #tpu.memory_space<vmem>> -> memref<128xi32, #tpu.memory_space<vmem>>
          %dma_wait3A_357 = arith.constant 0 : i32
          %dma_wait3A_358 = arith.constant 0 : i32
          %dma_wait3A_359 = tpu.memref_slice %arg32[%dma_wait3A_357, %dma_wait3A_358] : memref<10240x64xf32, #tpu.memory_space<vmem_shared>> -> memref<10240x64xf32, #tpu.memory_space<vmem_shared>>
          tpu.wait_indirect_dma semaphore(%arg26 : memref<!tpu.dma_semaphore, #tpu.memory_space<semaphore_mem>>) src(%arg10 : memref<128x64xf32, #tpu.memory_space<vmem>>) dst(%dma_wait3A_359 : memref<10240x64xf32, #tpu.memory_space<vmem_shared>>)
        } else {
        }
        %add3A_339 = arith.constant 6 : i32
        %add3A_340 = arith.addi %add3A_116, %add3A_339 : i32
        %add3A_341 = arith.constant 4 : i32
        %add3A_342 = arith.addi %add3A_340, %add3A_341 : i32
        %dma_start3A_343 = arith.constant 0 : i32
        %dma_start3A_344 = arith.constant 0 : i32
        %dma_start3A_345 = tpu.memref_slice %arg7[%add3A_342, %dma_start3A_343, %dma_start3A_344] : memref<40x2x128xi32, #tpu.memory_space<vmem>> -> memref<1x1x128xi32, #tpu.memory_space<vmem>>
        %dma_start3A_346 = tpu.memref_squeeze %dma_start3A_345 : memref<1x1x128xi32, #tpu.memory_space<vmem>> -> memref<128xi32, #tpu.memory_space<vmem>>
        %dma_start3A_347 = arith.constant 0 : i32
        %dma_start3A_348 = arith.constant 0 : i32
        %dma_start3A_349 = tpu.memref_slice %arg2[%dma_start3A_347, %dma_start3A_348] : memref<10240x64xf32, #tpu.memory_space<hbm>> -> memref<10240x64xf32, #tpu.memory_space<hbm>>
        tpu.enqueue_indirect_dma source(%dma_start3A_349 : memref<10240x64xf32, #tpu.memory_space<hbm>>) target(%arg10 : memref<128x64xf32, #tpu.memory_space<vmem>>) offsets(%dma_start3A_346 : memref<128xi32, #tpu.memory_space<vmem>>) semaphore(%arg18 : memref<!tpu.dma_semaphore, #tpu.memory_space<semaphore_mem>>)
      } else {
      }
      %add3A_306 = arith.constant 7 : i32
      %add3A_307 = arith.addi %add3A_116, %add3A_306 : i32
      %dma_wait3A_308 = arith.constant 0 : i32
      %dma_wait3A_309 = arith.constant 0 : i32
      %dma_wait3A_310 = tpu.memref_slice %arg7[%add3A_307, %dma_wait3A_308, %dma_wait3A_309] : memref<40x2x128xi32, #tpu.memory_space<vmem>> -> memref<1x1x128xi32, #tpu.memory_space<vmem>>
      %dma_wait3A_311 = tpu.memref_squeeze %dma_wait3A_310 : memref<1x1x128xi32, #tpu.memory_space<vmem>> -> memref<128xi32, #tpu.memory_space<vmem>>
      %dma_wait3A_312 = arith.constant 0 : i32
      %dma_wait3A_313 = arith.constant 0 : i32
      %dma_wait3A_314 = tpu.memref_slice %arg2[%dma_wait3A_312, %dma_wait3A_313] : memref<10240x64xf32, #tpu.memory_space<hbm>> -> memref<10240x64xf32, #tpu.memory_space<hbm>>
      tpu.wait_indirect_dma semaphore(%arg23 : memref<!tpu.dma_semaphore, #tpu.memory_space<semaphore_mem>>) src(%dma_wait3A_314 : memref<10240x64xf32, #tpu.memory_space<hbm>>) dst(%arg15 : memref<128x64xf32, #tpu.memory_space<vmem>>)
      %add3A_315 = arith.constant 7 : i32
      %add3A_316 = arith.addi %add3A_116, %add3A_315 : i32
      %dma_start3A_317 = arith.constant 1 : i32
      %dma_start3A_318 = arith.constant 0 : i32
      %dma_start3A_319 = tpu.memref_slice %arg7[%add3A_316, %dma_start3A_317, %dma_start3A_318] : memref<40x2x128xi32, #tpu.memory_space<vmem>> -> memref<1x1x128xi32, #tpu.memory_space<vmem>>
      %dma_start3A_320 = tpu.memref_squeeze %dma_start3A_319 : memref<1x1x128xi32, #tpu.memory_space<vmem>> -> memref<128xi32, #tpu.memory_space<vmem>>
      %dma_start3A_321 = arith.constant 0 : i32
      %dma_start3A_322 = arith.constant 0 : i32
      %dma_start3A_323 = tpu.memref_slice %arg32[%dma_start3A_321, %dma_start3A_322] : memref<10240x64xf32, #tpu.memory_space<vmem_shared>> -> memref<10240x64xf32, #tpu.memory_space<vmem_shared>>
      tpu.enqueue_indirect_dma source(%arg15 : memref<128x64xf32, #tpu.memory_space<vmem>>) target(%dma_start3A_323 : memref<10240x64xf32, #tpu.memory_space<vmem_shared>>) offsets(%dma_start3A_320 : memref<128xi32, #tpu.memory_space<vmem>>) semaphore(%arg31 : memref<!tpu.dma_semaphore, #tpu.memory_space<semaphore_mem>>) {add = true}
      %add3A_324 = arith.constant 7 : i32
      %add3A_325 = arith.addi %add3A_116, %add3A_324 : i32
      %add3A_326 = arith.constant 4 : i32
      %add3A_327 = arith.addi %add3A_325, %add3A_326 : i32
      %lt3A_328 = arith.constant 40 : i32
      %lt3A_329 = arith.cmpi slt, %add3A_327, %lt3A_328 : i32
      %convert_element_type3A_330 = arith.extui %lt3A_329 : i1 to i32
      %cond3A_331 = arith.constant 0 : i32
      %cond3A_332 = arith.cmpi ne, %convert_element_type3A_330, %cond3A_331 : i32
      scf.if %cond3A_332 {
        %add3A_333 = arith.constant 7 : i32
        %add3A_334 = arith.addi %add3A_116, %add3A_333 : i32
        %ge3A = arith.constant 4 : i32
        %ge3A_335 = arith.cmpi sge, %add3A_334, %ge3A : i32
        %convert_element_type3A_336 = arith.extui %ge3A_335 : i1 to i32
        %cond3A_337 = arith.constant 0 : i32
        %cond3A_338 = arith.cmpi ne, %convert_element_type3A_336, %cond3A_337 : i32
        scf.if %cond3A_338 {
          %add3A_350 = arith.constant 7 : i32
          %add3A_351 = arith.addi %add3A_116, %add3A_350 : i32
          %sub3A = arith.constant 4 : i32
          %sub3A_352 = arith.subi %add3A_351, %sub3A : i32
          %dma_wait3A_353 = arith.constant 1 : i32
          %dma_wait3A_354 = arith.constant 0 : i32
          %dma_wait3A_355 = tpu.memref_slice %arg7[%sub3A_352, %dma_wait3A_353, %dma_wait3A_354] : memref<40x2x128xi32, #tpu.memory_space<vmem>> -> memref<1x1x128xi32, #tpu.memory_space<vmem>>
          %dma_wait3A_356 = tpu.memref_squeeze %dma_wait3A_355 : memref<1x1x128xi32, #tpu.memory_space<vmem>> -> memref<128xi32, #tpu.memory_space<vmem>>
          %dma_wait3A_357 = arith.constant 0 : i32
          %dma_wait3A_358 = arith.constant 0 : i32
          %dma_wait3A_359 = tpu.memref_slice %arg32[%dma_wait3A_357, %dma_wait3A_358] : memref<10240x64xf32, #tpu.memory_space<vmem_shared>> -> memref<10240x64xf32, #tpu.memory_space<vmem_shared>>
          tpu.wait_indirect_dma semaphore(%arg27 : memref<!tpu.dma_semaphore, #tpu.memory_space<semaphore_mem>>) src(%arg11 : memref<128x64xf32, #tpu.memory_space<vmem>>) dst(%dma_wait3A_359 : memref<10240x64xf32, #tpu.memory_space<vmem_shared>>)
        } else {
        }
        %add3A_339 = arith.constant 7 : i32
        %add3A_340 = arith.addi %add3A_116, %add3A_339 : i32
        %add3A_341 = arith.constant 4 : i32
        %add3A_342 = arith.addi %add3A_340, %add3A_341 : i32
        %dma_start3A_343 = arith.constant 0 : i32
        %dma_start3A_344 = arith.constant 0 : i32
        %dma_start3A_345 = tpu.memref_slice %arg7[%add3A_342, %dma_start3A_343, %dma_start3A_344] : memref<40x2x128xi32, #tpu.memory_space<vmem>> -> memref<1x1x128xi32, #tpu.memory_space<vmem>>
        %dma_start3A_346 = tpu.memref_squeeze %dma_start3A_345 : memref<1x1x128xi32, #tpu.memory_space<vmem>> -> memref<128xi32, #tpu.memory_space<vmem>>
        %dma_start3A_347 = arith.constant 0 : i32
        %dma_start3A_348 = arith.constant 0 : i32
        %dma_start3A_349 = tpu.memref_slice %arg2[%dma_start3A_347, %dma_start3A_348] : memref<10240x64xf32, #tpu.memory_space<hbm>> -> memref<10240x64xf32, #tpu.memory_space<hbm>>
        tpu.enqueue_indirect_dma source(%dma_start3A_349 : memref<10240x64xf32, #tpu.memory_space<hbm>>) target(%arg11 : memref<128x64xf32, #tpu.memory_space<vmem>>) offsets(%dma_start3A_346 : memref<128xi32, #tpu.memory_space<vmem>>) semaphore(%arg19 : memref<!tpu.dma_semaphore, #tpu.memory_space<semaphore_mem>>)
      } else {
      }
    }
    %scan3A_43 = arith.constant 5 : i32
    %dma_wait3A = arith.constant 32 : i32
    %dma_wait3A_44 = arith.constant 1 : i32
    %dma_wait3A_45 = arith.constant 0 : i32
    %dma_wait3A_46 = tpu.memref_slice %arg7[%dma_wait3A, %dma_wait3A_44, %dma_wait3A_45] : memref<40x2x128xi32, #tpu.memory_space<vmem>> -> memref<1x1x128xi32, #tpu.memory_space<vmem>>
    %dma_wait3A_47 = tpu.memref_squeeze %dma_wait3A_46 : memref<1x1x128xi32, #tpu.memory_space<vmem>> -> memref<128xi32, #tpu.memory_space<vmem>>
    %dma_wait3A_48 = arith.constant 0 : i32
    %dma_wait3A_49 = arith.constant 0 : i32
    %dma_wait3A_50 = tpu.memref_slice %arg32[%dma_wait3A_48, %dma_wait3A_49] : memref<10240x64xf32, #tpu.memory_space<vmem_shared>> -> memref<10240x64xf32, #tpu.memory_space<vmem_shared>>
    tpu.wait_indirect_dma semaphore(%arg24 : memref<!tpu.dma_semaphore, #tpu.memory_space<semaphore_mem>>) src(%arg8 : memref<128x64xf32, #tpu.memory_space<vmem>>) dst(%dma_wait3A_50 : memref<10240x64xf32, #tpu.memory_space<vmem_shared>>)
    %dma_wait3A_51 = arith.constant 33 : i32
    %dma_wait3A_52 = arith.constant 1 : i32
    %dma_wait3A_53 = arith.constant 0 : i32
    %dma_wait3A_54 = tpu.memref_slice %arg7[%dma_wait3A_51, %dma_wait3A_52, %dma_wait3A_53] : memref<40x2x128xi32, #tpu.memory_space<vmem>> -> memref<1x1x128xi32, #tpu.memory_space<vmem>>
    %dma_wait3A_55 = tpu.memref_squeeze %dma_wait3A_54 : memref<1x1x128xi32, #tpu.memory_space<vmem>> -> memref<128xi32, #tpu.memory_space<vmem>>
    %dma_wait3A_56 = arith.constant 0 : i32
    %dma_wait3A_57 = arith.constant 0 : i32
    %dma_wait3A_58 = tpu.memref_slice %arg32[%dma_wait3A_56, %dma_wait3A_57] : memref<10240x64xf32, #tpu.memory_space<vmem_shared>> -> memref<10240x64xf32, #tpu.memory_space<vmem_shared>>
    tpu.wait_indirect_dma semaphore(%arg25 : memref<!tpu.dma_semaphore, #tpu.memory_space<semaphore_mem>>) src(%arg9 : memref<128x64xf32, #tpu.memory_space<vmem>>) dst(%dma_wait3A_58 : memref<10240x64xf32, #tpu.memory_space<vmem_shared>>)
    %dma_wait3A_59 = arith.constant 34 : i32
    %dma_wait3A_60 = arith.constant 1 : i32
    %dma_wait3A_61 = arith.constant 0 : i32
    %dma_wait3A_62 = tpu.memref_slice %arg7[%dma_wait3A_59, %dma_wait3A_60, %dma_wait3A_61] : memref<40x2x128xi32, #tpu.memory_space<vmem>> -> memref<1x1x128xi32, #tpu.memory_space<vmem>>
    %dma_wait3A_63 = tpu.memref_squeeze %dma_wait3A_62 : memref<1x1x128xi32, #tpu.memory_space<vmem>> -> memref<128xi32, #tpu.memory_space<vmem>>
    %dma_wait3A_64 = arith.constant 0 : i32
    %dma_wait3A_65 = arith.constant 0 : i32
    %dma_wait3A_66 = tpu.memref_slice %arg32[%dma_wait3A_64, %dma_wait3A_65] : memref<10240x64xf32, #tpu.memory_space<vmem_shared>> -> memref<10240x64xf32, #tpu.memory_space<vmem_shared>>
    tpu.wait_indirect_dma semaphore(%arg26 : memref<!tpu.dma_semaphore, #tpu.memory_space<semaphore_mem>>) src(%arg10 : memref<128x64xf32, #tpu.memory_space<vmem>>) dst(%dma_wait3A_66 : memref<10240x64xf32, #tpu.memory_space<vmem_shared>>)
    %dma_wait3A_67 = arith.constant 35 : i32
    %dma_wait3A_68 = arith.constant 1 : i32
    %dma_wait3A_69 = arith.constant 0 : i32
    %dma_wait3A_70 = tpu.memref_slice %arg7[%dma_wait3A_67, %dma_wait3A_68, %dma_wait3A_69] : memref<40x2x128xi32, #tpu.memory_space<vmem>> -> memref<1x1x128xi32, #tpu.memory_space<vmem>>
    %dma_wait3A_71 = tpu.memref_squeeze %dma_wait3A_70 : memref<1x1x128xi32, #tpu.memory_space<vmem>> -> memref<128xi32, #tpu.memory_space<vmem>>
    %dma_wait3A_72 = arith.constant 0 : i32
    %dma_wait3A_73 = arith.constant 0 : i32
    %dma_wait3A_74 = tpu.memref_slice %arg32[%dma_wait3A_72, %dma_wait3A_73] : memref<10240x64xf32, #tpu.memory_space<vmem_shared>> -> memref<10240x64xf32, #tpu.memory_space<vmem_shared>>
    tpu.wait_indirect_dma semaphore(%arg27 : memref<!tpu.dma_semaphore, #tpu.memory_space<semaphore_mem>>) src(%arg11 : memref<128x64xf32, #tpu.memory_space<vmem>>) dst(%dma_wait3A_74 : memref<10240x64xf32, #tpu.memory_space<vmem_shared>>)
    %dma_wait3A_75 = arith.constant 36 : i32
    %dma_wait3A_76 = arith.constant 1 : i32
    %dma_wait3A_77 = arith.constant 0 : i32
    %dma_wait3A_78 = tpu.memref_slice %arg7[%dma_wait3A_75, %dma_wait3A_76, %dma_wait3A_77] : memref<40x2x128xi32, #tpu.memory_space<vmem>> -> memref<1x1x128xi32, #tpu.memory_space<vmem>>
    %dma_wait3A_79 = tpu.memref_squeeze %dma_wait3A_78 : memref<1x1x128xi32, #tpu.memory_space<vmem>> -> memref<128xi32, #tpu.memory_space<vmem>>
    %dma_wait3A_80 = arith.constant 0 : i32
    %dma_wait3A_81 = arith.constant 0 : i32
    %dma_wait3A_82 = tpu.memref_slice %arg32[%dma_wait3A_80, %dma_wait3A_81] : memref<10240x64xf32, #tpu.memory_space<vmem_shared>> -> memref<10240x64xf32, #tpu.memory_space<vmem_shared>>
    tpu.wait_indirect_dma semaphore(%arg28 : memref<!tpu.dma_semaphore, #tpu.memory_space<semaphore_mem>>) src(%arg12 : memref<128x64xf32, #tpu.memory_space<vmem>>) dst(%dma_wait3A_82 : memref<10240x64xf32, #tpu.memory_space<vmem_shared>>)
    %dma_wait3A_83 = arith.constant 37 : i32
    %dma_wait3A_84 = arith.constant 1 : i32
    %dma_wait3A_85 = arith.constant 0 : i32
    %dma_wait3A_86 = tpu.memref_slice %arg7[%dma_wait3A_83, %dma_wait3A_84, %dma_wait3A_85] : memref<40x2x128xi32, #tpu.memory_space<vmem>> -> memref<1x1x128xi32, #tpu.memory_space<vmem>>
    %dma_wait3A_87 = tpu.memref_squeeze %dma_wait3A_86 : memref<1x1x128xi32, #tpu.memory_space<vmem>> -> memref<128xi32, #tpu.memory_space<vmem>>
    %dma_wait3A_88 = arith.constant 0 : i32
    %dma_wait3A_89 = arith.constant 0 : i32
    %dma_wait3A_90 = tpu.memref_slice %arg32[%dma_wait3A_88, %dma_wait3A_89] : memref<10240x64xf32, #tpu.memory_space<vmem_shared>> -> memref<10240x64xf32, #tpu.memory_space<vmem_shared>>
    tpu.wait_indirect_dma semaphore(%arg29 : memref<!tpu.dma_semaphore, #tpu.memory_space<semaphore_mem>>) src(%arg13 : memref<128x64xf32, #tpu.memory_space<vmem>>) dst(%dma_wait3A_90 : memref<10240x64xf32, #tpu.memory_space<vmem_shared>>)
    %dma_wait3A_91 = arith.constant 38 : i32
    %dma_wait3A_92 = arith.constant 1 : i32
    %dma_wait3A_93 = arith.constant 0 : i32
    %dma_wait3A_94 = tpu.memref_slice %arg7[%dma_wait3A_91, %dma_wait3A_92, %dma_wait3A_93] : memref<40x2x128xi32, #tpu.memory_space<vmem>> -> memref<1x1x128xi32, #tpu.memory_space<vmem>>
    %dma_wait3A_95 = tpu.memref_squeeze %dma_wait3A_94 : memref<1x1x128xi32, #tpu.memory_space<vmem>> -> memref<128xi32, #tpu.memory_space<vmem>>
    %dma_wait3A_96 = arith.constant 0 : i32
    %dma_wait3A_97 = arith.constant 0 : i32
    %dma_wait3A_98 = tpu.memref_slice %arg32[%dma_wait3A_96, %dma_wait3A_97] : memref<10240x64xf32, #tpu.memory_space<vmem_shared>> -> memref<10240x64xf32, #tpu.memory_space<vmem_shared>>
    tpu.wait_indirect_dma semaphore(%arg30 : memref<!tpu.dma_semaphore, #tpu.memory_space<semaphore_mem>>) src(%arg14 : memref<128x64xf32, #tpu.memory_space<vmem>>) dst(%dma_wait3A_98 : memref<10240x64xf32, #tpu.memory_space<vmem_shared>>)
    %dma_wait3A_99 = arith.constant 39 : i32
    %dma_wait3A_100 = arith.constant 1 : i32
    %dma_wait3A_101 = arith.constant 0 : i32
    %dma_wait3A_102 = tpu.memref_slice %arg7[%dma_wait3A_99, %dma_wait3A_100, %dma_wait3A_101] : memref<40x2x128xi32, #tpu.memory_space<vmem>> -> memref<1x1x128xi32, #tpu.memory_space<vmem>>
    %dma_wait3A_103 = tpu.memref_squeeze %dma_wait3A_102 : memref<1x1x128xi32, #tpu.memory_space<vmem>> -> memref<128xi32, #tpu.memory_space<vmem>>
    %dma_wait3A_104 = arith.constant 0 : i32
    %dma_wait3A_105 = arith.constant 0 : i32
    %dma_wait3A_106 = tpu.memref_slice %arg32[%dma_wait3A_104, %dma_wait3A_105] : memref<10240x64xf32, #tpu.memory_space<vmem_shared>> -> memref<10240x64xf32, #tpu.memory_space<vmem_shared>>
    tpu.wait_indirect_dma semaphore(%arg31 : memref<!tpu.dma_semaphore, #tpu.memory_space<semaphore_mem>>) src(%arg15 : memref<128x64xf32, #tpu.memory_space<vmem>>) dst(%dma_wait3A_106 : memref<10240x64xf32, #tpu.memory_space<vmem_shared>>)
    %barrier3A_107 = arith.constant 0 : index
    tpu.barrier barrier_id(%barrier3A_107)
    %mul3A_108 = arith.constant 640 : i32
    %mul3A_109 = arith.muli %arg1, %mul3A_108 : i32
    %mul3A_110 = arith.constant 640 : i32
    %mul3A_111 = arith.muli %arg1, %mul3A_110 : i32
    "tpu.region"() ({
      %run_scoped3A = tpu.sem_alloc : memref<!tpu.dma_semaphore, #tpu.memory_space<semaphore_mem>>
      %dma_start3A_112 = arith.constant 0 : i32
      %dma_start3A_113 = tpu.memref_slice %arg6[%arg0, %mul3A_111, %dma_start3A_112] : memref<2x10240x64xf32, #tpu.memory_space<hbm>> -> memref<1x640x64xf32, #tpu.memory_space<hbm>>
      %dma_start3A_114 = tpu.memref_squeeze %dma_start3A_113 : memref<1x640x64xf32, #tpu.memory_space<hbm>> -> memref<640x64xf32, #tpu.memory_space<hbm>>
      %dma_start3A_115 = arith.constant 0 : i32
      %dma_start3A_116 = tpu.memref_slice %arg32[%mul3A_109, %dma_start3A_115] : memref<10240x64xf32, #tpu.memory_space<vmem_shared>> -> memref<640x64xf32, #tpu.memory_space<vmem_shared>>
      tpu.enqueue_dma source(%dma_start3A_116 : memref<640x64xf32, #tpu.memory_space<vmem_shared>>) target(%dma_start3A_114 : memref<640x64xf32, #tpu.memory_space<hbm>>) target_semaphore(%run_scoped3A : memref<!tpu.dma_semaphore, #tpu.memory_space<semaphore_mem>>)
      %dma_wait3A_117 = arith.constant 0 : i32
      %dma_wait3A_118 = tpu.memref_slice %arg6[%arg0, %mul3A_111, %dma_wait3A_117] : memref<2x10240x64xf32, #tpu.memory_space<hbm>> -> memref<1x640x64xf32, #tpu.memory_space<hbm>>
      %dma_wait3A_119 = tpu.memref_squeeze %dma_wait3A_118 : memref<1x640x64xf32, #tpu.memory_space<hbm>> -> memref<640x64xf32, #tpu.memory_space<hbm>>
      %dma_wait3A_120 = arith.constant 0 : i32
      %dma_wait3A_121 = tpu.memref_slice %arg32[%mul3A_109, %dma_wait3A_120] : memref<10240x64xf32, #tpu.memory_space<vmem_shared>> -> memref<640x64xf32, #tpu.memory_space<vmem_shared>>
      tpu.wait_dma2 semaphore(%run_scoped3A : memref<!tpu.dma_semaphore, #tpu.memory_space<semaphore_mem>>) src(%dma_wait3A_121 : memref<640x64xf32, #tpu.memory_space<vmem_shared>>) dst(%dma_wait3A_119 : memref<640x64xf32, #tpu.memory_space<hbm>>)
      tpu.yield
    }) : () -> ()
    return
  }
}

#map = affine_map<(d0, d1) -> (0, 0, 0)>
#map1 = affine_map<(d0, d1) -> (0)>
module attributes {stable_mosaic.version = 14 : i64} {
  func.func @_deg_sc(%arg0: i32, %arg1: i32, %arg2: memref<1250x2x128xi32, #tpu.memory_space<hbm>>, %arg3: memref<30x2x128xi32, #tpu.memory_space<hbm>>, %arg4: memref<10240xf32, #tpu.memory_space<hbm>>, %arg5: memref<2x10240x64xf32, #tpu.memory_space<hbm>>, %arg6: memref<40x2x128xi32, #tpu.memory_space<vmem>>, %arg7: memref<10240xf32, #tpu.memory_space<vmem>>, %arg8: memref<16x640xf32, #tpu.memory_space<vmem>>, %arg9: memref<640xf32, #tpu.memory_space<vmem>>, %arg10: memref<640x64xf32, #tpu.memory_space<vmem>>, %arg11: memref<16x10240xf32, #tpu.memory_space<vmem_shared>>, %arg12: memref<!tpu.dma_semaphore, #tpu.memory_space<semaphore_mem>>) attributes {dimension_semantics = [#tpu.dimension_semantics<core_parallel>, #tpu.dimension_semantics<subcore_parallel>], iteration_bounds = array<i64: 2, 16>, scalar_prefetch = 0 : i64, scratch_operands = 7 : i64, tpu.core_type = #tpu.core_type<sc_vector_subcore>, window_params = [{transform_indices = #map}, {transform_indices = #map}, {transform_indices = #map1}, {transform_indices = #map}]} {
    %mul3A = arith.constant 16 : i32
    %mul3A_0 = arith.muli %arg0, %mul3A : i32
    %add3A = arith.addi %mul3A_0, %arg1 : i32
    %lt3A = arith.constant 31 : i32
    %lt3A_1 = arith.cmpi slt, %add3A, %lt3A : i32
    %convert_element_type3A = arith.extui %lt3A_1 : i1 to i32
    %cond3A = arith.constant 0 : i32
    %cond3A_2 = arith.cmpi ne, %convert_element_type3A, %cond3A : i32
    scf.if %cond3A_2 {
      %mul3A_26 = arith.constant 40 : i32
      %mul3A_27 = arith.muli %add3A, %mul3A_26 : i32
      "tpu.region"() ({
        %run_scoped3A = tpu.sem_alloc : memref<!tpu.dma_semaphore, #tpu.memory_space<semaphore_mem>>
        %dma_start3A = arith.constant 0 : i32
        %dma_start3A_28 = arith.constant 0 : i32
        %dma_start3A_29 = tpu.memref_slice %arg2[%mul3A_27, %dma_start3A, %dma_start3A_28] : memref<1250x2x128xi32, #tpu.memory_space<hbm>> -> memref<40x2x128xi32, #tpu.memory_space<hbm>>
        %dma_start3A_30 = arith.constant 0 : i32
        %dma_start3A_31 = arith.constant 0 : i32
        %dma_start3A_32 = tpu.memref_slice %arg2[%mul3A_27, %dma_start3A_30, %dma_start3A_31] : memref<1250x2x128xi32, #tpu.memory_space<hbm>> -> memref<40x2x128xi32, #tpu.memory_space<hbm>>
        tpu.enqueue_dma source(%dma_start3A_32 : memref<40x2x128xi32, #tpu.memory_space<hbm>>) target(%arg6 : memref<40x2x128xi32, #tpu.memory_space<vmem>>) target_semaphore(%run_scoped3A : memref<!tpu.dma_semaphore, #tpu.memory_space<semaphore_mem>>)
        %dma_wait3A = arith.constant 0 : i32
        %dma_wait3A_33 = arith.constant 0 : i32
        %dma_wait3A_34 = tpu.memref_slice %arg2[%mul3A_27, %dma_wait3A, %dma_wait3A_33] : memref<1250x2x128xi32, #tpu.memory_space<hbm>> -> memref<40x2x128xi32, #tpu.memory_space<hbm>>
        %dma_wait3A_35 = arith.constant 0 : i32
        %dma_wait3A_36 = arith.constant 0 : i32
        %dma_wait3A_37 = tpu.memref_slice %arg2[%mul3A_27, %dma_wait3A_35, %dma_wait3A_36] : memref<1250x2x128xi32, #tpu.memory_space<hbm>> -> memref<40x2x128xi32, #tpu.memory_space<hbm>>
        tpu.wait_dma2 semaphore(%run_scoped3A : memref<!tpu.dma_semaphore, #tpu.memory_space<semaphore_mem>>) src(%dma_wait3A_37 : memref<40x2x128xi32, #tpu.memory_space<hbm>>) dst(%arg6 : memref<40x2x128xi32, #tpu.memory_space<vmem>>)
        tpu.yield
      }) : () -> ()
    } else {
    }
    %eq3A = arith.constant 31 : i32
    %eq3A_3 = arith.cmpi eq, %add3A, %eq3A : i32
    %convert_element_type3A_4 = arith.extui %eq3A_3 : i1 to i32
    %cond3A_5 = arith.constant 0 : i32
    %cond3A_6 = arith.cmpi ne, %convert_element_type3A_4, %cond3A_5 : i32
    scf.if %cond3A_6 {
      "tpu.region"() ({
        %run_scoped3A = tpu.sem_alloc : memref<!tpu.dma_semaphore, #tpu.memory_space<semaphore_mem>>
        %dma_start3A = arith.constant 0 : i32
        %dma_start3A_26 = arith.constant 0 : i32
        %dma_start3A_27 = arith.constant 0 : i32
        %dma_start3A_28 = tpu.memref_slice %arg6[%dma_start3A, %dma_start3A_26, %dma_start3A_27] : memref<40x2x128xi32, #tpu.memory_space<vmem>> -> memref<10x2x128xi32, #tpu.memory_space<vmem>>
        %dma_start3A_29 = arith.constant 1240 : i32
        %dma_start3A_30 = arith.constant 0 : i32
        %dma_start3A_31 = arith.constant 0 : i32
        %dma_start3A_32 = tpu.memref_slice %arg2[%dma_start3A_29, %dma_start3A_30, %dma_start3A_31] : memref<1250x2x128xi32, #tpu.memory_space<hbm>> -> memref<10x2x128xi32, #tpu.memory_space<hbm>>
        %dma_start3A_33 = arith.constant 0 : i32
        %dma_start3A_34 = arith.constant 0 : i32
        %dma_start3A_35 = arith.constant 0 : i32
        %dma_start3A_36 = tpu.memref_slice %arg6[%dma_start3A_33, %dma_start3A_34, %dma_start3A_35] : memref<40x2x128xi32, #tpu.memory_space<vmem>> -> memref<10x2x128xi32, #tpu.memory_space<vmem>>
        %dma_start3A_37 = arith.constant 1240 : i32
        %dma_start3A_38 = arith.constant 0 : i32
        %dma_start3A_39 = arith.constant 0 : i32
        %dma_start3A_40 = tpu.memref_slice %arg2[%dma_start3A_37, %dma_start3A_38, %dma_start3A_39] : memref<1250x2x128xi32, #tpu.memory_space<hbm>> -> memref<10x2x128xi32, #tpu.memory_space<hbm>>
        tpu.enqueue_dma source(%dma_start3A_40 : memref<10x2x128xi32, #tpu.memory_space<hbm>>) target(%dma_start3A_36 : memref<10x2x128xi32, #tpu.memory_space<vmem>>) target_semaphore(%run_scoped3A : memref<!tpu.dma_semaphore, #tpu.memory_space<semaphore_mem>>)
        %dma_wait3A = arith.constant 0 : i32
        %dma_wait3A_41 = arith.constant 0 : i32
        %dma_wait3A_42 = arith.constant 0 : i32
        %dma_wait3A_43 = tpu.memref_slice %arg6[%dma_wait3A, %dma_wait3A_41, %dma_wait3A_42] : memref<40x2x128xi32, #tpu.memory_space<vmem>> -> memref<10x2x128xi32, #tpu.memory_space<vmem>>
        %dma_wait3A_44 = arith.constant 1240 : i32
        %dma_wait3A_45 = arith.constant 0 : i32
        %dma_wait3A_46 = arith.constant 0 : i32
        %dma_wait3A_47 = tpu.memref_slice %arg2[%dma_wait3A_44, %dma_wait3A_45, %dma_wait3A_46] : memref<1250x2x128xi32, #tpu.memory_space<hbm>> -> memref<10x2x128xi32, #tpu.memory_space<hbm>>
        %dma_wait3A_48 = arith.constant 0 : i32
        %dma_wait3A_49 = arith.constant 0 : i32
        %dma_wait3A_50 = arith.constant 0 : i32
        %dma_wait3A_51 = tpu.memref_slice %arg6[%dma_wait3A_48, %dma_wait3A_49, %dma_wait3A_50] : memref<40x2x128xi32, #tpu.memory_space<vmem>> -> memref<10x2x128xi32, #tpu.memory_space<vmem>>
        %dma_wait3A_52 = arith.constant 1240 : i32
        %dma_wait3A_53 = arith.constant 0 : i32
        %dma_wait3A_54 = arith.constant 0 : i32
        %dma_wait3A_55 = tpu.memref_slice %arg2[%dma_wait3A_52, %dma_wait3A_53, %dma_wait3A_54] : memref<1250x2x128xi32, #tpu.memory_space<hbm>> -> memref<10x2x128xi32, #tpu.memory_space<hbm>>
        tpu.wait_dma2 semaphore(%run_scoped3A : memref<!tpu.dma_semaphore, #tpu.memory_space<semaphore_mem>>) src(%dma_wait3A_55 : memref<10x2x128xi32, #tpu.memory_space<hbm>>) dst(%dma_wait3A_51 : memref<10x2x128xi32, #tpu.memory_space<vmem>>)
        tpu.yield
      }) : () -> ()
      "tpu.region"() ({
        %run_scoped3A = tpu.sem_alloc : memref<!tpu.dma_semaphore, #tpu.memory_space<semaphore_mem>>
        %dma_start3A = arith.constant 10 : i32
        %dma_start3A_26 = arith.constant 0 : i32
        %dma_start3A_27 = arith.constant 0 : i32
        %dma_start3A_28 = tpu.memref_slice %arg6[%dma_start3A, %dma_start3A_26, %dma_start3A_27] : memref<40x2x128xi32, #tpu.memory_space<vmem>> -> memref<30x2x128xi32, #tpu.memory_space<vmem>>
        %dma_start3A_29 = arith.constant 10 : i32
        %dma_start3A_30 = arith.constant 0 : i32
        %dma_start3A_31 = arith.constant 0 : i32
        %dma_start3A_32 = tpu.memref_slice %arg6[%dma_start3A_29, %dma_start3A_30, %dma_start3A_31] : memref<40x2x128xi32, #tpu.memory_space<vmem>> -> memref<30x2x128xi32, #tpu.memory_space<vmem>>
        tpu.enqueue_dma source(%arg3 : memref<30x2x128xi32, #tpu.memory_space<hbm>>) target(%dma_start3A_32 : memref<30x2x128xi32, #tpu.memory_space<vmem>>) target_semaphore(%run_scoped3A : memref<!tpu.dma_semaphore, #tpu.memory_space<semaphore_mem>>)
        %dma_wait3A = arith.constant 10 : i32
        %dma_wait3A_33 = arith.constant 0 : i32
        %dma_wait3A_34 = arith.constant 0 : i32
        %dma_wait3A_35 = tpu.memref_slice %arg6[%dma_wait3A, %dma_wait3A_33, %dma_wait3A_34] : memref<40x2x128xi32, #tpu.memory_space<vmem>> -> memref<30x2x128xi32, #tpu.memory_space<vmem>>
        %dma_wait3A_36 = arith.constant 10 : i32
        %dma_wait3A_37 = arith.constant 0 : i32
        %dma_wait3A_38 = arith.constant 0 : i32
        %dma_wait3A_39 = tpu.memref_slice %arg6[%dma_wait3A_36, %dma_wait3A_37, %dma_wait3A_38] : memref<40x2x128xi32, #tpu.memory_space<vmem>> -> memref<30x2x128xi32, #tpu.memory_space<vmem>>
        tpu.wait_dma2 semaphore(%run_scoped3A : memref<!tpu.dma_semaphore, #tpu.memory_space<semaphore_mem>>) src(%arg3 : memref<30x2x128xi32, #tpu.memory_space<hbm>>) dst(%dma_wait3A_39 : memref<30x2x128xi32, #tpu.memory_space<vmem>>)
        tpu.yield
      }) : () -> ()
    } else {
    }
    "tpu.region"() ({
      %run_scoped3A = tpu.sem_alloc : memref<!tpu.dma_semaphore, #tpu.memory_space<semaphore_mem>>
      tpu.enqueue_dma source(%arg4 : memref<10240xf32, #tpu.memory_space<hbm>>) target(%arg7 : memref<10240xf32, #tpu.memory_space<vmem>>) target_semaphore(%run_scoped3A : memref<!tpu.dma_semaphore, #tpu.memory_space<semaphore_mem>>)
      tpu.wait_dma2 semaphore(%run_scoped3A : memref<!tpu.dma_semaphore, #tpu.memory_space<semaphore_mem>>) src(%arg4 : memref<10240xf32, #tpu.memory_space<hbm>>) dst(%arg7 : memref<10240xf32, #tpu.memory_space<vmem>>)
      tpu.yield
    }) : () -> ()
    %broadcast_in_dim3A = arith.constant 1.000000e+00 : f32
    %broadcast_in_dim3A_7 = vector.broadcast %broadcast_in_dim3A : f32 to vector<16xf32>
    %scan3A = arith.constant 0 : i32
    %scan3A_8 = arith.constant 40 : i32
    %scan3A_9 = arith.addi %scan3A, %scan3A_8 : i32
    %scan3A_10 = arith.constant 1 : i32
    scf.for %scan3A_26 = %scan3A to %scan3A_9 step %scan3A_10  : i32 {
      %mul3A_27 = arith.constant 1 : i32
      %mul3A_28 = arith.muli %scan3A_26, %mul3A_27 : i32
      %add3A_29 = arith.constant 0 : i32
      %add3A_30 = arith.addi %add3A_29, %mul3A_28 : i32
      %get3A = arith.constant 1 : i32
      %get3A_31 = arith.index_cast %add3A_30 : i32 to index
      %get3A_32 = arith.index_cast %get3A : i32 to index
      %get3A_33 = arith.constant 0 : index
      %get3A_34 = tpu.vector_load %arg6[%get3A_31, %get3A_32, %get3A_33] {strides = array<i32>} : memref<40x2x128xi32, #tpu.memory_space<vmem>>, vector<16xi32>,
      tpu.vector_store_idx %arg7[%get3A_34], %broadcast_in_dim3A_7 {add = true} : memref<10240xf32, #tpu.memory_space<vmem>>[vector<16xi32>], vector<16xf32>,
      %get3A_35 = arith.constant 1 : i32
      %get3A_36 = arith.index_cast %add3A_30 : i32 to index
      %get3A_37 = arith.index_cast %get3A_35 : i32 to index
      %get3A_38 = arith.constant 16 : index
      %get3A_39 = tpu.vector_load %arg6[%get3A_36, %get3A_37, %get3A_38] {strides = array<i32>} : memref<40x2x128xi32, #tpu.memory_space<vmem>>, vector<16xi32>,
      tpu.vector_store_idx %arg7[%get3A_39], %broadcast_in_dim3A_7 {add = true} : memref<10240xf32, #tpu.memory_space<vmem>>[vector<16xi32>], vector<16xf32>,
      %get3A_40 = arith.constant 1 : i32
      %get3A_41 = arith.index_cast %add3A_30 : i32 to index
      %get3A_42 = arith.index_cast %get3A_40 : i32 to index
      %get3A_43 = arith.constant 32 : index
      %get3A_44 = tpu.vector_load %arg6[%get3A_41, %get3A_42, %get3A_43] {strides = array<i32>} : memref<40x2x128xi32, #tpu.memory_space<vmem>>, vector<16xi32>,
      tpu.vector_store_idx %arg7[%get3A_44], %broadcast_in_dim3A_7 {add = true} : memref<10240xf32, #tpu.memory_space<vmem>>[vector<16xi32>], vector<16xf32>,
      %get3A_45 = arith.constant 1 : i32
      %get3A_46 = arith.index_cast %add3A_30 : i32 to index
      %get3A_47 = arith.index_cast %get3A_45 : i32 to index
      %get3A_48 = arith.constant 48 : index
      %get3A_49 = tpu.vector_load %arg6[%get3A_46, %get3A_47, %get3A_48] {strides = array<i32>} : memref<40x2x128xi32, #tpu.memory_space<vmem>>, vector<16xi32>,
      tpu.vector_store_idx %arg7[%get3A_49], %broadcast_in_dim3A_7 {add = true} : memref<10240xf32, #tpu.memory_space<vmem>>[vector<16xi32>], vector<16xf32>,
      %get3A_50 = arith.constant 1 : i32
      %get3A_51 = arith.index_cast %add3A_30 : i32 to index
      %get3A_52 = arith.index_cast %get3A_50 : i32 to index
      %get3A_53 = arith.constant 64 : index
      %get3A_54 = tpu.vector_load %arg6[%get3A_51, %get3A_52, %get3A_53] {strides = array<i32>} : memref<40x2x128xi32, #tpu.memory_space<vmem>>, vector<16xi32>,
      tpu.vector_store_idx %arg7[%get3A_54], %broadcast_in_dim3A_7 {add = true} : memref<10240xf32, #tpu.memory_space<vmem>>[vector<16xi32>], vector<16xf32>,
      %get3A_55 = arith.constant 1 : i32
      %get3A_56 = arith.index_cast %add3A_30 : i32 to index
      %get3A_57 = arith.index_cast %get3A_55 : i32 to index
      %get3A_58 = arith.constant 80 : index
      %get3A_59 = tpu.vector_load %arg6[%get3A_56, %get3A_57, %get3A_58] {strides = array<i32>} : memref<40x2x128xi32, #tpu.memory_space<vmem>>, vector<16xi32>,
      tpu.vector_store_idx %arg7[%get3A_59], %broadcast_in_dim3A_7 {add = true} : memref<10240xf32, #tpu.memory_space<vmem>>[vector<16xi32>], vector<16xf32>,
      %get3A_60 = arith.constant 1 : i32
      %get3A_61 = arith.index_cast %add3A_30 : i32 to index
      %get3A_62 = arith.index_cast %get3A_60 : i32 to index
      %get3A_63 = arith.constant 96 : index
      %get3A_64 = tpu.vector_load %arg6[%get3A_61, %get3A_62, %get3A_63] {strides = array<i32>} : memref<40x2x128xi32, #tpu.memory_space<vmem>>, vector<16xi32>,
      tpu.vector_store_idx %arg7[%get3A_64], %broadcast_in_dim3A_7 {add = true} : memref<10240xf32, #tpu.memory_space<vmem>>[vector<16xi32>], vector<16xf32>,
      %get3A_65 = arith.constant 1 : i32
      %get3A_66 = arith.index_cast %add3A_30 : i32 to index
      %get3A_67 = arith.index_cast %get3A_65 : i32 to index
      %get3A_68 = arith.constant 112 : index
      %get3A_69 = tpu.vector_load %arg6[%get3A_66, %get3A_67, %get3A_68] {strides = array<i32>} : memref<40x2x128xi32, #tpu.memory_space<vmem>>, vector<16xi32>,
      tpu.vector_store_idx %arg7[%get3A_69], %broadcast_in_dim3A_7 {add = true} : memref<10240xf32, #tpu.memory_space<vmem>>[vector<16xi32>], vector<16xf32>,
    }
    %scan3A_11 = arith.constant 40 : i32
    "tpu.region"() ({
      %run_scoped3A = tpu.sem_alloc : memref<!tpu.dma_semaphore, #tpu.memory_space<semaphore_mem>>
      %dma_start3A = arith.constant 0 : i32
      %dma_start3A_26 = tpu.memref_slice %arg11[%arg1, %dma_start3A] : memref<16x10240xf32, #tpu.memory_space<vmem_shared>> -> memref<1x10240xf32, #tpu.memory_space<vmem_shared>>
      %dma_start3A_27 = tpu.memref_squeeze %dma_start3A_26 : memref<1x10240xf32, #tpu.memory_space<vmem_shared>> -> memref<10240xf32, #tpu.memory_space<vmem_shared>>
      %dma_start3A_28 = arith.constant 0 : i32
      %dma_start3A_29 = tpu.memref_slice %arg11[%arg1, %dma_start3A_28] : memref<16x10240xf32, #tpu.memory_space<vmem_shared>> -> memref<1x10240xf32, #tpu.memory_space<vmem_shared>>
      %dma_start3A_30 = tpu.memref_squeeze %dma_start3A_29 : memref<1x10240xf32, #tpu.memory_space<vmem_shared>> -> memref<10240xf32, #tpu.memory_space<vmem_shared>>
      tpu.enqueue_dma source(%arg7 : memref<10240xf32, #tpu.memory_space<vmem>>) target(%dma_start3A_30 : memref<10240xf32, #tpu.memory_space<vmem_shared>>) target_semaphore(%run_scoped3A : memref<!tpu.dma_semaphore, #tpu.memory_space<semaphore_mem>>)
      %dma_wait3A = arith.constant 0 : i32
      %dma_wait3A_31 = tpu.memref_slice %arg11[%arg1, %dma_wait3A] : memref<16x10240xf32, #tpu.memory_space<vmem_shared>> -> memref<1x10240xf32, #tpu.memory_space<vmem_shared>>
      %dma_wait3A_32 = tpu.memref_squeeze %dma_wait3A_31 : memref<1x10240xf32, #tpu.memory_space<vmem_shared>> -> memref<10240xf32, #tpu.memory_space<vmem_shared>>
      %dma_wait3A_33 = arith.constant 0 : i32
      %dma_wait3A_34 = tpu.memref_slice %arg11[%arg1, %dma_wait3A_33] : memref<16x10240xf32, #tpu.memory_space<vmem_shared>> -> memref<1x10240xf32, #tpu.memory_space<vmem_shared>>
      %dma_wait3A_35 = tpu.memref_squeeze %dma_wait3A_34 : memref<1x10240xf32, #tpu.memory_space<vmem_shared>> -> memref<10240xf32, #tpu.memory_space<vmem_shared>>
      tpu.wait_dma2 semaphore(%run_scoped3A : memref<!tpu.dma_semaphore, #tpu.memory_space<semaphore_mem>>) src(%arg7 : memref<10240xf32, #tpu.memory_space<vmem>>) dst(%dma_wait3A_35 : memref<10240xf32, #tpu.memory_space<vmem_shared>>)
      tpu.yield
    }) : () -> ()
    %barrier3A = arith.constant 0 : index
    tpu.barrier barrier_id(%barrier3A)
    %mul3A_12 = arith.constant 640 : i32
    %mul3A_13 = arith.muli %arg1, %mul3A_12 : i32
    "tpu.region"() ({
      %run_scoped3A = tpu.sem_alloc : memref<!tpu.dma_semaphore, #tpu.memory_space<semaphore_mem>>
      %dma_start3A = arith.constant 0 : i32
      %dma_start3A_26 = tpu.memref_slice %arg11[%dma_start3A, %mul3A_13] : memref<16x10240xf32, #tpu.memory_space<vmem_shared>> -> memref<16x640xf32, #tpu.memory_space<vmem_shared>>
      %dma_start3A_27 = arith.constant 0 : i32
      %dma_start3A_28 = tpu.memref_slice %arg11[%dma_start3A_27, %mul3A_13] : memref<16x10240xf32, #tpu.memory_space<vmem_shared>> -> memref<16x640xf32, #tpu.memory_space<vmem_shared>>
      tpu.enqueue_dma source(%dma_start3A_28 : memref<16x640xf32, #tpu.memory_space<vmem_shared>>) target(%arg8 : memref<16x640xf32, #tpu.memory_space<vmem>>) target_semaphore(%run_scoped3A : memref<!tpu.dma_semaphore, #tpu.memory_space<semaphore_mem>>)
      %dma_wait3A = arith.constant 0 : i32
      %dma_wait3A_29 = tpu.memref_slice %arg11[%dma_wait3A, %mul3A_13] : memref<16x10240xf32, #tpu.memory_space<vmem_shared>> -> memref<16x640xf32, #tpu.memory_space<vmem_shared>>
      %dma_wait3A_30 = arith.constant 0 : i32
      %dma_wait3A_31 = tpu.memref_slice %arg11[%dma_wait3A_30, %mul3A_13] : memref<16x10240xf32, #tpu.memory_space<vmem_shared>> -> memref<16x640xf32, #tpu.memory_space<vmem_shared>>
      tpu.wait_dma2 semaphore(%run_scoped3A : memref<!tpu.dma_semaphore, #tpu.memory_space<semaphore_mem>>) src(%dma_wait3A_31 : memref<16x640xf32, #tpu.memory_space<vmem_shared>>) dst(%arg8 : memref<16x640xf32, #tpu.memory_space<vmem>>)
      tpu.yield
    }) : () -> ()
    %scan3A_14 = arith.constant 0 : i32
    %scan3A_15 = arith.constant 40 : i32
    %scan3A_16 = arith.addi %scan3A_14, %scan3A_15 : i32
    %scan3A_17 = arith.constant 1 : i32
    scf.for %scan3A_26 = %scan3A_14 to %scan3A_16 step %scan3A_17  : i32 {
      %mul3A_27 = arith.constant 16 : i32
      %mul3A_28 = arith.muli %scan3A_26, %mul3A_27 : i32
      %add3A_29 = arith.constant 0 : i32
      %add3A_30 = arith.addi %add3A_29, %mul3A_28 : i32
      %get3A = arith.constant 0 : i32
      %get3A_31 = arith.index_cast %get3A : i32 to index
      %get3A_32 = arith.index_cast %add3A_30 : i32 to index
      %get3A_33 = tpu.vector_load %arg8[%get3A_31, %get3A_32] {strides = array<i32>} : memref<16x640xf32, #tpu.memory_space<vmem>>, vector<16xf32>,
      %get3A_34 = arith.constant 1 : i32
      %get3A_35 = arith.index_cast %get3A_34 : i32 to index
      %get3A_36 = arith.index_cast %add3A_30 : i32 to index
      %get3A_37 = tpu.vector_load %arg8[%get3A_35, %get3A_36] {strides = array<i32>} : memref<16x640xf32, #tpu.memory_space<vmem>>, vector<16xf32>,
      %add3A_38 = arith.addf %get3A_33, %get3A_37 : vector<16xf32>
      %get3A_39 = arith.constant 2 : i32
      %get3A_40 = arith.index_cast %get3A_39 : i32 to index
      %get3A_41 = arith.index_cast %add3A_30 : i32 to index
      %get3A_42 = tpu.vector_load %arg8[%get3A_40, %get3A_41] {strides = array<i32>} : memref<16x640xf32, #tpu.memory_space<vmem>>, vector<16xf32>,
      %add3A_43 = arith.addf %add3A_38, %get3A_42 : vector<16xf32>
      %get3A_44 = arith.constant 3 : i32
      %get3A_45 = arith.index_cast %get3A_44 : i32 to index
      %get3A_46 = arith.index_cast %add3A_30 : i32 to index
      %get3A_47 = tpu.vector_load %arg8[%get3A_45, %get3A_46] {strides = array<i32>} : memref<16x640xf32, #tpu.memory_space<vmem>>, vector<16xf32>,
      %add3A_48 = arith.addf %add3A_43, %get3A_47 : vector<16xf32>
      %get3A_49 = arith.constant 4 : i32
      %get3A_50 = arith.index_cast %get3A_49 : i32 to index
      %get3A_51 = arith.index_cast %add3A_30 : i32 to index
      %get3A_52 = tpu.vector_load %arg8[%get3A_50, %get3A_51] {strides = array<i32>} : memref<16x640xf32, #tpu.memory_space<vmem>>, vector<16xf32>,
      %add3A_53 = arith.addf %add3A_48, %get3A_52 : vector<16xf32>
      %get3A_54 = arith.constant 5 : i32
      %get3A_55 = arith.index_cast %get3A_54 : i32 to index
      %get3A_56 = arith.index_cast %add3A_30 : i32 to index
      %get3A_57 = tpu.vector_load %arg8[%get3A_55, %get3A_56] {strides = array<i32>} : memref<16x640xf32, #tpu.memory_space<vmem>>, vector<16xf32>,
      %add3A_58 = arith.addf %add3A_53, %get3A_57 : vector<16xf32>
      %get3A_59 = arith.constant 6 : i32
      %get3A_60 = arith.index_cast %get3A_59 : i32 to index
      %get3A_61 = arith.index_cast %add3A_30 : i32 to index
      %get3A_62 = tpu.vector_load %arg8[%get3A_60, %get3A_61] {strides = array<i32>} : memref<16x640xf32, #tpu.memory_space<vmem>>, vector<16xf32>,
      %add3A_63 = arith.addf %add3A_58, %get3A_62 : vector<16xf32>
      %get3A_64 = arith.constant 7 : i32
      %get3A_65 = arith.index_cast %get3A_64 : i32 to index
      %get3A_66 = arith.index_cast %add3A_30 : i32 to index
      %get3A_67 = tpu.vector_load %arg8[%get3A_65, %get3A_66] {strides = array<i32>} : memref<16x640xf32, #tpu.memory_space<vmem>>, vector<16xf32>,
      %add3A_68 = arith.addf %add3A_63, %get3A_67 : vector<16xf32>
      %get3A_69 = arith.constant 8 : i32
      %get3A_70 = arith.index_cast %get3A_69 : i32 to index
      %get3A_71 = arith.index_cast %add3A_30 : i32 to index
      %get3A_72 = tpu.vector_load %arg8[%get3A_70, %get3A_71] {strides = array<i32>} : memref<16x640xf32, #tpu.memory_space<vmem>>, vector<16xf32>,
      %add3A_73 = arith.addf %add3A_68, %get3A_72 : vector<16xf32>
      %get3A_74 = arith.constant 9 : i32
      %get3A_75 = arith.index_cast %get3A_74 : i32 to index
      %get3A_76 = arith.index_cast %add3A_30 : i32 to index
      %get3A_77 = tpu.vector_load %arg8[%get3A_75, %get3A_76] {strides = array<i32>} : memref<16x640xf32, #tpu.memory_space<vmem>>, vector<16xf32>,
      %add3A_78 = arith.addf %add3A_73, %get3A_77 : vector<16xf32>
      %get3A_79 = arith.constant 10 : i32
      %get3A_80 = arith.index_cast %get3A_79 : i32 to index
      %get3A_81 = arith.index_cast %add3A_30 : i32 to index
      %get3A_82 = tpu.vector_load %arg8[%get3A_80, %get3A_81] {strides = array<i32>} : memref<16x640xf32, #tpu.memory_space<vmem>>, vector<16xf32>,
      %add3A_83 = arith.addf %add3A_78, %get3A_82 : vector<16xf32>
      %get3A_84 = arith.constant 11 : i32
      %get3A_85 = arith.index_cast %get3A_84 : i32 to index
      %get3A_86 = arith.index_cast %add3A_30 : i32 to index
      %get3A_87 = tpu.vector_load %arg8[%get3A_85, %get3A_86] {strides = array<i32>} : memref<16x640xf32, #tpu.memory_space<vmem>>, vector<16xf32>,
      %add3A_88 = arith.addf %add3A_83, %get3A_87 : vector<16xf32>
      %get3A_89 = arith.constant 12 : i32
      %get3A_90 = arith.index_cast %get3A_89 : i32 to index
      %get3A_91 = arith.index_cast %add3A_30 : i32 to index
      %get3A_92 = tpu.vector_load %arg8[%get3A_90, %get3A_91] {strides = array<i32>} : memref<16x640xf32, #tpu.memory_space<vmem>>, vector<16xf32>,
      %add3A_93 = arith.addf %add3A_88, %get3A_92 : vector<16xf32>
      %get3A_94 = arith.constant 13 : i32
      %get3A_95 = arith.index_cast %get3A_94 : i32 to index
      %get3A_96 = arith.index_cast %add3A_30 : i32 to index
      %get3A_97 = tpu.vector_load %arg8[%get3A_95, %get3A_96] {strides = array<i32>} : memref<16x640xf32, #tpu.memory_space<vmem>>, vector<16xf32>,
      %add3A_98 = arith.addf %add3A_93, %get3A_97 : vector<16xf32>
      %get3A_99 = arith.constant 14 : i32
      %get3A_100 = arith.index_cast %get3A_99 : i32 to index
      %get3A_101 = arith.index_cast %add3A_30 : i32 to index
      %get3A_102 = tpu.vector_load %arg8[%get3A_100, %get3A_101] {strides = array<i32>} : memref<16x640xf32, #tpu.memory_space<vmem>>, vector<16xf32>,
      %add3A_103 = arith.addf %add3A_98, %get3A_102 : vector<16xf32>
      %get3A_104 = arith.constant 15 : i32
      %get3A_105 = arith.index_cast %get3A_104 : i32 to index
      %get3A_106 = arith.index_cast %add3A_30 : i32 to index
      %get3A_107 = tpu.vector_load %arg8[%get3A_105, %get3A_106] {strides = array<i32>} : memref<16x640xf32, #tpu.memory_space<vmem>>, vector<16xf32>,
      %add3A_108 = arith.addf %add3A_103, %get3A_107 : vector<16xf32>
      %swap3A = arith.index_cast %add3A_30 : i32 to index
      %swap3A_109 = tpu.vector_load %arg9[%swap3A] {strides = array<i32>} : memref<640xf32, #tpu.memory_space<vmem>>, vector<16xf32>,
      tpu.vector_store %arg9[%swap3A], %add3A_108 {strides = array<i32>} : memref<640xf32, #tpu.memory_space<vmem>>, vector<16xf32>,
    }
    %scan3A_18 = arith.constant 40 : i32
    %scan3A_19 = arith.constant 0 : i32
    %scan3A_20 = arith.constant 640 : i32
    %scan3A_21 = arith.addi %scan3A_19, %scan3A_20 : i32
    %scan3A_22 = arith.constant 1 : i32
    scf.for %scan3A_26 = %scan3A_19 to %scan3A_21 step %scan3A_22  : i32 {
      %mul3A_27 = arith.constant 1 : i32
      %mul3A_28 = arith.muli %scan3A_26, %mul3A_27 : i32
      %add3A_29 = arith.constant 0 : i32
      %add3A_30 = arith.addi %add3A_29, %mul3A_28 : i32
      %broadcast_in_dim3A_31 = vector.broadcast %add3A_30 : i32 to vector<16xi32>
      %gather3A = tpu.vector_load_idx %arg9[%broadcast_in_dim3A_31] : memref<640xf32, #tpu.memory_space<vmem>>[vector<16xi32>], vector<16xf32>,
      %swap3A = arith.index_cast %add3A_30 : i32 to index
      %swap3A_32 = arith.constant 0 : index
      %swap3A_33 = tpu.vector_load %arg10[%swap3A, %swap3A_32] {strides = array<i32>} : memref<640x64xf32, #tpu.memory_space<vmem>>, vector<16xf32>,
      tpu.vector_store %arg10[%swap3A, %swap3A_32], %gather3A {strides = array<i32>} : memref<640x64xf32, #tpu.memory_space<vmem>>, vector<16xf32>,
      %swap3A_34 = arith.index_cast %add3A_30 : i32 to index
      %swap3A_35 = arith.constant 16 : index
      %swap3A_36 = tpu.vector_load %arg10[%swap3A_34, %swap3A_35] {strides = array<i32>} : memref<640x64xf32, #tpu.memory_space<vmem>>, vector<16xf32>,
      tpu.vector_store %arg10[%swap3A_34, %swap3A_35], %gather3A {strides = array<i32>} : memref<640x64xf32, #tpu.memory_space<vmem>>, vector<16xf32>,
      %swap3A_37 = arith.index_cast %add3A_30 : i32 to index
      %swap3A_38 = arith.constant 32 : index
      %swap3A_39 = tpu.vector_load %arg10[%swap3A_37, %swap3A_38] {strides = array<i32>} : memref<640x64xf32, #tpu.memory_space<vmem>>, vector<16xf32>,
      tpu.vector_store %arg10[%swap3A_37, %swap3A_38], %gather3A {strides = array<i32>} : memref<640x64xf32, #tpu.memory_space<vmem>>, vector<16xf32>,
      %swap3A_40 = arith.index_cast %add3A_30 : i32 to index
      %swap3A_41 = arith.constant 48 : index
      %swap3A_42 = tpu.vector_load %arg10[%swap3A_40, %swap3A_41] {strides = array<i32>} : memref<640x64xf32, #tpu.memory_space<vmem>>, vector<16xf32>,
      tpu.vector_store %arg10[%swap3A_40, %swap3A_41], %gather3A {strides = array<i32>} : memref<640x64xf32, #tpu.memory_space<vmem>>, vector<16xf32>,
    }
    %scan3A_23 = arith.constant 640 : i32
    %mul3A_24 = arith.constant 640 : i32
    %mul3A_25 = arith.muli %arg1, %mul3A_24 : i32
    "tpu.region"() ({
      %run_scoped3A = tpu.sem_alloc : memref<!tpu.dma_semaphore, #tpu.memory_space<semaphore_mem>>
      %dma_start3A = arith.constant 0 : i32
      %dma_start3A_26 = tpu.memref_slice %arg5[%arg0, %mul3A_25, %dma_start3A] : memref<2x10240x64xf32, #tpu.memory_space<hbm>> -> memref<1x640x64xf32, #tpu.memory_space<hbm>>
      %dma_start3A_27 = tpu.memref_squeeze %dma_start3A_26 : memref<1x640x64xf32, #tpu.memory_space<hbm>> -> memref<640x64xf32, #tpu.memory_space<hbm>>
      %dma_start3A_28 = arith.constant 0 : i32
      %dma_start3A_29 = tpu.memref_slice %arg5[%arg0, %mul3A_25, %dma_start3A_28] : memref<2x10240x64xf32, #tpu.memory_space<hbm>> -> memref<1x640x64xf32, #tpu.memory_space<hbm>>
      %dma_start3A_30 = tpu.memref_squeeze %dma_start3A_29 : memref<1x640x64xf32, #tpu.memory_space<hbm>> -> memref<640x64xf32, #tpu.memory_space<hbm>>
      tpu.enqueue_dma source(%arg10 : memref<640x64xf32, #tpu.memory_space<vmem>>) target(%dma_start3A_30 : memref<640x64xf32, #tpu.memory_space<hbm>>) target_semaphore(%run_scoped3A : memref<!tpu.dma_semaphore, #tpu.memory_space<semaphore_mem>>)
      %dma_wait3A = arith.constant 0 : i32
      %dma_wait3A_31 = tpu.memref_slice %arg5[%arg0, %mul3A_25, %dma_wait3A] : memref<2x10240x64xf32, #tpu.memory_space<hbm>> -> memref<1x640x64xf32, #tpu.memory_space<hbm>>
      %dma_wait3A_32 = tpu.memref_squeeze %dma_wait3A_31 : memref<1x640x64xf32, #tpu.memory_space<hbm>> -> memref<640x64xf32, #tpu.memory_space<hbm>>
      %dma_wait3A_33 = arith.constant 0 : i32
      %dma_wait3A_34 = tpu.memref_slice %arg5[%arg0, %mul3A_25, %dma_wait3A_33] : memref<2x10240x64xf32, #tpu.memory_space<hbm>> -> memref<1x640x64xf32, #tpu.memory_space<hbm>>
      %dma_wait3A_35 = tpu.memref_squeeze %dma_wait3A_34 : memref<1x640x64xf32, #tpu.memory_space<hbm>> -> memref<640x64xf32, #tpu.memory_space<hbm>>
      tpu.wait_dma2 semaphore(%run_scoped3A : memref<!tpu.dma_semaphore, #tpu.memory_space<semaphore_mem>>) src(%arg10 : memref<640x64xf32, #tpu.memory_space<vmem>>) dst(%dma_wait3A_35 : memref<640x64xf32, #tpu.memory_space<hbm>>)
      tpu.yield
    }) : () -> ()
    return
  }
}

#map = affine_map<(d0, d1) -> (0, 0)>
#map1 = affine_map<(d0, d1) -> (0, 0, 0)>
module attributes {stable_mosaic.version = 14 : i64} {
  func.func @_agg(%arg0: i32, %arg1: i32, %arg2: memref<20480x32xf32, #tpu.memory_space<hbm>>, %arg3: memref<1250x2x128xi32, #tpu.memory_space<hbm>>, %arg4: memref<30x2x128xi32, #tpu.memory_space<hbm>>, %arg5: memref<640x32xf32, #tpu.memory_space<hbm>>, %arg6: memref<2x10240x32xf32, #tpu.memory_space<hbm>>, %arg7: memref<40x2x128xi32, #tpu.memory_space<vmem>>, %arg8: memref<128x32xf32, #tpu.memory_space<vmem>>, %arg9: memref<128x32xf32, #tpu.memory_space<vmem>>, %arg10: memref<128x32xf32, #tpu.memory_space<vmem>>, %arg11: memref<128x32xf32, #tpu.memory_space<vmem>>, %arg12: memref<128x32xf32, #tpu.memory_space<vmem>>, %arg13: memref<128x32xf32, #tpu.memory_space<vmem>>, %arg14: memref<128x32xf32, #tpu.memory_space<vmem>>, %arg15: memref<128x32xf32, #tpu.memory_space<vmem>>, %arg16: memref<!tpu.dma_semaphore, #tpu.memory_space<semaphore_mem>>, %arg17: memref<!tpu.dma_semaphore, #tpu.memory_space<semaphore_mem>>, %arg18: memref<!tpu.dma_semaphore, #tpu.memory_space<semaphore_mem>>, %arg19: memref<!tpu.dma_semaphore, #tpu.memory_space<semaphore_mem>>, %arg20: memref<!tpu.dma_semaphore, #tpu.memory_space<semaphore_mem>>, %arg21: memref<!tpu.dma_semaphore, #tpu.memory_space<semaphore_mem>>, %arg22: memref<!tpu.dma_semaphore, #tpu.memory_space<semaphore_mem>>, %arg23: memref<!tpu.dma_semaphore, #tpu.memory_space<semaphore_mem>>, %arg24: memref<!tpu.dma_semaphore, #tpu.memory_space<semaphore_mem>>, %arg25: memref<!tpu.dma_semaphore, #tpu.memory_space<semaphore_mem>>, %arg26: memref<!tpu.dma_semaphore, #tpu.memory_space<semaphore_mem>>, %arg27: memref<!tpu.dma_semaphore, #tpu.memory_space<semaphore_mem>>, %arg28: memref<!tpu.dma_semaphore, #tpu.memory_space<semaphore_mem>>, %arg29: memref<!tpu.dma_semaphore, #tpu.memory_space<semaphore_mem>>, %arg30: memref<!tpu.dma_semaphore, #tpu.memory_space<semaphore_mem>>, %arg31: memref<!tpu.dma_semaphore, #tpu.memory_space<semaphore_mem>>, %arg32: memref<10240x32xf32, #tpu.memory_space<vmem_shared>>) attributes {dimension_semantics = [#tpu.dimension_semantics<core_parallel>, #tpu.dimension_semantics<subcore_parallel>], iteration_bounds = array<i64: 2, 16>, scalar_prefetch = 0 : i64, scratch_operands = 26 : i64, tpu.core_type = #tpu.core_type<sc_vector_subcore>, window_params = [{transform_indices = #map}, {transform_indices = #map1}, {transform_indices = #map1}, {transform_indices = #map}, {transform_indices = #map1}]} {
    %mul3A = arith.constant 16 : i32
    %mul3A_0 = arith.muli %arg0, %mul3A : i32
    %add3A = arith.addi %mul3A_0, %arg1 : i32
    %lt3A = arith.constant 31 : i32
    %lt3A_1 = arith.cmpi slt, %add3A, %lt3A : i32
    %convert_element_type3A = arith.extui %lt3A_1 : i1 to i32
    %cond3A = arith.constant 0 : i32
    %cond3A_2 = arith.cmpi ne, %convert_element_type3A, %cond3A : i32
    scf.if %cond3A_2 {
      %mul3A_117 = arith.constant 40 : i32
      %mul3A_118 = arith.muli %add3A, %mul3A_117 : i32
      "tpu.region"() ({
        %run_scoped3A = tpu.sem_alloc : memref<!tpu.dma_semaphore, #tpu.memory_space<semaphore_mem>>
        %dma_start3A_119 = arith.constant 0 : i32
        %dma_start3A_120 = arith.constant 0 : i32
        %dma_start3A_121 = tpu.memref_slice %arg3[%mul3A_118, %dma_start3A_119, %dma_start3A_120] : memref<1250x2x128xi32, #tpu.memory_space<hbm>> -> memref<40x2x128xi32, #tpu.memory_space<hbm>>
        %dma_start3A_122 = arith.constant 0 : i32
        %dma_start3A_123 = arith.constant 0 : i32
        %dma_start3A_124 = tpu.memref_slice %arg3[%mul3A_118, %dma_start3A_122, %dma_start3A_123] : memref<1250x2x128xi32, #tpu.memory_space<hbm>> -> memref<40x2x128xi32, #tpu.memory_space<hbm>>
        tpu.enqueue_dma source(%dma_start3A_124 : memref<40x2x128xi32, #tpu.memory_space<hbm>>) target(%arg7 : memref<40x2x128xi32, #tpu.memory_space<vmem>>) target_semaphore(%run_scoped3A : memref<!tpu.dma_semaphore, #tpu.memory_space<semaphore_mem>>)
        %dma_wait3A_125 = arith.constant 0 : i32
        %dma_wait3A_126 = arith.constant 0 : i32
        %dma_wait3A_127 = tpu.memref_slice %arg3[%mul3A_118, %dma_wait3A_125, %dma_wait3A_126] : memref<1250x2x128xi32, #tpu.memory_space<hbm>> -> memref<40x2x128xi32, #tpu.memory_space<hbm>>
        %dma_wait3A_128 = arith.constant 0 : i32
        %dma_wait3A_129 = arith.constant 0 : i32
        %dma_wait3A_130 = tpu.memref_slice %arg3[%mul3A_118, %dma_wait3A_128, %dma_wait3A_129] : memref<1250x2x128xi32, #tpu.memory_space<hbm>> -> memref<40x2x128xi32, #tpu.memory_space<hbm>>
        tpu.wait_dma2 semaphore(%run_scoped3A : memref<!tpu.dma_semaphore, #tpu.memory_space<semaphore_mem>>) src(%dma_wait3A_130 : memref<40x2x128xi32, #tpu.memory_space<hbm>>) dst(%arg7 : memref<40x2x128xi32, #tpu.memory_space<vmem>>)
        tpu.yield
      }) : () -> ()
    } else {
    }
    %eq3A = arith.constant 31 : i32
    %eq3A_3 = arith.cmpi eq, %add3A, %eq3A : i32
    %convert_element_type3A_4 = arith.extui %eq3A_3 : i1 to i32
    %cond3A_5 = arith.constant 0 : i32
    %cond3A_6 = arith.cmpi ne, %convert_element_type3A_4, %cond3A_5 : i32
    scf.if %cond3A_6 {
      "tpu.region"() ({
        %run_scoped3A = tpu.sem_alloc : memref<!tpu.dma_semaphore, #tpu.memory_space<semaphore_mem>>
        %dma_start3A_117 = arith.constant 0 : i32
        %dma_start3A_118 = arith.constant 0 : i32
        %dma_start3A_119 = arith.constant 0 : i32
        %dma_start3A_120 = tpu.memref_slice %arg7[%dma_start3A_117, %dma_start3A_118, %dma_start3A_119] : memref<40x2x128xi32, #tpu.memory_space<vmem>> -> memref<10x2x128xi32, #tpu.memory_space<vmem>>
        %dma_start3A_121 = arith.constant 1240 : i32
        %dma_start3A_122 = arith.constant 0 : i32
        %dma_start3A_123 = arith.constant 0 : i32
        %dma_start3A_124 = tpu.memref_slice %arg3[%dma_start3A_121, %dma_start3A_122, %dma_start3A_123] : memref<1250x2x128xi32, #tpu.memory_space<hbm>> -> memref<10x2x128xi32, #tpu.memory_space<hbm>>
        %dma_start3A_125 = arith.constant 0 : i32
        %dma_start3A_126 = arith.constant 0 : i32
        %dma_start3A_127 = arith.constant 0 : i32
        %dma_start3A_128 = tpu.memref_slice %arg7[%dma_start3A_125, %dma_start3A_126, %dma_start3A_127] : memref<40x2x128xi32, #tpu.memory_space<vmem>> -> memref<10x2x128xi32, #tpu.memory_space<vmem>>
        %dma_start3A_129 = arith.constant 1240 : i32
        %dma_start3A_130 = arith.constant 0 : i32
        %dma_start3A_131 = arith.constant 0 : i32
        %dma_start3A_132 = tpu.memref_slice %arg3[%dma_start3A_129, %dma_start3A_130, %dma_start3A_131] : memref<1250x2x128xi32, #tpu.memory_space<hbm>> -> memref<10x2x128xi32, #tpu.memory_space<hbm>>
        tpu.enqueue_dma source(%dma_start3A_132 : memref<10x2x128xi32, #tpu.memory_space<hbm>>) target(%dma_start3A_128 : memref<10x2x128xi32, #tpu.memory_space<vmem>>) target_semaphore(%run_scoped3A : memref<!tpu.dma_semaphore, #tpu.memory_space<semaphore_mem>>)
        %dma_wait3A_133 = arith.constant 0 : i32
        %dma_wait3A_134 = arith.constant 0 : i32
        %dma_wait3A_135 = arith.constant 0 : i32
        %dma_wait3A_136 = tpu.memref_slice %arg7[%dma_wait3A_133, %dma_wait3A_134, %dma_wait3A_135] : memref<40x2x128xi32, #tpu.memory_space<vmem>> -> memref<10x2x128xi32, #tpu.memory_space<vmem>>
        %dma_wait3A_137 = arith.constant 1240 : i32
        %dma_wait3A_138 = arith.constant 0 : i32
        %dma_wait3A_139 = arith.constant 0 : i32
        %dma_wait3A_140 = tpu.memref_slice %arg3[%dma_wait3A_137, %dma_wait3A_138, %dma_wait3A_139] : memref<1250x2x128xi32, #tpu.memory_space<hbm>> -> memref<10x2x128xi32, #tpu.memory_space<hbm>>
        %dma_wait3A_141 = arith.constant 0 : i32
        %dma_wait3A_142 = arith.constant 0 : i32
        %dma_wait3A_143 = arith.constant 0 : i32
        %dma_wait3A_144 = tpu.memref_slice %arg7[%dma_wait3A_141, %dma_wait3A_142, %dma_wait3A_143] : memref<40x2x128xi32, #tpu.memory_space<vmem>> -> memref<10x2x128xi32, #tpu.memory_space<vmem>>
        %dma_wait3A_145 = arith.constant 1240 : i32
        %dma_wait3A_146 = arith.constant 0 : i32
        %dma_wait3A_147 = arith.constant 0 : i32
        %dma_wait3A_148 = tpu.memref_slice %arg3[%dma_wait3A_145, %dma_wait3A_146, %dma_wait3A_147] : memref<1250x2x128xi32, #tpu.memory_space<hbm>> -> memref<10x2x128xi32, #tpu.memory_space<hbm>>
        tpu.wait_dma2 semaphore(%run_scoped3A : memref<!tpu.dma_semaphore, #tpu.memory_space<semaphore_mem>>) src(%dma_wait3A_148 : memref<10x2x128xi32, #tpu.memory_space<hbm>>) dst(%dma_wait3A_144 : memref<10x2x128xi32, #tpu.memory_space<vmem>>)
        tpu.yield
      }) : () -> ()
      "tpu.region"() ({
        %run_scoped3A = tpu.sem_alloc : memref<!tpu.dma_semaphore, #tpu.memory_space<semaphore_mem>>
        %dma_start3A_117 = arith.constant 10 : i32
        %dma_start3A_118 = arith.constant 0 : i32
        %dma_start3A_119 = arith.constant 0 : i32
        %dma_start3A_120 = tpu.memref_slice %arg7[%dma_start3A_117, %dma_start3A_118, %dma_start3A_119] : memref<40x2x128xi32, #tpu.memory_space<vmem>> -> memref<30x2x128xi32, #tpu.memory_space<vmem>>
        %dma_start3A_121 = arith.constant 10 : i32
        %dma_start3A_122 = arith.constant 0 : i32
        %dma_start3A_123 = arith.constant 0 : i32
        %dma_start3A_124 = tpu.memref_slice %arg7[%dma_start3A_121, %dma_start3A_122, %dma_start3A_123] : memref<40x2x128xi32, #tpu.memory_space<vmem>> -> memref<30x2x128xi32, #tpu.memory_space<vmem>>
        tpu.enqueue_dma source(%arg4 : memref<30x2x128xi32, #tpu.memory_space<hbm>>) target(%dma_start3A_124 : memref<30x2x128xi32, #tpu.memory_space<vmem>>) target_semaphore(%run_scoped3A : memref<!tpu.dma_semaphore, #tpu.memory_space<semaphore_mem>>)
        %dma_wait3A_125 = arith.constant 10 : i32
        %dma_wait3A_126 = arith.constant 0 : i32
        %dma_wait3A_127 = arith.constant 0 : i32
        %dma_wait3A_128 = tpu.memref_slice %arg7[%dma_wait3A_125, %dma_wait3A_126, %dma_wait3A_127] : memref<40x2x128xi32, #tpu.memory_space<vmem>> -> memref<30x2x128xi32, #tpu.memory_space<vmem>>
        %dma_wait3A_129 = arith.constant 10 : i32
        %dma_wait3A_130 = arith.constant 0 : i32
        %dma_wait3A_131 = arith.constant 0 : i32
        %dma_wait3A_132 = tpu.memref_slice %arg7[%dma_wait3A_129, %dma_wait3A_130, %dma_wait3A_131] : memref<40x2x128xi32, #tpu.memory_space<vmem>> -> memref<30x2x128xi32, #tpu.memory_space<vmem>>
        tpu.wait_dma2 semaphore(%run_scoped3A : memref<!tpu.dma_semaphore, #tpu.memory_space<semaphore_mem>>) src(%arg4 : memref<30x2x128xi32, #tpu.memory_space<hbm>>) dst(%dma_wait3A_132 : memref<30x2x128xi32, #tpu.memory_space<vmem>>)
        tpu.yield
      }) : () -> ()
    } else {
    }
    %mul3A_7 = arith.constant 640 : i32
    %mul3A_8 = arith.muli %arg1, %mul3A_7 : i32
    "tpu.region"() ({
      %run_scoped3A = tpu.sem_alloc : memref<!tpu.dma_semaphore, #tpu.memory_space<semaphore_mem>>
      %dma_start3A_117 = arith.constant 0 : i32
      %dma_start3A_118 = tpu.memref_slice %arg32[%mul3A_8, %dma_start3A_117] : memref<10240x32xf32, #tpu.memory_space<vmem_shared>> -> memref<640x32xf32, #tpu.memory_space<vmem_shared>>
      tpu.enqueue_dma source(%arg5 : memref<640x32xf32, #tpu.memory_space<hbm>>) target(%dma_start3A_118 : memref<640x32xf32, #tpu.memory_space<vmem_shared>>) target_semaphore(%run_scoped3A : memref<!tpu.dma_semaphore, #tpu.memory_space<semaphore_mem>>)
      %dma_wait3A_119 = arith.constant 0 : i32
      %dma_wait3A_120 = tpu.memref_slice %arg32[%mul3A_8, %dma_wait3A_119] : memref<10240x32xf32, #tpu.memory_space<vmem_shared>> -> memref<640x32xf32, #tpu.memory_space<vmem_shared>>
      tpu.wait_dma2 semaphore(%run_scoped3A : memref<!tpu.dma_semaphore, #tpu.memory_space<semaphore_mem>>) src(%arg5 : memref<640x32xf32, #tpu.memory_space<hbm>>) dst(%dma_wait3A_120 : memref<640x32xf32, #tpu.memory_space<vmem_shared>>)
      tpu.yield
    }) : () -> ()
    %scan3A = arith.constant 0 : i32
    %scan3A_9 = arith.constant 40 : i32
    %scan3A_10 = arith.addi %scan3A, %scan3A_9 : i32
    %scan3A_11 = arith.constant 1 : i32
    scf.for %scan3A_117 = %scan3A to %scan3A_10 step %scan3A_11  : i32 {
      %mul3A_118 = arith.constant 1 : i32
      %mul3A_119 = arith.muli %scan3A_117, %mul3A_118 : i32
      %add3A_120 = arith.constant 0 : i32
      %add3A_121 = arith.addi %add3A_120, %mul3A_119 : i32
      %get3A = arith.constant 0 : i32
      %get3A_122 = arith.index_cast %add3A_121 : i32 to index
      %get3A_123 = arith.index_cast %get3A : i32 to index
      %get3A_124 = arith.constant 0 : index
      %get3A_125 = tpu.vector_load %arg7[%get3A_122, %get3A_123, %get3A_124] {strides = array<i32>} : memref<40x2x128xi32, #tpu.memory_space<vmem>>, vector<16xi32>,
      %shift_right_arithmetic3A = arith.constant 1 : i32
      %shift_right_arithmetic3A_126 = vector.broadcast %shift_right_arithmetic3A : i32 to vector<16xi32>
      %shift_right_arithmetic3A_127 = arith.shrsi %get3A_125, %shift_right_arithmetic3A_126 : vector<16xi32>
      %mul3A_128 = arith.constant 4 : i32
      %mul3A_129 = vector.broadcast %mul3A_128 : i32 to vector<16xi32>
      %mul3A_130 = arith.muli %mul3A_129, %shift_right_arithmetic3A_127 : vector<16xi32>
      %and3A = arith.constant 1 : i32
      %and3A_131 = vector.broadcast %and3A : i32 to vector<16xi32>
      %and3A_132 = arith.andi %get3A_125, %and3A_131 : vector<16xi32>
      %add3A_133 = arith.addi %mul3A_130, %and3A_132 : vector<16xi32>
      %swap3A = arith.constant 0 : i32
      %swap3A_134 = arith.index_cast %add3A_121 : i32 to index
      %swap3A_135 = arith.index_cast %swap3A : i32 to index
      %swap3A_136 = arith.constant 0 : index
      %swap3A_137 = tpu.vector_load %arg7[%swap3A_134, %swap3A_135, %swap3A_136] {strides = array<i32>} : memref<40x2x128xi32, #tpu.memory_space<vmem>>, vector<16xi32>,
      tpu.vector_store %arg7[%swap3A_134, %swap3A_135, %swap3A_136], %add3A_133 {strides = array<i32>} : memref<40x2x128xi32, #tpu.memory_space<vmem>>, vector<16xi32>,
      %get3A_138 = arith.constant 0 : i32
      %get3A_139 = arith.index_cast %add3A_121 : i32 to index
      %get3A_140 = arith.index_cast %get3A_138 : i32 to index
      %get3A_141 = arith.constant 16 : index
      %get3A_142 = tpu.vector_load %arg7[%get3A_139, %get3A_140, %get3A_141] {strides = array<i32>} : memref<40x2x128xi32, #tpu.memory_space<vmem>>, vector<16xi32>,
      %shift_right_arithmetic3A_143 = arith.constant 1 : i32
      %shift_right_arithmetic3A_144 = vector.broadcast %shift_right_arithmetic3A_143 : i32 to vector<16xi32>
      %shift_right_arithmetic3A_145 = arith.shrsi %get3A_142, %shift_right_arithmetic3A_144 : vector<16xi32>
      %mul3A_146 = arith.constant 4 : i32
      %mul3A_147 = vector.broadcast %mul3A_146 : i32 to vector<16xi32>
      %mul3A_148 = arith.muli %mul3A_147, %shift_right_arithmetic3A_145 : vector<16xi32>
      %and3A_149 = arith.constant 1 : i32
      %and3A_150 = vector.broadcast %and3A_149 : i32 to vector<16xi32>
      %and3A_151 = arith.andi %get3A_142, %and3A_150 : vector<16xi32>
      %add3A_152 = arith.addi %mul3A_148, %and3A_151 : vector<16xi32>
      %swap3A_153 = arith.constant 0 : i32
      %swap3A_154 = arith.index_cast %add3A_121 : i32 to index
      %swap3A_155 = arith.index_cast %swap3A_153 : i32 to index
      %swap3A_156 = arith.constant 16 : index
      %swap3A_157 = tpu.vector_load %arg7[%swap3A_154, %swap3A_155, %swap3A_156] {strides = array<i32>} : memref<40x2x128xi32, #tpu.memory_space<vmem>>, vector<16xi32>,
      tpu.vector_store %arg7[%swap3A_154, %swap3A_155, %swap3A_156], %add3A_152 {strides = array<i32>} : memref<40x2x128xi32, #tpu.memory_space<vmem>>, vector<16xi32>,
      %get3A_158 = arith.constant 0 : i32
      %get3A_159 = arith.index_cast %add3A_121 : i32 to index
      %get3A_160 = arith.index_cast %get3A_158 : i32 to index
      %get3A_161 = arith.constant 32 : index
      %get3A_162 = tpu.vector_load %arg7[%get3A_159, %get3A_160, %get3A_161] {strides = array<i32>} : memref<40x2x128xi32, #tpu.memory_space<vmem>>, vector<16xi32>,
      %shift_right_arithmetic3A_163 = arith.constant 1 : i32
      %shift_right_arithmetic3A_164 = vector.broadcast %shift_right_arithmetic3A_163 : i32 to vector<16xi32>
      %shift_right_arithmetic3A_165 = arith.shrsi %get3A_162, %shift_right_arithmetic3A_164 : vector<16xi32>
      %mul3A_166 = arith.constant 4 : i32
      %mul3A_167 = vector.broadcast %mul3A_166 : i32 to vector<16xi32>
      %mul3A_168 = arith.muli %mul3A_167, %shift_right_arithmetic3A_165 : vector<16xi32>
      %and3A_169 = arith.constant 1 : i32
      %and3A_170 = vector.broadcast %and3A_169 : i32 to vector<16xi32>
      %and3A_171 = arith.andi %get3A_162, %and3A_170 : vector<16xi32>
      %add3A_172 = arith.addi %mul3A_168, %and3A_171 : vector<16xi32>
      %swap3A_173 = arith.constant 0 : i32
      %swap3A_174 = arith.index_cast %add3A_121 : i32 to index
      %swap3A_175 = arith.index_cast %swap3A_173 : i32 to index
      %swap3A_176 = arith.constant 32 : index
      %swap3A_177 = tpu.vector_load %arg7[%swap3A_174, %swap3A_175, %swap3A_176] {strides = array<i32>} : memref<40x2x128xi32, #tpu.memory_space<vmem>>, vector<16xi32>,
      tpu.vector_store %arg7[%swap3A_174, %swap3A_175, %swap3A_176], %add3A_172 {strides = array<i32>} : memref<40x2x128xi32, #tpu.memory_space<vmem>>, vector<16xi32>,
      %get3A_178 = arith.constant 0 : i32
      %get3A_179 = arith.index_cast %add3A_121 : i32 to index
      %get3A_180 = arith.index_cast %get3A_178 : i32 to index
      %get3A_181 = arith.constant 48 : index
      %get3A_182 = tpu.vector_load %arg7[%get3A_179, %get3A_180, %get3A_181] {strides = array<i32>} : memref<40x2x128xi32, #tpu.memory_space<vmem>>, vector<16xi32>,
      %shift_right_arithmetic3A_183 = arith.constant 1 : i32
      %shift_right_arithmetic3A_184 = vector.broadcast %shift_right_arithmetic3A_183 : i32 to vector<16xi32>
      %shift_right_arithmetic3A_185 = arith.shrsi %get3A_182, %shift_right_arithmetic3A_184 : vector<16xi32>
      %mul3A_186 = arith.constant 4 : i32
      %mul3A_187 = vector.broadcast %mul3A_186 : i32 to vector<16xi32>
      %mul3A_188 = arith.muli %mul3A_187, %shift_right_arithmetic3A_185 : vector<16xi32>
      %and3A_189 = arith.constant 1 : i32
      %and3A_190 = vector.broadcast %and3A_189 : i32 to vector<16xi32>
      %and3A_191 = arith.andi %get3A_182, %and3A_190 : vector<16xi32>
      %add3A_192 = arith.addi %mul3A_188, %and3A_191 : vector<16xi32>
      %swap3A_193 = arith.constant 0 : i32
      %swap3A_194 = arith.index_cast %add3A_121 : i32 to index
      %swap3A_195 = arith.index_cast %swap3A_193 : i32 to index
      %swap3A_196 = arith.constant 48 : index
      %swap3A_197 = tpu.vector_load %arg7[%swap3A_194, %swap3A_195, %swap3A_196] {strides = array<i32>} : memref<40x2x128xi32, #tpu.memory_space<vmem>>, vector<16xi32>,
      tpu.vector_store %arg7[%swap3A_194, %swap3A_195, %swap3A_196], %add3A_192 {strides = array<i32>} : memref<40x2x128xi32, #tpu.memory_space<vmem>>, vector<16xi32>,
      %get3A_198 = arith.constant 0 : i32
      %get3A_199 = arith.index_cast %add3A_121 : i32 to index
      %get3A_200 = arith.index_cast %get3A_198 : i32 to index
      %get3A_201 = arith.constant 64 : index
      %get3A_202 = tpu.vector_load %arg7[%get3A_199, %get3A_200, %get3A_201] {strides = array<i32>} : memref<40x2x128xi32, #tpu.memory_space<vmem>>, vector<16xi32>,
      %shift_right_arithmetic3A_203 = arith.constant 1 : i32
      %shift_right_arithmetic3A_204 = vector.broadcast %shift_right_arithmetic3A_203 : i32 to vector<16xi32>
      %shift_right_arithmetic3A_205 = arith.shrsi %get3A_202, %shift_right_arithmetic3A_204 : vector<16xi32>
      %mul3A_206 = arith.constant 4 : i32
      %mul3A_207 = vector.broadcast %mul3A_206 : i32 to vector<16xi32>
      %mul3A_208 = arith.muli %mul3A_207, %shift_right_arithmetic3A_205 : vector<16xi32>
      %and3A_209 = arith.constant 1 : i32
      %and3A_210 = vector.broadcast %and3A_209 : i32 to vector<16xi32>
      %and3A_211 = arith.andi %get3A_202, %and3A_210 : vector<16xi32>
      %add3A_212 = arith.addi %mul3A_208, %and3A_211 : vector<16xi32>
      %swap3A_213 = arith.constant 0 : i32
      %swap3A_214 = arith.index_cast %add3A_121 : i32 to index
      %swap3A_215 = arith.index_cast %swap3A_213 : i32 to index
      %swap3A_216 = arith.constant 64 : index
      %swap3A_217 = tpu.vector_load %arg7[%swap3A_214, %swap3A_215, %swap3A_216] {strides = array<i32>} : memref<40x2x128xi32, #tpu.memory_space<vmem>>, vector<16xi32>,
      tpu.vector_store %arg7[%swap3A_214, %swap3A_215, %swap3A_216], %add3A_212 {strides = array<i32>} : memref<40x2x128xi32, #tpu.memory_space<vmem>>, vector<16xi32>,
      %get3A_218 = arith.constant 0 : i32
      %get3A_219 = arith.index_cast %add3A_121 : i32 to index
      %get3A_220 = arith.index_cast %get3A_218 : i32 to index
      %get3A_221 = arith.constant 80 : index
      %get3A_222 = tpu.vector_load %arg7[%get3A_219, %get3A_220, %get3A_221] {strides = array<i32>} : memref<40x2x128xi32, #tpu.memory_space<vmem>>, vector<16xi32>,
      %shift_right_arithmetic3A_223 = arith.constant 1 : i32
      %shift_right_arithmetic3A_224 = vector.broadcast %shift_right_arithmetic3A_223 : i32 to vector<16xi32>
      %shift_right_arithmetic3A_225 = arith.shrsi %get3A_222, %shift_right_arithmetic3A_224 : vector<16xi32>
      %mul3A_226 = arith.constant 4 : i32
      %mul3A_227 = vector.broadcast %mul3A_226 : i32 to vector<16xi32>
      %mul3A_228 = arith.muli %mul3A_227, %shift_right_arithmetic3A_225 : vector<16xi32>
      %and3A_229 = arith.constant 1 : i32
      %and3A_230 = vector.broadcast %and3A_229 : i32 to vector<16xi32>
      %and3A_231 = arith.andi %get3A_222, %and3A_230 : vector<16xi32>
      %add3A_232 = arith.addi %mul3A_228, %and3A_231 : vector<16xi32>
      %swap3A_233 = arith.constant 0 : i32
      %swap3A_234 = arith.index_cast %add3A_121 : i32 to index
      %swap3A_235 = arith.index_cast %swap3A_233 : i32 to index
      %swap3A_236 = arith.constant 80 : index
      %swap3A_237 = tpu.vector_load %arg7[%swap3A_234, %swap3A_235, %swap3A_236] {strides = array<i32>} : memref<40x2x128xi32, #tpu.memory_space<vmem>>, vector<16xi32>,
      tpu.vector_store %arg7[%swap3A_234, %swap3A_235, %swap3A_236], %add3A_232 {strides = array<i32>} : memref<40x2x128xi32, #tpu.memory_space<vmem>>, vector<16xi32>,
      %get3A_238 = arith.constant 0 : i32
      %get3A_239 = arith.index_cast %add3A_121 : i32 to index
      %get3A_240 = arith.index_cast %get3A_238 : i32 to index
      %get3A_241 = arith.constant 96 : index
      %get3A_242 = tpu.vector_load %arg7[%get3A_239, %get3A_240, %get3A_241] {strides = array<i32>} : memref<40x2x128xi32, #tpu.memory_space<vmem>>, vector<16xi32>,
      %shift_right_arithmetic3A_243 = arith.constant 1 : i32
      %shift_right_arithmetic3A_244 = vector.broadcast %shift_right_arithmetic3A_243 : i32 to vector<16xi32>
      %shift_right_arithmetic3A_245 = arith.shrsi %get3A_242, %shift_right_arithmetic3A_244 : vector<16xi32>
      %mul3A_246 = arith.constant 4 : i32
      %mul3A_247 = vector.broadcast %mul3A_246 : i32 to vector<16xi32>
      %mul3A_248 = arith.muli %mul3A_247, %shift_right_arithmetic3A_245 : vector<16xi32>
      %and3A_249 = arith.constant 1 : i32
      %and3A_250 = vector.broadcast %and3A_249 : i32 to vector<16xi32>
      %and3A_251 = arith.andi %get3A_242, %and3A_250 : vector<16xi32>
      %add3A_252 = arith.addi %mul3A_248, %and3A_251 : vector<16xi32>
      %swap3A_253 = arith.constant 0 : i32
      %swap3A_254 = arith.index_cast %add3A_121 : i32 to index
      %swap3A_255 = arith.index_cast %swap3A_253 : i32 to index
      %swap3A_256 = arith.constant 96 : index
      %swap3A_257 = tpu.vector_load %arg7[%swap3A_254, %swap3A_255, %swap3A_256] {strides = array<i32>} : memref<40x2x128xi32, #tpu.memory_space<vmem>>, vector<16xi32>,
      tpu.vector_store %arg7[%swap3A_254, %swap3A_255, %swap3A_256], %add3A_252 {strides = array<i32>} : memref<40x2x128xi32, #tpu.memory_space<vmem>>, vector<16xi32>,
      %get3A_258 = arith.constant 0 : i32
      %get3A_259 = arith.index_cast %add3A_121 : i32 to index
      %get3A_260 = arith.index_cast %get3A_258 : i32 to index
      %get3A_261 = arith.constant 112 : index
      %get3A_262 = tpu.vector_load %arg7[%get3A_259, %get3A_260, %get3A_261] {strides = array<i32>} : memref<40x2x128xi32, #tpu.memory_space<vmem>>, vector<16xi32>,
      %shift_right_arithmetic3A_263 = arith.constant 1 : i32
      %shift_right_arithmetic3A_264 = vector.broadcast %shift_right_arithmetic3A_263 : i32 to vector<16xi32>
      %shift_right_arithmetic3A_265 = arith.shrsi %get3A_262, %shift_right_arithmetic3A_264 : vector<16xi32>
      %mul3A_266 = arith.constant 4 : i32
      %mul3A_267 = vector.broadcast %mul3A_266 : i32 to vector<16xi32>
      %mul3A_268 = arith.muli %mul3A_267, %shift_right_arithmetic3A_265 : vector<16xi32>
      %and3A_269 = arith.constant 1 : i32
      %and3A_270 = vector.broadcast %and3A_269 : i32 to vector<16xi32>
      %and3A_271 = arith.andi %get3A_262, %and3A_270 : vector<16xi32>
      %add3A_272 = arith.addi %mul3A_268, %and3A_271 : vector<16xi32>
      %swap3A_273 = arith.constant 0 : i32
      %swap3A_274 = arith.index_cast %add3A_121 : i32 to index
      %swap3A_275 = arith.index_cast %swap3A_273 : i32 to index
      %swap3A_276 = arith.constant 112 : index
      %swap3A_277 = tpu.vector_load %arg7[%swap3A_274, %swap3A_275, %swap3A_276] {strides = array<i32>} : memref<40x2x128xi32, #tpu.memory_space<vmem>>, vector<16xi32>,
      tpu.vector_store %arg7[%swap3A_274, %swap3A_275, %swap3A_276], %add3A_272 {strides = array<i32>} : memref<40x2x128xi32, #tpu.memory_space<vmem>>, vector<16xi32>,
    }
    %scan3A_12 = arith.constant 40 : i32
    %barrier3A = arith.constant 0 : index
    tpu.barrier barrier_id(%barrier3A)
    %dma_start3A = arith.constant 0 : i32
    %dma_start3A_13 = arith.constant 0 : i32
    %dma_start3A_14 = arith.constant 0 : i32
    %dma_start3A_15 = tpu.memref_slice %arg7[%dma_start3A, %dma_start3A_13, %dma_start3A_14] : memref<40x2x128xi32, #tpu.memory_space<vmem>> -> memref<1x1x128xi32, #tpu.memory_space<vmem>>
    %dma_start3A_16 = tpu.memref_squeeze %dma_start3A_15 : memref<1x1x128xi32, #tpu.memory_space<vmem>> -> memref<128xi32, #tpu.memory_space<vmem>>
    %dma_start3A_17 = arith.constant 0 : i32
    %dma_start3A_18 = arith.constant 0 : i32
    %dma_start3A_19 = tpu.memref_slice %arg2[%dma_start3A_17, %dma_start3A_18] : memref<20480x32xf32, #tpu.memory_space<hbm>> -> memref<20480x32xf32, #tpu.memory_space<hbm>>
    tpu.enqueue_indirect_dma source(%dma_start3A_19 : memref<20480x32xf32, #tpu.memory_space<hbm>>) target(%arg8 : memref<128x32xf32, #tpu.memory_space<vmem>>) offsets(%dma_start3A_16 : memref<128xi32, #tpu.memory_space<vmem>>) semaphore(%arg16 : memref<!tpu.dma_semaphore, #tpu.memory_space<semaphore_mem>>)
    %dma_start3A_20 = arith.constant 1 : i32
    %dma_start3A_21 = arith.constant 0 : i32
    %dma_start3A_22 = arith.constant 0 : i32
    %dma_start3A_23 = tpu.memref_slice %arg7[%dma_start3A_20, %dma_start3A_21, %dma_start3A_22] : memref<40x2x128xi32, #tpu.memory_space<vmem>> -> memref<1x1x128xi32, #tpu.memory_space<vmem>>
    %dma_start3A_24 = tpu.memref_squeeze %dma_start3A_23 : memref<1x1x128xi32, #tpu.memory_space<vmem>> -> memref<128xi32, #tpu.memory_space<vmem>>
    %dma_start3A_25 = arith.constant 0 : i32
    %dma_start3A_26 = arith.constant 0 : i32
    %dma_start3A_27 = tpu.memref_slice %arg2[%dma_start3A_25, %dma_start3A_26] : memref<20480x32xf32, #tpu.memory_space<hbm>> -> memref<20480x32xf32, #tpu.memory_space<hbm>>
    tpu.enqueue_indirect_dma source(%dma_start3A_27 : memref<20480x32xf32, #tpu.memory_space<hbm>>) target(%arg9 : memref<128x32xf32, #tpu.memory_space<vmem>>) offsets(%dma_start3A_24 : memref<128xi32, #tpu.memory_space<vmem>>) semaphore(%arg17 : memref<!tpu.dma_semaphore, #tpu.memory_space<semaphore_mem>>)
    %dma_start3A_28 = arith.constant 2 : i32
    %dma_start3A_29 = arith.constant 0 : i32
    %dma_start3A_30 = arith.constant 0 : i32
    %dma_start3A_31 = tpu.memref_slice %arg7[%dma_start3A_28, %dma_start3A_29, %dma_start3A_30] : memref<40x2x128xi32, #tpu.memory_space<vmem>> -> memref<1x1x128xi32, #tpu.memory_space<vmem>>
    %dma_start3A_32 = tpu.memref_squeeze %dma_start3A_31 : memref<1x1x128xi32, #tpu.memory_space<vmem>> -> memref<128xi32, #tpu.memory_space<vmem>>
    %dma_start3A_33 = arith.constant 0 : i32
    %dma_start3A_34 = arith.constant 0 : i32
    %dma_start3A_35 = tpu.memref_slice %arg2[%dma_start3A_33, %dma_start3A_34] : memref<20480x32xf32, #tpu.memory_space<hbm>> -> memref<20480x32xf32, #tpu.memory_space<hbm>>
    tpu.enqueue_indirect_dma source(%dma_start3A_35 : memref<20480x32xf32, #tpu.memory_space<hbm>>) target(%arg10 : memref<128x32xf32, #tpu.memory_space<vmem>>) offsets(%dma_start3A_32 : memref<128xi32, #tpu.memory_space<vmem>>) semaphore(%arg18 : memref<!tpu.dma_semaphore, #tpu.memory_space<semaphore_mem>>)
    %dma_start3A_36 = arith.constant 3 : i32
    %dma_start3A_37 = arith.constant 0 : i32
    %dma_start3A_38 = arith.constant 0 : i32
    %dma_start3A_39 = tpu.memref_slice %arg7[%dma_start3A_36, %dma_start3A_37, %dma_start3A_38] : memref<40x2x128xi32, #tpu.memory_space<vmem>> -> memref<1x1x128xi32, #tpu.memory_space<vmem>>
    %dma_start3A_40 = tpu.memref_squeeze %dma_start3A_39 : memref<1x1x128xi32, #tpu.memory_space<vmem>> -> memref<128xi32, #tpu.memory_space<vmem>>
    %dma_start3A_41 = arith.constant 0 : i32
    %dma_start3A_42 = arith.constant 0 : i32
    %dma_start3A_43 = tpu.memref_slice %arg2[%dma_start3A_41, %dma_start3A_42] : memref<20480x32xf32, #tpu.memory_space<hbm>> -> memref<20480x32xf32, #tpu.memory_space<hbm>>
    tpu.enqueue_indirect_dma source(%dma_start3A_43 : memref<20480x32xf32, #tpu.memory_space<hbm>>) target(%arg11 : memref<128x32xf32, #tpu.memory_space<vmem>>) offsets(%dma_start3A_40 : memref<128xi32, #tpu.memory_space<vmem>>) semaphore(%arg19 : memref<!tpu.dma_semaphore, #tpu.memory_space<semaphore_mem>>)
    %scan3A_44 = arith.constant 0 : i32
    %scan3A_45 = arith.constant 5 : i32
    %scan3A_46 = arith.addi %scan3A_44, %scan3A_45 : i32
    %scan3A_47 = arith.constant 1 : i32
    scf.for %scan3A_117 = %scan3A_44 to %scan3A_46 step %scan3A_47  : i32 {
      %mul3A_118 = arith.constant 8 : i32
      %mul3A_119 = arith.muli %scan3A_117, %mul3A_118 : i32
      %add3A_120 = arith.constant 0 : i32
      %add3A_121 = arith.addi %add3A_120, %mul3A_119 : i32
      %add3A_122 = arith.constant 0 : i32
      %add3A_123 = arith.addi %add3A_121, %add3A_122 : i32
      %dma_wait3A_124 = arith.constant 0 : i32
      %dma_wait3A_125 = arith.constant 0 : i32
      %dma_wait3A_126 = tpu.memref_slice %arg7[%add3A_123, %dma_wait3A_124, %dma_wait3A_125] : memref<40x2x128xi32, #tpu.memory_space<vmem>> -> memref<1x1x128xi32, #tpu.memory_space<vmem>>
      %dma_wait3A_127 = tpu.memref_squeeze %dma_wait3A_126 : memref<1x1x128xi32, #tpu.memory_space<vmem>> -> memref<128xi32, #tpu.memory_space<vmem>>
      %dma_wait3A_128 = arith.constant 0 : i32
      %dma_wait3A_129 = arith.constant 0 : i32
      %dma_wait3A_130 = tpu.memref_slice %arg2[%dma_wait3A_128, %dma_wait3A_129] : memref<20480x32xf32, #tpu.memory_space<hbm>> -> memref<20480x32xf32, #tpu.memory_space<hbm>>
      tpu.wait_indirect_dma semaphore(%arg16 : memref<!tpu.dma_semaphore, #tpu.memory_space<semaphore_mem>>) src(%dma_wait3A_130 : memref<20480x32xf32, #tpu.memory_space<hbm>>) dst(%arg8 : memref<128x32xf32, #tpu.memory_space<vmem>>)
      %add3A_131 = arith.constant 0 : i32
      %add3A_132 = arith.addi %add3A_121, %add3A_131 : i32
      %dma_start3A_133 = arith.constant 1 : i32
      %dma_start3A_134 = arith.constant 0 : i32
      %dma_start3A_135 = tpu.memref_slice %arg7[%add3A_132, %dma_start3A_133, %dma_start3A_134] : memref<40x2x128xi32, #tpu.memory_space<vmem>> -> memref<1x1x128xi32, #tpu.memory_space<vmem>>
      %dma_start3A_136 = tpu.memref_squeeze %dma_start3A_135 : memref<1x1x128xi32, #tpu.memory_space<vmem>> -> memref<128xi32, #tpu.memory_space<vmem>>
      %dma_start3A_137 = arith.constant 0 : i32
      %dma_start3A_138 = arith.constant 0 : i32
      %dma_start3A_139 = tpu.memref_slice %arg32[%dma_start3A_137, %dma_start3A_138] : memref<10240x32xf32, #tpu.memory_space<vmem_shared>> -> memref<10240x32xf32, #tpu.memory_space<vmem_shared>>
      tpu.enqueue_indirect_dma source(%arg8 : memref<128x32xf32, #tpu.memory_space<vmem>>) target(%dma_start3A_139 : memref<10240x32xf32, #tpu.memory_space<vmem_shared>>) offsets(%dma_start3A_136 : memref<128xi32, #tpu.memory_space<vmem>>) semaphore(%arg24 : memref<!tpu.dma_semaphore, #tpu.memory_space<semaphore_mem>>) {add = true}
      %add3A_140 = arith.constant 0 : i32
      %add3A_141 = arith.addi %add3A_121, %add3A_140 : i32
      %add3A_142 = arith.constant 4 : i32
      %add3A_143 = arith.addi %add3A_141, %add3A_142 : i32
      %lt3A_144 = arith.constant 40 : i32
      %lt3A_145 = arith.cmpi slt, %add3A_143, %lt3A_144 : i32
      %convert_element_type3A_146 = arith.extui %lt3A_145 : i1 to i32
      %cond3A_147 = arith.constant 0 : i32
      %cond3A_148 = arith.cmpi ne, %convert_element_type3A_146, %cond3A_147 : i32
      scf.if %cond3A_148 {
        %add3A_338 = arith.constant 0 : i32
        %add3A_339 = arith.addi %add3A_121, %add3A_338 : i32
        %ge3A = arith.constant 4 : i32
        %ge3A_340 = arith.cmpi sge, %add3A_339, %ge3A : i32
        %convert_element_type3A_341 = arith.extui %ge3A_340 : i1 to i32
        %cond3A_342 = arith.constant 0 : i32
        %cond3A_343 = arith.cmpi ne, %convert_element_type3A_341, %cond3A_342 : i32
        scf.if %cond3A_343 {
          %add3A_355 = arith.constant 0 : i32
          %add3A_356 = arith.addi %add3A_121, %add3A_355 : i32
          %sub3A = arith.constant 4 : i32
          %sub3A_357 = arith.subi %add3A_356, %sub3A : i32
          %dma_wait3A_358 = arith.constant 1 : i32
          %dma_wait3A_359 = arith.constant 0 : i32
          %dma_wait3A_360 = tpu.memref_slice %arg7[%sub3A_357, %dma_wait3A_358, %dma_wait3A_359] : memref<40x2x128xi32, #tpu.memory_space<vmem>> -> memref<1x1x128xi32, #tpu.memory_space<vmem>>
          %dma_wait3A_361 = tpu.memref_squeeze %dma_wait3A_360 : memref<1x1x128xi32, #tpu.memory_space<vmem>> -> memref<128xi32, #tpu.memory_space<vmem>>
          %dma_wait3A_362 = arith.constant 0 : i32
          %dma_wait3A_363 = arith.constant 0 : i32
          %dma_wait3A_364 = tpu.memref_slice %arg32[%dma_wait3A_362, %dma_wait3A_363] : memref<10240x32xf32, #tpu.memory_space<vmem_shared>> -> memref<10240x32xf32, #tpu.memory_space<vmem_shared>>
          tpu.wait_indirect_dma semaphore(%arg28 : memref<!tpu.dma_semaphore, #tpu.memory_space<semaphore_mem>>) src(%arg12 : memref<128x32xf32, #tpu.memory_space<vmem>>) dst(%dma_wait3A_364 : memref<10240x32xf32, #tpu.memory_space<vmem_shared>>)
        } else {
        }
        %add3A_344 = arith.constant 0 : i32
        %add3A_345 = arith.addi %add3A_121, %add3A_344 : i32
        %add3A_346 = arith.constant 4 : i32
        %add3A_347 = arith.addi %add3A_345, %add3A_346 : i32
        %dma_start3A_348 = arith.constant 0 : i32
        %dma_start3A_349 = arith.constant 0 : i32
        %dma_start3A_350 = tpu.memref_slice %arg7[%add3A_347, %dma_start3A_348, %dma_start3A_349] : memref<40x2x128xi32, #tpu.memory_space<vmem>> -> memref<1x1x128xi32, #tpu.memory_space<vmem>>
        %dma_start3A_351 = tpu.memref_squeeze %dma_start3A_350 : memref<1x1x128xi32, #tpu.memory_space<vmem>> -> memref<128xi32, #tpu.memory_space<vmem>>
        %dma_start3A_352 = arith.constant 0 : i32
        %dma_start3A_353 = arith.constant 0 : i32
        %dma_start3A_354 = tpu.memref_slice %arg2[%dma_start3A_352, %dma_start3A_353] : memref<20480x32xf32, #tpu.memory_space<hbm>> -> memref<20480x32xf32, #tpu.memory_space<hbm>>
        tpu.enqueue_indirect_dma source(%dma_start3A_354 : memref<20480x32xf32, #tpu.memory_space<hbm>>) target(%arg12 : memref<128x32xf32, #tpu.memory_space<vmem>>) offsets(%dma_start3A_351 : memref<128xi32, #tpu.memory_space<vmem>>) semaphore(%arg20 : memref<!tpu.dma_semaphore, #tpu.memory_space<semaphore_mem>>)
      } else {
      }
      %add3A_149 = arith.constant 1 : i32
      %add3A_150 = arith.addi %add3A_121, %add3A_149 : i32
      %dma_wait3A_151 = arith.constant 0 : i32
      %dma_wait3A_152 = arith.constant 0 : i32
      %dma_wait3A_153 = tpu.memref_slice %arg7[%add3A_150, %dma_wait3A_151, %dma_wait3A_152] : memref<40x2x128xi32, #tpu.memory_space<vmem>> -> memref<1x1x128xi32, #tpu.memory_space<vmem>>
      %dma_wait3A_154 = tpu.memref_squeeze %dma_wait3A_153 : memref<1x1x128xi32, #tpu.memory_space<vmem>> -> memref<128xi32, #tpu.memory_space<vmem>>
      %dma_wait3A_155 = arith.constant 0 : i32
      %dma_wait3A_156 = arith.constant 0 : i32
      %dma_wait3A_157 = tpu.memref_slice %arg2[%dma_wait3A_155, %dma_wait3A_156] : memref<20480x32xf32, #tpu.memory_space<hbm>> -> memref<20480x32xf32, #tpu.memory_space<hbm>>
      tpu.wait_indirect_dma semaphore(%arg17 : memref<!tpu.dma_semaphore, #tpu.memory_space<semaphore_mem>>) src(%dma_wait3A_157 : memref<20480x32xf32, #tpu.memory_space<hbm>>) dst(%arg9 : memref<128x32xf32, #tpu.memory_space<vmem>>)
      %add3A_158 = arith.constant 1 : i32
      %add3A_159 = arith.addi %add3A_121, %add3A_158 : i32
      %dma_start3A_160 = arith.constant 1 : i32
      %dma_start3A_161 = arith.constant 0 : i32
      %dma_start3A_162 = tpu.memref_slice %arg7[%add3A_159, %dma_start3A_160, %dma_start3A_161] : memref<40x2x128xi32, #tpu.memory_space<vmem>> -> memref<1x1x128xi32, #tpu.memory_space<vmem>>
      %dma_start3A_163 = tpu.memref_squeeze %dma_start3A_162 : memref<1x1x128xi32, #tpu.memory_space<vmem>> -> memref<128xi32, #tpu.memory_space<vmem>>
      %dma_start3A_164 = arith.constant 0 : i32
      %dma_start3A_165 = arith.constant 0 : i32
      %dma_start3A_166 = tpu.memref_slice %arg32[%dma_start3A_164, %dma_start3A_165] : memref<10240x32xf32, #tpu.memory_space<vmem_shared>> -> memref<10240x32xf32, #tpu.memory_space<vmem_shared>>
      tpu.enqueue_indirect_dma source(%arg9 : memref<128x32xf32, #tpu.memory_space<vmem>>) target(%dma_start3A_166 : memref<10240x32xf32, #tpu.memory_space<vmem_shared>>) offsets(%dma_start3A_163 : memref<128xi32, #tpu.memory_space<vmem>>) semaphore(%arg25 : memref<!tpu.dma_semaphore, #tpu.memory_space<semaphore_mem>>) {add = true}
      %add3A_167 = arith.constant 1 : i32
      %add3A_168 = arith.addi %add3A_121, %add3A_167 : i32
      %add3A_169 = arith.constant 4 : i32
      %add3A_170 = arith.addi %add3A_168, %add3A_169 : i32
      %lt3A_171 = arith.constant 40 : i32
      %lt3A_172 = arith.cmpi slt, %add3A_170, %lt3A_171 : i32
      %convert_element_type3A_173 = arith.extui %lt3A_172 : i1 to i32
      %cond3A_174 = arith.constant 0 : i32
      %cond3A_175 = arith.cmpi ne, %convert_element_type3A_173, %cond3A_174 : i32
      scf.if %cond3A_175 {
        %add3A_338 = arith.constant 1 : i32
        %add3A_339 = arith.addi %add3A_121, %add3A_338 : i32
        %ge3A = arith.constant 4 : i32
        %ge3A_340 = arith.cmpi sge, %add3A_339, %ge3A : i32
        %convert_element_type3A_341 = arith.extui %ge3A_340 : i1 to i32
        %cond3A_342 = arith.constant 0 : i32
        %cond3A_343 = arith.cmpi ne, %convert_element_type3A_341, %cond3A_342 : i32
        scf.if %cond3A_343 {
          %add3A_355 = arith.constant 1 : i32
          %add3A_356 = arith.addi %add3A_121, %add3A_355 : i32
          %sub3A = arith.constant 4 : i32
          %sub3A_357 = arith.subi %add3A_356, %sub3A : i32
          %dma_wait3A_358 = arith.constant 1 : i32
          %dma_wait3A_359 = arith.constant 0 : i32
          %dma_wait3A_360 = tpu.memref_slice %arg7[%sub3A_357, %dma_wait3A_358, %dma_wait3A_359] : memref<40x2x128xi32, #tpu.memory_space<vmem>> -> memref<1x1x128xi32, #tpu.memory_space<vmem>>
          %dma_wait3A_361 = tpu.memref_squeeze %dma_wait3A_360 : memref<1x1x128xi32, #tpu.memory_space<vmem>> -> memref<128xi32, #tpu.memory_space<vmem>>
          %dma_wait3A_362 = arith.constant 0 : i32
          %dma_wait3A_363 = arith.constant 0 : i32
          %dma_wait3A_364 = tpu.memref_slice %arg32[%dma_wait3A_362, %dma_wait3A_363] : memref<10240x32xf32, #tpu.memory_space<vmem_shared>> -> memref<10240x32xf32, #tpu.memory_space<vmem_shared>>
          tpu.wait_indirect_dma semaphore(%arg29 : memref<!tpu.dma_semaphore, #tpu.memory_space<semaphore_mem>>) src(%arg13 : memref<128x32xf32, #tpu.memory_space<vmem>>) dst(%dma_wait3A_364 : memref<10240x32xf32, #tpu.memory_space<vmem_shared>>)
        } else {
        }
        %add3A_344 = arith.constant 1 : i32
        %add3A_345 = arith.addi %add3A_121, %add3A_344 : i32
        %add3A_346 = arith.constant 4 : i32
        %add3A_347 = arith.addi %add3A_345, %add3A_346 : i32
        %dma_start3A_348 = arith.constant 0 : i32
        %dma_start3A_349 = arith.constant 0 : i32
        %dma_start3A_350 = tpu.memref_slice %arg7[%add3A_347, %dma_start3A_348, %dma_start3A_349] : memref<40x2x128xi32, #tpu.memory_space<vmem>> -> memref<1x1x128xi32, #tpu.memory_space<vmem>>
        %dma_start3A_351 = tpu.memref_squeeze %dma_start3A_350 : memref<1x1x128xi32, #tpu.memory_space<vmem>> -> memref<128xi32, #tpu.memory_space<vmem>>
        %dma_start3A_352 = arith.constant 0 : i32
        %dma_start3A_353 = arith.constant 0 : i32
        %dma_start3A_354 = tpu.memref_slice %arg2[%dma_start3A_352, %dma_start3A_353] : memref<20480x32xf32, #tpu.memory_space<hbm>> -> memref<20480x32xf32, #tpu.memory_space<hbm>>
        tpu.enqueue_indirect_dma source(%dma_start3A_354 : memref<20480x32xf32, #tpu.memory_space<hbm>>) target(%arg13 : memref<128x32xf32, #tpu.memory_space<vmem>>) offsets(%dma_start3A_351 : memref<128xi32, #tpu.memory_space<vmem>>) semaphore(%arg21 : memref<!tpu.dma_semaphore, #tpu.memory_space<semaphore_mem>>)
      } else {
      }
      %add3A_176 = arith.constant 2 : i32
      %add3A_177 = arith.addi %add3A_121, %add3A_176 : i32
      %dma_wait3A_178 = arith.constant 0 : i32
      %dma_wait3A_179 = arith.constant 0 : i32
      %dma_wait3A_180 = tpu.memref_slice %arg7[%add3A_177, %dma_wait3A_178, %dma_wait3A_179] : memref<40x2x128xi32, #tpu.memory_space<vmem>> -> memref<1x1x128xi32, #tpu.memory_space<vmem>>
      %dma_wait3A_181 = tpu.memref_squeeze %dma_wait3A_180 : memref<1x1x128xi32, #tpu.memory_space<vmem>> -> memref<128xi32, #tpu.memory_space<vmem>>
      %dma_wait3A_182 = arith.constant 0 : i32
      %dma_wait3A_183 = arith.constant 0 : i32
      %dma_wait3A_184 = tpu.memref_slice %arg2[%dma_wait3A_182, %dma_wait3A_183] : memref<20480x32xf32, #tpu.memory_space<hbm>> -> memref<20480x32xf32, #tpu.memory_space<hbm>>
      tpu.wait_indirect_dma semaphore(%arg18 : memref<!tpu.dma_semaphore, #tpu.memory_space<semaphore_mem>>) src(%dma_wait3A_184 : memref<20480x32xf32, #tpu.memory_space<hbm>>) dst(%arg10 : memref<128x32xf32, #tpu.memory_space<vmem>>)
      %add3A_185 = arith.constant 2 : i32
      %add3A_186 = arith.addi %add3A_121, %add3A_185 : i32
      %dma_start3A_187 = arith.constant 1 : i32
      %dma_start3A_188 = arith.constant 0 : i32
      %dma_start3A_189 = tpu.memref_slice %arg7[%add3A_186, %dma_start3A_187, %dma_start3A_188] : memref<40x2x128xi32, #tpu.memory_space<vmem>> -> memref<1x1x128xi32, #tpu.memory_space<vmem>>
      %dma_start3A_190 = tpu.memref_squeeze %dma_start3A_189 : memref<1x1x128xi32, #tpu.memory_space<vmem>> -> memref<128xi32, #tpu.memory_space<vmem>>
      %dma_start3A_191 = arith.constant 0 : i32
      %dma_start3A_192 = arith.constant 0 : i32
      %dma_start3A_193 = tpu.memref_slice %arg32[%dma_start3A_191, %dma_start3A_192] : memref<10240x32xf32, #tpu.memory_space<vmem_shared>> -> memref<10240x32xf32, #tpu.memory_space<vmem_shared>>
      tpu.enqueue_indirect_dma source(%arg10 : memref<128x32xf32, #tpu.memory_space<vmem>>) target(%dma_start3A_193 : memref<10240x32xf32, #tpu.memory_space<vmem_shared>>) offsets(%dma_start3A_190 : memref<128xi32, #tpu.memory_space<vmem>>) semaphore(%arg26 : memref<!tpu.dma_semaphore, #tpu.memory_space<semaphore_mem>>) {add = true}
      %add3A_194 = arith.constant 2 : i32
      %add3A_195 = arith.addi %add3A_121, %add3A_194 : i32
      %add3A_196 = arith.constant 4 : i32
      %add3A_197 = arith.addi %add3A_195, %add3A_196 : i32
      %lt3A_198 = arith.constant 40 : i32
      %lt3A_199 = arith.cmpi slt, %add3A_197, %lt3A_198 : i32
      %convert_element_type3A_200 = arith.extui %lt3A_199 : i1 to i32
      %cond3A_201 = arith.constant 0 : i32
      %cond3A_202 = arith.cmpi ne, %convert_element_type3A_200, %cond3A_201 : i32
      scf.if %cond3A_202 {
        %add3A_338 = arith.constant 2 : i32
        %add3A_339 = arith.addi %add3A_121, %add3A_338 : i32
        %ge3A = arith.constant 4 : i32
        %ge3A_340 = arith.cmpi sge, %add3A_339, %ge3A : i32
        %convert_element_type3A_341 = arith.extui %ge3A_340 : i1 to i32
        %cond3A_342 = arith.constant 0 : i32
        %cond3A_343 = arith.cmpi ne, %convert_element_type3A_341, %cond3A_342 : i32
        scf.if %cond3A_343 {
          %add3A_355 = arith.constant 2 : i32
          %add3A_356 = arith.addi %add3A_121, %add3A_355 : i32
          %sub3A = arith.constant 4 : i32
          %sub3A_357 = arith.subi %add3A_356, %sub3A : i32
          %dma_wait3A_358 = arith.constant 1 : i32
          %dma_wait3A_359 = arith.constant 0 : i32
          %dma_wait3A_360 = tpu.memref_slice %arg7[%sub3A_357, %dma_wait3A_358, %dma_wait3A_359] : memref<40x2x128xi32, #tpu.memory_space<vmem>> -> memref<1x1x128xi32, #tpu.memory_space<vmem>>
          %dma_wait3A_361 = tpu.memref_squeeze %dma_wait3A_360 : memref<1x1x128xi32, #tpu.memory_space<vmem>> -> memref<128xi32, #tpu.memory_space<vmem>>
          %dma_wait3A_362 = arith.constant 0 : i32
          %dma_wait3A_363 = arith.constant 0 : i32
          %dma_wait3A_364 = tpu.memref_slice %arg32[%dma_wait3A_362, %dma_wait3A_363] : memref<10240x32xf32, #tpu.memory_space<vmem_shared>> -> memref<10240x32xf32, #tpu.memory_space<vmem_shared>>
          tpu.wait_indirect_dma semaphore(%arg30 : memref<!tpu.dma_semaphore, #tpu.memory_space<semaphore_mem>>) src(%arg14 : memref<128x32xf32, #tpu.memory_space<vmem>>) dst(%dma_wait3A_364 : memref<10240x32xf32, #tpu.memory_space<vmem_shared>>)
        } else {
        }
        %add3A_344 = arith.constant 2 : i32
        %add3A_345 = arith.addi %add3A_121, %add3A_344 : i32
        %add3A_346 = arith.constant 4 : i32
        %add3A_347 = arith.addi %add3A_345, %add3A_346 : i32
        %dma_start3A_348 = arith.constant 0 : i32
        %dma_start3A_349 = arith.constant 0 : i32
        %dma_start3A_350 = tpu.memref_slice %arg7[%add3A_347, %dma_start3A_348, %dma_start3A_349] : memref<40x2x128xi32, #tpu.memory_space<vmem>> -> memref<1x1x128xi32, #tpu.memory_space<vmem>>
        %dma_start3A_351 = tpu.memref_squeeze %dma_start3A_350 : memref<1x1x128xi32, #tpu.memory_space<vmem>> -> memref<128xi32, #tpu.memory_space<vmem>>
        %dma_start3A_352 = arith.constant 0 : i32
        %dma_start3A_353 = arith.constant 0 : i32
        %dma_start3A_354 = tpu.memref_slice %arg2[%dma_start3A_352, %dma_start3A_353] : memref<20480x32xf32, #tpu.memory_space<hbm>> -> memref<20480x32xf32, #tpu.memory_space<hbm>>
        tpu.enqueue_indirect_dma source(%dma_start3A_354 : memref<20480x32xf32, #tpu.memory_space<hbm>>) target(%arg14 : memref<128x32xf32, #tpu.memory_space<vmem>>) offsets(%dma_start3A_351 : memref<128xi32, #tpu.memory_space<vmem>>) semaphore(%arg22 : memref<!tpu.dma_semaphore, #tpu.memory_space<semaphore_mem>>)
      } else {
      }
      %add3A_203 = arith.constant 3 : i32
      %add3A_204 = arith.addi %add3A_121, %add3A_203 : i32
      %dma_wait3A_205 = arith.constant 0 : i32
      %dma_wait3A_206 = arith.constant 0 : i32
      %dma_wait3A_207 = tpu.memref_slice %arg7[%add3A_204, %dma_wait3A_205, %dma_wait3A_206] : memref<40x2x128xi32, #tpu.memory_space<vmem>> -> memref<1x1x128xi32, #tpu.memory_space<vmem>>
      %dma_wait3A_208 = tpu.memref_squeeze %dma_wait3A_207 : memref<1x1x128xi32, #tpu.memory_space<vmem>> -> memref<128xi32, #tpu.memory_space<vmem>>
      %dma_wait3A_209 = arith.constant 0 : i32
      %dma_wait3A_210 = arith.constant 0 : i32
      %dma_wait3A_211 = tpu.memref_slice %arg2[%dma_wait3A_209, %dma_wait3A_210] : memref<20480x32xf32, #tpu.memory_space<hbm>> -> memref<20480x32xf32, #tpu.memory_space<hbm>>
      tpu.wait_indirect_dma semaphore(%arg19 : memref<!tpu.dma_semaphore, #tpu.memory_space<semaphore_mem>>) src(%dma_wait3A_211 : memref<20480x32xf32, #tpu.memory_space<hbm>>) dst(%arg11 : memref<128x32xf32, #tpu.memory_space<vmem>>)
      %add3A_212 = arith.constant 3 : i32
      %add3A_213 = arith.addi %add3A_121, %add3A_212 : i32
      %dma_start3A_214 = arith.constant 1 : i32
      %dma_start3A_215 = arith.constant 0 : i32
      %dma_start3A_216 = tpu.memref_slice %arg7[%add3A_213, %dma_start3A_214, %dma_start3A_215] : memref<40x2x128xi32, #tpu.memory_space<vmem>> -> memref<1x1x128xi32, #tpu.memory_space<vmem>>
      %dma_start3A_217 = tpu.memref_squeeze %dma_start3A_216 : memref<1x1x128xi32, #tpu.memory_space<vmem>> -> memref<128xi32, #tpu.memory_space<vmem>>
      %dma_start3A_218 = arith.constant 0 : i32
      %dma_start3A_219 = arith.constant 0 : i32
      %dma_start3A_220 = tpu.memref_slice %arg32[%dma_start3A_218, %dma_start3A_219] : memref<10240x32xf32, #tpu.memory_space<vmem_shared>> -> memref<10240x32xf32, #tpu.memory_space<vmem_shared>>
      tpu.enqueue_indirect_dma source(%arg11 : memref<128x32xf32, #tpu.memory_space<vmem>>) target(%dma_start3A_220 : memref<10240x32xf32, #tpu.memory_space<vmem_shared>>) offsets(%dma_start3A_217 : memref<128xi32, #tpu.memory_space<vmem>>) semaphore(%arg27 : memref<!tpu.dma_semaphore, #tpu.memory_space<semaphore_mem>>) {add = true}
      %add3A_221 = arith.constant 3 : i32
      %add3A_222 = arith.addi %add3A_121, %add3A_221 : i32
      %add3A_223 = arith.constant 4 : i32
      %add3A_224 = arith.addi %add3A_222, %add3A_223 : i32
      %lt3A_225 = arith.constant 40 : i32
      %lt3A_226 = arith.cmpi slt, %add3A_224, %lt3A_225 : i32
      %convert_element_type3A_227 = arith.extui %lt3A_226 : i1 to i32
      %cond3A_228 = arith.constant 0 : i32
      %cond3A_229 = arith.cmpi ne, %convert_element_type3A_227, %cond3A_228 : i32
      scf.if %cond3A_229 {
        %add3A_338 = arith.constant 3 : i32
        %add3A_339 = arith.addi %add3A_121, %add3A_338 : i32
        %ge3A = arith.constant 4 : i32
        %ge3A_340 = arith.cmpi sge, %add3A_339, %ge3A : i32
        %convert_element_type3A_341 = arith.extui %ge3A_340 : i1 to i32
        %cond3A_342 = arith.constant 0 : i32
        %cond3A_343 = arith.cmpi ne, %convert_element_type3A_341, %cond3A_342 : i32
        scf.if %cond3A_343 {
          %add3A_355 = arith.constant 3 : i32
          %add3A_356 = arith.addi %add3A_121, %add3A_355 : i32
          %sub3A = arith.constant 4 : i32
          %sub3A_357 = arith.subi %add3A_356, %sub3A : i32
          %dma_wait3A_358 = arith.constant 1 : i32
          %dma_wait3A_359 = arith.constant 0 : i32
          %dma_wait3A_360 = tpu.memref_slice %arg7[%sub3A_357, %dma_wait3A_358, %dma_wait3A_359] : memref<40x2x128xi32, #tpu.memory_space<vmem>> -> memref<1x1x128xi32, #tpu.memory_space<vmem>>
          %dma_wait3A_361 = tpu.memref_squeeze %dma_wait3A_360 : memref<1x1x128xi32, #tpu.memory_space<vmem>> -> memref<128xi32, #tpu.memory_space<vmem>>
          %dma_wait3A_362 = arith.constant 0 : i32
          %dma_wait3A_363 = arith.constant 0 : i32
          %dma_wait3A_364 = tpu.memref_slice %arg32[%dma_wait3A_362, %dma_wait3A_363] : memref<10240x32xf32, #tpu.memory_space<vmem_shared>> -> memref<10240x32xf32, #tpu.memory_space<vmem_shared>>
          tpu.wait_indirect_dma semaphore(%arg31 : memref<!tpu.dma_semaphore, #tpu.memory_space<semaphore_mem>>) src(%arg15 : memref<128x32xf32, #tpu.memory_space<vmem>>) dst(%dma_wait3A_364 : memref<10240x32xf32, #tpu.memory_space<vmem_shared>>)
        } else {
        }
        %add3A_344 = arith.constant 3 : i32
        %add3A_345 = arith.addi %add3A_121, %add3A_344 : i32
        %add3A_346 = arith.constant 4 : i32
        %add3A_347 = arith.addi %add3A_345, %add3A_346 : i32
        %dma_start3A_348 = arith.constant 0 : i32
        %dma_start3A_349 = arith.constant 0 : i32
        %dma_start3A_350 = tpu.memref_slice %arg7[%add3A_347, %dma_start3A_348, %dma_start3A_349] : memref<40x2x128xi32, #tpu.memory_space<vmem>> -> memref<1x1x128xi32, #tpu.memory_space<vmem>>
        %dma_start3A_351 = tpu.memref_squeeze %dma_start3A_350 : memref<1x1x128xi32, #tpu.memory_space<vmem>> -> memref<128xi32, #tpu.memory_space<vmem>>
        %dma_start3A_352 = arith.constant 0 : i32
        %dma_start3A_353 = arith.constant 0 : i32
        %dma_start3A_354 = tpu.memref_slice %arg2[%dma_start3A_352, %dma_start3A_353] : memref<20480x32xf32, #tpu.memory_space<hbm>> -> memref<20480x32xf32, #tpu.memory_space<hbm>>
        tpu.enqueue_indirect_dma source(%dma_start3A_354 : memref<20480x32xf32, #tpu.memory_space<hbm>>) target(%arg15 : memref<128x32xf32, #tpu.memory_space<vmem>>) offsets(%dma_start3A_351 : memref<128xi32, #tpu.memory_space<vmem>>) semaphore(%arg23 : memref<!tpu.dma_semaphore, #tpu.memory_space<semaphore_mem>>)
      } else {
      }
      %add3A_230 = arith.constant 4 : i32
      %add3A_231 = arith.addi %add3A_121, %add3A_230 : i32
      %dma_wait3A_232 = arith.constant 0 : i32
      %dma_wait3A_233 = arith.constant 0 : i32
      %dma_wait3A_234 = tpu.memref_slice %arg7[%add3A_231, %dma_wait3A_232, %dma_wait3A_233] : memref<40x2x128xi32, #tpu.memory_space<vmem>> -> memref<1x1x128xi32, #tpu.memory_space<vmem>>
      %dma_wait3A_235 = tpu.memref_squeeze %dma_wait3A_234 : memref<1x1x128xi32, #tpu.memory_space<vmem>> -> memref<128xi32, #tpu.memory_space<vmem>>
      %dma_wait3A_236 = arith.constant 0 : i32
      %dma_wait3A_237 = arith.constant 0 : i32
      %dma_wait3A_238 = tpu.memref_slice %arg2[%dma_wait3A_236, %dma_wait3A_237] : memref<20480x32xf32, #tpu.memory_space<hbm>> -> memref<20480x32xf32, #tpu.memory_space<hbm>>
      tpu.wait_indirect_dma semaphore(%arg20 : memref<!tpu.dma_semaphore, #tpu.memory_space<semaphore_mem>>) src(%dma_wait3A_238 : memref<20480x32xf32, #tpu.memory_space<hbm>>) dst(%arg12 : memref<128x32xf32, #tpu.memory_space<vmem>>)
      %add3A_239 = arith.constant 4 : i32
      %add3A_240 = arith.addi %add3A_121, %add3A_239 : i32
      %dma_start3A_241 = arith.constant 1 : i32
      %dma_start3A_242 = arith.constant 0 : i32
      %dma_start3A_243 = tpu.memref_slice %arg7[%add3A_240, %dma_start3A_241, %dma_start3A_242] : memref<40x2x128xi32, #tpu.memory_space<vmem>> -> memref<1x1x128xi32, #tpu.memory_space<vmem>>
      %dma_start3A_244 = tpu.memref_squeeze %dma_start3A_243 : memref<1x1x128xi32, #tpu.memory_space<vmem>> -> memref<128xi32, #tpu.memory_space<vmem>>
      %dma_start3A_245 = arith.constant 0 : i32
      %dma_start3A_246 = arith.constant 0 : i32
      %dma_start3A_247 = tpu.memref_slice %arg32[%dma_start3A_245, %dma_start3A_246] : memref<10240x32xf32, #tpu.memory_space<vmem_shared>> -> memref<10240x32xf32, #tpu.memory_space<vmem_shared>>
      tpu.enqueue_indirect_dma source(%arg12 : memref<128x32xf32, #tpu.memory_space<vmem>>) target(%dma_start3A_247 : memref<10240x32xf32, #tpu.memory_space<vmem_shared>>) offsets(%dma_start3A_244 : memref<128xi32, #tpu.memory_space<vmem>>) semaphore(%arg28 : memref<!tpu.dma_semaphore, #tpu.memory_space<semaphore_mem>>) {add = true}
      %add3A_248 = arith.constant 4 : i32
      %add3A_249 = arith.addi %add3A_121, %add3A_248 : i32
      %add3A_250 = arith.constant 4 : i32
      %add3A_251 = arith.addi %add3A_249, %add3A_250 : i32
      %lt3A_252 = arith.constant 40 : i32
      %lt3A_253 = arith.cmpi slt, %add3A_251, %lt3A_252 : i32
      %convert_element_type3A_254 = arith.extui %lt3A_253 : i1 to i32
      %cond3A_255 = arith.constant 0 : i32
      %cond3A_256 = arith.cmpi ne, %convert_element_type3A_254, %cond3A_255 : i32
      scf.if %cond3A_256 {
        %add3A_338 = arith.constant 4 : i32
        %add3A_339 = arith.addi %add3A_121, %add3A_338 : i32
        %ge3A = arith.constant 4 : i32
        %ge3A_340 = arith.cmpi sge, %add3A_339, %ge3A : i32
        %convert_element_type3A_341 = arith.extui %ge3A_340 : i1 to i32
        %cond3A_342 = arith.constant 0 : i32
        %cond3A_343 = arith.cmpi ne, %convert_element_type3A_341, %cond3A_342 : i32
        scf.if %cond3A_343 {
          %add3A_355 = arith.constant 4 : i32
          %add3A_356 = arith.addi %add3A_121, %add3A_355 : i32
          %sub3A = arith.constant 4 : i32
          %sub3A_357 = arith.subi %add3A_356, %sub3A : i32
          %dma_wait3A_358 = arith.constant 1 : i32
          %dma_wait3A_359 = arith.constant 0 : i32
          %dma_wait3A_360 = tpu.memref_slice %arg7[%sub3A_357, %dma_wait3A_358, %dma_wait3A_359] : memref<40x2x128xi32, #tpu.memory_space<vmem>> -> memref<1x1x128xi32, #tpu.memory_space<vmem>>
          %dma_wait3A_361 = tpu.memref_squeeze %dma_wait3A_360 : memref<1x1x128xi32, #tpu.memory_space<vmem>> -> memref<128xi32, #tpu.memory_space<vmem>>
          %dma_wait3A_362 = arith.constant 0 : i32
          %dma_wait3A_363 = arith.constant 0 : i32
          %dma_wait3A_364 = tpu.memref_slice %arg32[%dma_wait3A_362, %dma_wait3A_363] : memref<10240x32xf32, #tpu.memory_space<vmem_shared>> -> memref<10240x32xf32, #tpu.memory_space<vmem_shared>>
          tpu.wait_indirect_dma semaphore(%arg24 : memref<!tpu.dma_semaphore, #tpu.memory_space<semaphore_mem>>) src(%arg8 : memref<128x32xf32, #tpu.memory_space<vmem>>) dst(%dma_wait3A_364 : memref<10240x32xf32, #tpu.memory_space<vmem_shared>>)
        } else {
        }
        %add3A_344 = arith.constant 4 : i32
        %add3A_345 = arith.addi %add3A_121, %add3A_344 : i32
        %add3A_346 = arith.constant 4 : i32
        %add3A_347 = arith.addi %add3A_345, %add3A_346 : i32
        %dma_start3A_348 = arith.constant 0 : i32
        %dma_start3A_349 = arith.constant 0 : i32
        %dma_start3A_350 = tpu.memref_slice %arg7[%add3A_347, %dma_start3A_348, %dma_start3A_349] : memref<40x2x128xi32, #tpu.memory_space<vmem>> -> memref<1x1x128xi32, #tpu.memory_space<vmem>>
        %dma_start3A_351 = tpu.memref_squeeze %dma_start3A_350 : memref<1x1x128xi32, #tpu.memory_space<vmem>> -> memref<128xi32, #tpu.memory_space<vmem>>
        %dma_start3A_352 = arith.constant 0 : i32
        %dma_start3A_353 = arith.constant 0 : i32
        %dma_start3A_354 = tpu.memref_slice %arg2[%dma_start3A_352, %dma_start3A_353] : memref<20480x32xf32, #tpu.memory_space<hbm>> -> memref<20480x32xf32, #tpu.memory_space<hbm>>
        tpu.enqueue_indirect_dma source(%dma_start3A_354 : memref<20480x32xf32, #tpu.memory_space<hbm>>) target(%arg8 : memref<128x32xf32, #tpu.memory_space<vmem>>) offsets(%dma_start3A_351 : memref<128xi32, #tpu.memory_space<vmem>>) semaphore(%arg16 : memref<!tpu.dma_semaphore, #tpu.memory_space<semaphore_mem>>)
      } else {
      }
      %add3A_257 = arith.constant 5 : i32
      %add3A_258 = arith.addi %add3A_121, %add3A_257 : i32
      %dma_wait3A_259 = arith.constant 0 : i32
      %dma_wait3A_260 = arith.constant 0 : i32
      %dma_wait3A_261 = tpu.memref_slice %arg7[%add3A_258, %dma_wait3A_259, %dma_wait3A_260] : memref<40x2x128xi32, #tpu.memory_space<vmem>> -> memref<1x1x128xi32, #tpu.memory_space<vmem>>
      %dma_wait3A_262 = tpu.memref_squeeze %dma_wait3A_261 : memref<1x1x128xi32, #tpu.memory_space<vmem>> -> memref<128xi32, #tpu.memory_space<vmem>>
      %dma_wait3A_263 = arith.constant 0 : i32
      %dma_wait3A_264 = arith.constant 0 : i32
      %dma_wait3A_265 = tpu.memref_slice %arg2[%dma_wait3A_263, %dma_wait3A_264] : memref<20480x32xf32, #tpu.memory_space<hbm>> -> memref<20480x32xf32, #tpu.memory_space<hbm>>
      tpu.wait_indirect_dma semaphore(%arg21 : memref<!tpu.dma_semaphore, #tpu.memory_space<semaphore_mem>>) src(%dma_wait3A_265 : memref<20480x32xf32, #tpu.memory_space<hbm>>) dst(%arg13 : memref<128x32xf32, #tpu.memory_space<vmem>>)
      %add3A_266 = arith.constant 5 : i32
      %add3A_267 = arith.addi %add3A_121, %add3A_266 : i32
      %dma_start3A_268 = arith.constant 1 : i32
      %dma_start3A_269 = arith.constant 0 : i32
      %dma_start3A_270 = tpu.memref_slice %arg7[%add3A_267, %dma_start3A_268, %dma_start3A_269] : memref<40x2x128xi32, #tpu.memory_space<vmem>> -> memref<1x1x128xi32, #tpu.memory_space<vmem>>
      %dma_start3A_271 = tpu.memref_squeeze %dma_start3A_270 : memref<1x1x128xi32, #tpu.memory_space<vmem>> -> memref<128xi32, #tpu.memory_space<vmem>>
      %dma_start3A_272 = arith.constant 0 : i32
      %dma_start3A_273 = arith.constant 0 : i32
      %dma_start3A_274 = tpu.memref_slice %arg32[%dma_start3A_272, %dma_start3A_273] : memref<10240x32xf32, #tpu.memory_space<vmem_shared>> -> memref<10240x32xf32, #tpu.memory_space<vmem_shared>>
      tpu.enqueue_indirect_dma source(%arg13 : memref<128x32xf32, #tpu.memory_space<vmem>>) target(%dma_start3A_274 : memref<10240x32xf32, #tpu.memory_space<vmem_shared>>) offsets(%dma_start3A_271 : memref<128xi32, #tpu.memory_space<vmem>>) semaphore(%arg29 : memref<!tpu.dma_semaphore, #tpu.memory_space<semaphore_mem>>) {add = true}
      %add3A_275 = arith.constant 5 : i32
      %add3A_276 = arith.addi %add3A_121, %add3A_275 : i32
      %add3A_277 = arith.constant 4 : i32
      %add3A_278 = arith.addi %add3A_276, %add3A_277 : i32
      %lt3A_279 = arith.constant 40 : i32
      %lt3A_280 = arith.cmpi slt, %add3A_278, %lt3A_279 : i32
      %convert_element_type3A_281 = arith.extui %lt3A_280 : i1 to i32
      %cond3A_282 = arith.constant 0 : i32
      %cond3A_283 = arith.cmpi ne, %convert_element_type3A_281, %cond3A_282 : i32
      scf.if %cond3A_283 {
        %add3A_338 = arith.constant 5 : i32
        %add3A_339 = arith.addi %add3A_121, %add3A_338 : i32
        %ge3A = arith.constant 4 : i32
        %ge3A_340 = arith.cmpi sge, %add3A_339, %ge3A : i32
        %convert_element_type3A_341 = arith.extui %ge3A_340 : i1 to i32
        %cond3A_342 = arith.constant 0 : i32
        %cond3A_343 = arith.cmpi ne, %convert_element_type3A_341, %cond3A_342 : i32
        scf.if %cond3A_343 {
          %add3A_355 = arith.constant 5 : i32
          %add3A_356 = arith.addi %add3A_121, %add3A_355 : i32
          %sub3A = arith.constant 4 : i32
          %sub3A_357 = arith.subi %add3A_356, %sub3A : i32
          %dma_wait3A_358 = arith.constant 1 : i32
          %dma_wait3A_359 = arith.constant 0 : i32
          %dma_wait3A_360 = tpu.memref_slice %arg7[%sub3A_357, %dma_wait3A_358, %dma_wait3A_359] : memref<40x2x128xi32, #tpu.memory_space<vmem>> -> memref<1x1x128xi32, #tpu.memory_space<vmem>>
          %dma_wait3A_361 = tpu.memref_squeeze %dma_wait3A_360 : memref<1x1x128xi32, #tpu.memory_space<vmem>> -> memref<128xi32, #tpu.memory_space<vmem>>
          %dma_wait3A_362 = arith.constant 0 : i32
          %dma_wait3A_363 = arith.constant 0 : i32
          %dma_wait3A_364 = tpu.memref_slice %arg32[%dma_wait3A_362, %dma_wait3A_363] : memref<10240x32xf32, #tpu.memory_space<vmem_shared>> -> memref<10240x32xf32, #tpu.memory_space<vmem_shared>>
          tpu.wait_indirect_dma semaphore(%arg25 : memref<!tpu.dma_semaphore, #tpu.memory_space<semaphore_mem>>) src(%arg9 : memref<128x32xf32, #tpu.memory_space<vmem>>) dst(%dma_wait3A_364 : memref<10240x32xf32, #tpu.memory_space<vmem_shared>>)
        } else {
        }
        %add3A_344 = arith.constant 5 : i32
        %add3A_345 = arith.addi %add3A_121, %add3A_344 : i32
        %add3A_346 = arith.constant 4 : i32
        %add3A_347 = arith.addi %add3A_345, %add3A_346 : i32
        %dma_start3A_348 = arith.constant 0 : i32
        %dma_start3A_349 = arith.constant 0 : i32
        %dma_start3A_350 = tpu.memref_slice %arg7[%add3A_347, %dma_start3A_348, %dma_start3A_349] : memref<40x2x128xi32, #tpu.memory_space<vmem>> -> memref<1x1x128xi32, #tpu.memory_space<vmem>>
        %dma_start3A_351 = tpu.memref_squeeze %dma_start3A_350 : memref<1x1x128xi32, #tpu.memory_space<vmem>> -> memref<128xi32, #tpu.memory_space<vmem>>
        %dma_start3A_352 = arith.constant 0 : i32
        %dma_start3A_353 = arith.constant 0 : i32
        %dma_start3A_354 = tpu.memref_slice %arg2[%dma_start3A_352, %dma_start3A_353] : memref<20480x32xf32, #tpu.memory_space<hbm>> -> memref<20480x32xf32, #tpu.memory_space<hbm>>
        tpu.enqueue_indirect_dma source(%dma_start3A_354 : memref<20480x32xf32, #tpu.memory_space<hbm>>) target(%arg9 : memref<128x32xf32, #tpu.memory_space<vmem>>) offsets(%dma_start3A_351 : memref<128xi32, #tpu.memory_space<vmem>>) semaphore(%arg17 : memref<!tpu.dma_semaphore, #tpu.memory_space<semaphore_mem>>)
      } else {
      }
      %add3A_284 = arith.constant 6 : i32
      %add3A_285 = arith.addi %add3A_121, %add3A_284 : i32
      %dma_wait3A_286 = arith.constant 0 : i32
      %dma_wait3A_287 = arith.constant 0 : i32
      %dma_wait3A_288 = tpu.memref_slice %arg7[%add3A_285, %dma_wait3A_286, %dma_wait3A_287] : memref<40x2x128xi32, #tpu.memory_space<vmem>> -> memref<1x1x128xi32, #tpu.memory_space<vmem>>
      %dma_wait3A_289 = tpu.memref_squeeze %dma_wait3A_288 : memref<1x1x128xi32, #tpu.memory_space<vmem>> -> memref<128xi32, #tpu.memory_space<vmem>>
      %dma_wait3A_290 = arith.constant 0 : i32
      %dma_wait3A_291 = arith.constant 0 : i32
      %dma_wait3A_292 = tpu.memref_slice %arg2[%dma_wait3A_290, %dma_wait3A_291] : memref<20480x32xf32, #tpu.memory_space<hbm>> -> memref<20480x32xf32, #tpu.memory_space<hbm>>
      tpu.wait_indirect_dma semaphore(%arg22 : memref<!tpu.dma_semaphore, #tpu.memory_space<semaphore_mem>>) src(%dma_wait3A_292 : memref<20480x32xf32, #tpu.memory_space<hbm>>) dst(%arg14 : memref<128x32xf32, #tpu.memory_space<vmem>>)
      %add3A_293 = arith.constant 6 : i32
      %add3A_294 = arith.addi %add3A_121, %add3A_293 : i32
      %dma_start3A_295 = arith.constant 1 : i32
      %dma_start3A_296 = arith.constant 0 : i32
      %dma_start3A_297 = tpu.memref_slice %arg7[%add3A_294, %dma_start3A_295, %dma_start3A_296] : memref<40x2x128xi32, #tpu.memory_space<vmem>> -> memref<1x1x128xi32, #tpu.memory_space<vmem>>
      %dma_start3A_298 = tpu.memref_squeeze %dma_start3A_297 : memref<1x1x128xi32, #tpu.memory_space<vmem>> -> memref<128xi32, #tpu.memory_space<vmem>>
      %dma_start3A_299 = arith.constant 0 : i32
      %dma_start3A_300 = arith.constant 0 : i32
      %dma_start3A_301 = tpu.memref_slice %arg32[%dma_start3A_299, %dma_start3A_300] : memref<10240x32xf32, #tpu.memory_space<vmem_shared>> -> memref<10240x32xf32, #tpu.memory_space<vmem_shared>>
      tpu.enqueue_indirect_dma source(%arg14 : memref<128x32xf32, #tpu.memory_space<vmem>>) target(%dma_start3A_301 : memref<10240x32xf32, #tpu.memory_space<vmem_shared>>) offsets(%dma_start3A_298 : memref<128xi32, #tpu.memory_space<vmem>>) semaphore(%arg30 : memref<!tpu.dma_semaphore, #tpu.memory_space<semaphore_mem>>) {add = true}
      %add3A_302 = arith.constant 6 : i32
      %add3A_303 = arith.addi %add3A_121, %add3A_302 : i32
      %add3A_304 = arith.constant 4 : i32
      %add3A_305 = arith.addi %add3A_303, %add3A_304 : i32
      %lt3A_306 = arith.constant 40 : i32
      %lt3A_307 = arith.cmpi slt, %add3A_305, %lt3A_306 : i32
      %convert_element_type3A_308 = arith.extui %lt3A_307 : i1 to i32
      %cond3A_309 = arith.constant 0 : i32
      %cond3A_310 = arith.cmpi ne, %convert_element_type3A_308, %cond3A_309 : i32
      scf.if %cond3A_310 {
        %add3A_338 = arith.constant 6 : i32
        %add3A_339 = arith.addi %add3A_121, %add3A_338 : i32
        %ge3A = arith.constant 4 : i32
        %ge3A_340 = arith.cmpi sge, %add3A_339, %ge3A : i32
        %convert_element_type3A_341 = arith.extui %ge3A_340 : i1 to i32
        %cond3A_342 = arith.constant 0 : i32
        %cond3A_343 = arith.cmpi ne, %convert_element_type3A_341, %cond3A_342 : i32
        scf.if %cond3A_343 {
          %add3A_355 = arith.constant 6 : i32
          %add3A_356 = arith.addi %add3A_121, %add3A_355 : i32
          %sub3A = arith.constant 4 : i32
          %sub3A_357 = arith.subi %add3A_356, %sub3A : i32
          %dma_wait3A_358 = arith.constant 1 : i32
          %dma_wait3A_359 = arith.constant 0 : i32
          %dma_wait3A_360 = tpu.memref_slice %arg7[%sub3A_357, %dma_wait3A_358, %dma_wait3A_359] : memref<40x2x128xi32, #tpu.memory_space<vmem>> -> memref<1x1x128xi32, #tpu.memory_space<vmem>>
          %dma_wait3A_361 = tpu.memref_squeeze %dma_wait3A_360 : memref<1x1x128xi32, #tpu.memory_space<vmem>> -> memref<128xi32, #tpu.memory_space<vmem>>
          %dma_wait3A_362 = arith.constant 0 : i32
          %dma_wait3A_363 = arith.constant 0 : i32
          %dma_wait3A_364 = tpu.memref_slice %arg32[%dma_wait3A_362, %dma_wait3A_363] : memref<10240x32xf32, #tpu.memory_space<vmem_shared>> -> memref<10240x32xf32, #tpu.memory_space<vmem_shared>>
          tpu.wait_indirect_dma semaphore(%arg26 : memref<!tpu.dma_semaphore, #tpu.memory_space<semaphore_mem>>) src(%arg10 : memref<128x32xf32, #tpu.memory_space<vmem>>) dst(%dma_wait3A_364 : memref<10240x32xf32, #tpu.memory_space<vmem_shared>>)
        } else {
        }
        %add3A_344 = arith.constant 6 : i32
        %add3A_345 = arith.addi %add3A_121, %add3A_344 : i32
        %add3A_346 = arith.constant 4 : i32
        %add3A_347 = arith.addi %add3A_345, %add3A_346 : i32
        %dma_start3A_348 = arith.constant 0 : i32
        %dma_start3A_349 = arith.constant 0 : i32
        %dma_start3A_350 = tpu.memref_slice %arg7[%add3A_347, %dma_start3A_348, %dma_start3A_349] : memref<40x2x128xi32, #tpu.memory_space<vmem>> -> memref<1x1x128xi32, #tpu.memory_space<vmem>>
        %dma_start3A_351 = tpu.memref_squeeze %dma_start3A_350 : memref<1x1x128xi32, #tpu.memory_space<vmem>> -> memref<128xi32, #tpu.memory_space<vmem>>
        %dma_start3A_352 = arith.constant 0 : i32
        %dma_start3A_353 = arith.constant 0 : i32
        %dma_start3A_354 = tpu.memref_slice %arg2[%dma_start3A_352, %dma_start3A_353] : memref<20480x32xf32, #tpu.memory_space<hbm>> -> memref<20480x32xf32, #tpu.memory_space<hbm>>
        tpu.enqueue_indirect_dma source(%dma_start3A_354 : memref<20480x32xf32, #tpu.memory_space<hbm>>) target(%arg10 : memref<128x32xf32, #tpu.memory_space<vmem>>) offsets(%dma_start3A_351 : memref<128xi32, #tpu.memory_space<vmem>>) semaphore(%arg18 : memref<!tpu.dma_semaphore, #tpu.memory_space<semaphore_mem>>)
      } else {
      }
      %add3A_311 = arith.constant 7 : i32
      %add3A_312 = arith.addi %add3A_121, %add3A_311 : i32
      %dma_wait3A_313 = arith.constant 0 : i32
      %dma_wait3A_314 = arith.constant 0 : i32
      %dma_wait3A_315 = tpu.memref_slice %arg7[%add3A_312, %dma_wait3A_313, %dma_wait3A_314] : memref<40x2x128xi32, #tpu.memory_space<vmem>> -> memref<1x1x128xi32, #tpu.memory_space<vmem>>
      %dma_wait3A_316 = tpu.memref_squeeze %dma_wait3A_315 : memref<1x1x128xi32, #tpu.memory_space<vmem>> -> memref<128xi32, #tpu.memory_space<vmem>>
      %dma_wait3A_317 = arith.constant 0 : i32
      %dma_wait3A_318 = arith.constant 0 : i32
      %dma_wait3A_319 = tpu.memref_slice %arg2[%dma_wait3A_317, %dma_wait3A_318] : memref<20480x32xf32, #tpu.memory_space<hbm>> -> memref<20480x32xf32, #tpu.memory_space<hbm>>
      tpu.wait_indirect_dma semaphore(%arg23 : memref<!tpu.dma_semaphore, #tpu.memory_space<semaphore_mem>>) src(%dma_wait3A_319 : memref<20480x32xf32, #tpu.memory_space<hbm>>) dst(%arg15 : memref<128x32xf32, #tpu.memory_space<vmem>>)
      %add3A_320 = arith.constant 7 : i32
      %add3A_321 = arith.addi %add3A_121, %add3A_320 : i32
      %dma_start3A_322 = arith.constant 1 : i32
      %dma_start3A_323 = arith.constant 0 : i32
      %dma_start3A_324 = tpu.memref_slice %arg7[%add3A_321, %dma_start3A_322, %dma_start3A_323] : memref<40x2x128xi32, #tpu.memory_space<vmem>> -> memref<1x1x128xi32, #tpu.memory_space<vmem>>
      %dma_start3A_325 = tpu.memref_squeeze %dma_start3A_324 : memref<1x1x128xi32, #tpu.memory_space<vmem>> -> memref<128xi32, #tpu.memory_space<vmem>>
      %dma_start3A_326 = arith.constant 0 : i32
      %dma_start3A_327 = arith.constant 0 : i32
      %dma_start3A_328 = tpu.memref_slice %arg32[%dma_start3A_326, %dma_start3A_327] : memref<10240x32xf32, #tpu.memory_space<vmem_shared>> -> memref<10240x32xf32, #tpu.memory_space<vmem_shared>>
      tpu.enqueue_indirect_dma source(%arg15 : memref<128x32xf32, #tpu.memory_space<vmem>>) target(%dma_start3A_328 : memref<10240x32xf32, #tpu.memory_space<vmem_shared>>) offsets(%dma_start3A_325 : memref<128xi32, #tpu.memory_space<vmem>>) semaphore(%arg31 : memref<!tpu.dma_semaphore, #tpu.memory_space<semaphore_mem>>) {add = true}
      %add3A_329 = arith.constant 7 : i32
      %add3A_330 = arith.addi %add3A_121, %add3A_329 : i32
      %add3A_331 = arith.constant 4 : i32
      %add3A_332 = arith.addi %add3A_330, %add3A_331 : i32
      %lt3A_333 = arith.constant 40 : i32
      %lt3A_334 = arith.cmpi slt, %add3A_332, %lt3A_333 : i32
      %convert_element_type3A_335 = arith.extui %lt3A_334 : i1 to i32
      %cond3A_336 = arith.constant 0 : i32
      %cond3A_337 = arith.cmpi ne, %convert_element_type3A_335, %cond3A_336 : i32
      scf.if %cond3A_337 {
        %add3A_338 = arith.constant 7 : i32
        %add3A_339 = arith.addi %add3A_121, %add3A_338 : i32
        %ge3A = arith.constant 4 : i32
        %ge3A_340 = arith.cmpi sge, %add3A_339, %ge3A : i32
        %convert_element_type3A_341 = arith.extui %ge3A_340 : i1 to i32
        %cond3A_342 = arith.constant 0 : i32
        %cond3A_343 = arith.cmpi ne, %convert_element_type3A_341, %cond3A_342 : i32
        scf.if %cond3A_343 {
          %add3A_355 = arith.constant 7 : i32
          %add3A_356 = arith.addi %add3A_121, %add3A_355 : i32
          %sub3A = arith.constant 4 : i32
          %sub3A_357 = arith.subi %add3A_356, %sub3A : i32
          %dma_wait3A_358 = arith.constant 1 : i32
          %dma_wait3A_359 = arith.constant 0 : i32
          %dma_wait3A_360 = tpu.memref_slice %arg7[%sub3A_357, %dma_wait3A_358, %dma_wait3A_359] : memref<40x2x128xi32, #tpu.memory_space<vmem>> -> memref<1x1x128xi32, #tpu.memory_space<vmem>>
          %dma_wait3A_361 = tpu.memref_squeeze %dma_wait3A_360 : memref<1x1x128xi32, #tpu.memory_space<vmem>> -> memref<128xi32, #tpu.memory_space<vmem>>
          %dma_wait3A_362 = arith.constant 0 : i32
          %dma_wait3A_363 = arith.constant 0 : i32
          %dma_wait3A_364 = tpu.memref_slice %arg32[%dma_wait3A_362, %dma_wait3A_363] : memref<10240x32xf32, #tpu.memory_space<vmem_shared>> -> memref<10240x32xf32, #tpu.memory_space<vmem_shared>>
          tpu.wait_indirect_dma semaphore(%arg27 : memref<!tpu.dma_semaphore, #tpu.memory_space<semaphore_mem>>) src(%arg11 : memref<128x32xf32, #tpu.memory_space<vmem>>) dst(%dma_wait3A_364 : memref<10240x32xf32, #tpu.memory_space<vmem_shared>>)
        } else {
        }
        %add3A_344 = arith.constant 7 : i32
        %add3A_345 = arith.addi %add3A_121, %add3A_344 : i32
        %add3A_346 = arith.constant 4 : i32
        %add3A_347 = arith.addi %add3A_345, %add3A_346 : i32
        %dma_start3A_348 = arith.constant 0 : i32
        %dma_start3A_349 = arith.constant 0 : i32
        %dma_start3A_350 = tpu.memref_slice %arg7[%add3A_347, %dma_start3A_348, %dma_start3A_349] : memref<40x2x128xi32, #tpu.memory_space<vmem>> -> memref<1x1x128xi32, #tpu.memory_space<vmem>>
        %dma_start3A_351 = tpu.memref_squeeze %dma_start3A_350 : memref<1x1x128xi32, #tpu.memory_space<vmem>> -> memref<128xi32, #tpu.memory_space<vmem>>
        %dma_start3A_352 = arith.constant 0 : i32
        %dma_start3A_353 = arith.constant 0 : i32
        %dma_start3A_354 = tpu.memref_slice %arg2[%dma_start3A_352, %dma_start3A_353] : memref<20480x32xf32, #tpu.memory_space<hbm>> -> memref<20480x32xf32, #tpu.memory_space<hbm>>
        tpu.enqueue_indirect_dma source(%dma_start3A_354 : memref<20480x32xf32, #tpu.memory_space<hbm>>) target(%arg11 : memref<128x32xf32, #tpu.memory_space<vmem>>) offsets(%dma_start3A_351 : memref<128xi32, #tpu.memory_space<vmem>>) semaphore(%arg19 : memref<!tpu.dma_semaphore, #tpu.memory_space<semaphore_mem>>)
      } else {
      }
    }
    %scan3A_48 = arith.constant 5 : i32
    %dma_wait3A = arith.constant 32 : i32
    %dma_wait3A_49 = arith.constant 1 : i32
    %dma_wait3A_50 = arith.constant 0 : i32
    %dma_wait3A_51 = tpu.memref_slice %arg7[%dma_wait3A, %dma_wait3A_49, %dma_wait3A_50] : memref<40x2x128xi32, #tpu.memory_space<vmem>> -> memref<1x1x128xi32, #tpu.memory_space<vmem>>
    %dma_wait3A_52 = tpu.memref_squeeze %dma_wait3A_51 : memref<1x1x128xi32, #tpu.memory_space<vmem>> -> memref<128xi32, #tpu.memory_space<vmem>>
    %dma_wait3A_53 = arith.constant 0 : i32
    %dma_wait3A_54 = arith.constant 0 : i32
    %dma_wait3A_55 = tpu.memref_slice %arg32[%dma_wait3A_53, %dma_wait3A_54] : memref<10240x32xf32, #tpu.memory_space<vmem_shared>> -> memref<10240x32xf32, #tpu.memory_space<vmem_shared>>
    tpu.wait_indirect_dma semaphore(%arg24 : memref<!tpu.dma_semaphore, #tpu.memory_space<semaphore_mem>>) src(%arg8 : memref<128x32xf32, #tpu.memory_space<vmem>>) dst(%dma_wait3A_55 : memref<10240x32xf32, #tpu.memory_space<vmem_shared>>)
    %dma_wait3A_56 = arith.constant 33 : i32
    %dma_wait3A_57 = arith.constant 1 : i32
    %dma_wait3A_58 = arith.constant 0 : i32
    %dma_wait3A_59 = tpu.memref_slice %arg7[%dma_wait3A_56, %dma_wait3A_57, %dma_wait3A_58] : memref<40x2x128xi32, #tpu.memory_space<vmem>> -> memref<1x1x128xi32, #tpu.memory_space<vmem>>
    %dma_wait3A_60 = tpu.memref_squeeze %dma_wait3A_59 : memref<1x1x128xi32, #tpu.memory_space<vmem>> -> memref<128xi32, #tpu.memory_space<vmem>>
    %dma_wait3A_61 = arith.constant 0 : i32
    %dma_wait3A_62 = arith.constant 0 : i32
    %dma_wait3A_63 = tpu.memref_slice %arg32[%dma_wait3A_61, %dma_wait3A_62] : memref<10240x32xf32, #tpu.memory_space<vmem_shared>> -> memref<10240x32xf32, #tpu.memory_space<vmem_shared>>
    tpu.wait_indirect_dma semaphore(%arg25 : memref<!tpu.dma_semaphore, #tpu.memory_space<semaphore_mem>>) src(%arg9 : memref<128x32xf32, #tpu.memory_space<vmem>>) dst(%dma_wait3A_63 : memref<10240x32xf32, #tpu.memory_space<vmem_shared>>)
    %dma_wait3A_64 = arith.constant 34 : i32
    %dma_wait3A_65 = arith.constant 1 : i32
    %dma_wait3A_66 = arith.constant 0 : i32
    %dma_wait3A_67 = tpu.memref_slice %arg7[%dma_wait3A_64, %dma_wait3A_65, %dma_wait3A_66] : memref<40x2x128xi32, #tpu.memory_space<vmem>> -> memref<1x1x128xi32, #tpu.memory_space<vmem>>
    %dma_wait3A_68 = tpu.memref_squeeze %dma_wait3A_67 : memref<1x1x128xi32, #tpu.memory_space<vmem>> -> memref<128xi32, #tpu.memory_space<vmem>>
    %dma_wait3A_69 = arith.constant 0 : i32
    %dma_wait3A_70 = arith.constant 0 : i32
    %dma_wait3A_71 = tpu.memref_slice %arg32[%dma_wait3A_69, %dma_wait3A_70] : memref<10240x32xf32, #tpu.memory_space<vmem_shared>> -> memref<10240x32xf32, #tpu.memory_space<vmem_shared>>
    tpu.wait_indirect_dma semaphore(%arg26 : memref<!tpu.dma_semaphore, #tpu.memory_space<semaphore_mem>>) src(%arg10 : memref<128x32xf32, #tpu.memory_space<vmem>>) dst(%dma_wait3A_71 : memref<10240x32xf32, #tpu.memory_space<vmem_shared>>)
    %dma_wait3A_72 = arith.constant 35 : i32
    %dma_wait3A_73 = arith.constant 1 : i32
    %dma_wait3A_74 = arith.constant 0 : i32
    %dma_wait3A_75 = tpu.memref_slice %arg7[%dma_wait3A_72, %dma_wait3A_73, %dma_wait3A_74] : memref<40x2x128xi32, #tpu.memory_space<vmem>> -> memref<1x1x128xi32, #tpu.memory_space<vmem>>
    %dma_wait3A_76 = tpu.memref_squeeze %dma_wait3A_75 : memref<1x1x128xi32, #tpu.memory_space<vmem>> -> memref<128xi32, #tpu.memory_space<vmem>>
    %dma_wait3A_77 = arith.constant 0 : i32
    %dma_wait3A_78 = arith.constant 0 : i32
    %dma_wait3A_79 = tpu.memref_slice %arg32[%dma_wait3A_77, %dma_wait3A_78] : memref<10240x32xf32, #tpu.memory_space<vmem_shared>> -> memref<10240x32xf32, #tpu.memory_space<vmem_shared>>
    tpu.wait_indirect_dma semaphore(%arg27 : memref<!tpu.dma_semaphore, #tpu.memory_space<semaphore_mem>>) src(%arg11 : memref<128x32xf32, #tpu.memory_space<vmem>>) dst(%dma_wait3A_79 : memref<10240x32xf32, #tpu.memory_space<vmem_shared>>)
    %dma_wait3A_80 = arith.constant 36 : i32
    %dma_wait3A_81 = arith.constant 1 : i32
    %dma_wait3A_82 = arith.constant 0 : i32
    %dma_wait3A_83 = tpu.memref_slice %arg7[%dma_wait3A_80, %dma_wait3A_81, %dma_wait3A_82] : memref<40x2x128xi32, #tpu.memory_space<vmem>> -> memref<1x1x128xi32, #tpu.memory_space<vmem>>
    %dma_wait3A_84 = tpu.memref_squeeze %dma_wait3A_83 : memref<1x1x128xi32, #tpu.memory_space<vmem>> -> memref<128xi32, #tpu.memory_space<vmem>>
    %dma_wait3A_85 = arith.constant 0 : i32
    %dma_wait3A_86 = arith.constant 0 : i32
    %dma_wait3A_87 = tpu.memref_slice %arg32[%dma_wait3A_85, %dma_wait3A_86] : memref<10240x32xf32, #tpu.memory_space<vmem_shared>> -> memref<10240x32xf32, #tpu.memory_space<vmem_shared>>
    tpu.wait_indirect_dma semaphore(%arg28 : memref<!tpu.dma_semaphore, #tpu.memory_space<semaphore_mem>>) src(%arg12 : memref<128x32xf32, #tpu.memory_space<vmem>>) dst(%dma_wait3A_87 : memref<10240x32xf32, #tpu.memory_space<vmem_shared>>)
    %dma_wait3A_88 = arith.constant 37 : i32
    %dma_wait3A_89 = arith.constant 1 : i32
    %dma_wait3A_90 = arith.constant 0 : i32
    %dma_wait3A_91 = tpu.memref_slice %arg7[%dma_wait3A_88, %dma_wait3A_89, %dma_wait3A_90] : memref<40x2x128xi32, #tpu.memory_space<vmem>> -> memref<1x1x128xi32, #tpu.memory_space<vmem>>
    %dma_wait3A_92 = tpu.memref_squeeze %dma_wait3A_91 : memref<1x1x128xi32, #tpu.memory_space<vmem>> -> memref<128xi32, #tpu.memory_space<vmem>>
    %dma_wait3A_93 = arith.constant 0 : i32
    %dma_wait3A_94 = arith.constant 0 : i32
    %dma_wait3A_95 = tpu.memref_slice %arg32[%dma_wait3A_93, %dma_wait3A_94] : memref<10240x32xf32, #tpu.memory_space<vmem_shared>> -> memref<10240x32xf32, #tpu.memory_space<vmem_shared>>
    tpu.wait_indirect_dma semaphore(%arg29 : memref<!tpu.dma_semaphore, #tpu.memory_space<semaphore_mem>>) src(%arg13 : memref<128x32xf32, #tpu.memory_space<vmem>>) dst(%dma_wait3A_95 : memref<10240x32xf32, #tpu.memory_space<vmem_shared>>)
    %dma_wait3A_96 = arith.constant 38 : i32
    %dma_wait3A_97 = arith.constant 1 : i32
    %dma_wait3A_98 = arith.constant 0 : i32
    %dma_wait3A_99 = tpu.memref_slice %arg7[%dma_wait3A_96, %dma_wait3A_97, %dma_wait3A_98] : memref<40x2x128xi32, #tpu.memory_space<vmem>> -> memref<1x1x128xi32, #tpu.memory_space<vmem>>
    %dma_wait3A_100 = tpu.memref_squeeze %dma_wait3A_99 : memref<1x1x128xi32, #tpu.memory_space<vmem>> -> memref<128xi32, #tpu.memory_space<vmem>>
    %dma_wait3A_101 = arith.constant 0 : i32
    %dma_wait3A_102 = arith.constant 0 : i32
    %dma_wait3A_103 = tpu.memref_slice %arg32[%dma_wait3A_101, %dma_wait3A_102] : memref<10240x32xf32, #tpu.memory_space<vmem_shared>> -> memref<10240x32xf32, #tpu.memory_space<vmem_shared>>
    tpu.wait_indirect_dma semaphore(%arg30 : memref<!tpu.dma_semaphore, #tpu.memory_space<semaphore_mem>>) src(%arg14 : memref<128x32xf32, #tpu.memory_space<vmem>>) dst(%dma_wait3A_103 : memref<10240x32xf32, #tpu.memory_space<vmem_shared>>)
    %dma_wait3A_104 = arith.constant 39 : i32
    %dma_wait3A_105 = arith.constant 1 : i32
    %dma_wait3A_106 = arith.constant 0 : i32
    %dma_wait3A_107 = tpu.memref_slice %arg7[%dma_wait3A_104, %dma_wait3A_105, %dma_wait3A_106] : memref<40x2x128xi32, #tpu.memory_space<vmem>> -> memref<1x1x128xi32, #tpu.memory_space<vmem>>
    %dma_wait3A_108 = tpu.memref_squeeze %dma_wait3A_107 : memref<1x1x128xi32, #tpu.memory_space<vmem>> -> memref<128xi32, #tpu.memory_space<vmem>>
    %dma_wait3A_109 = arith.constant 0 : i32
    %dma_wait3A_110 = arith.constant 0 : i32
    %dma_wait3A_111 = tpu.memref_slice %arg32[%dma_wait3A_109, %dma_wait3A_110] : memref<10240x32xf32, #tpu.memory_space<vmem_shared>> -> memref<10240x32xf32, #tpu.memory_space<vmem_shared>>
    tpu.wait_indirect_dma semaphore(%arg31 : memref<!tpu.dma_semaphore, #tpu.memory_space<semaphore_mem>>) src(%arg15 : memref<128x32xf32, #tpu.memory_space<vmem>>) dst(%dma_wait3A_111 : memref<10240x32xf32, #tpu.memory_space<vmem_shared>>)
    %barrier3A_112 = arith.constant 0 : index
    tpu.barrier barrier_id(%barrier3A_112)
    %mul3A_113 = arith.constant 640 : i32
    %mul3A_114 = arith.muli %arg1, %mul3A_113 : i32
    %mul3A_115 = arith.constant 640 : i32
    %mul3A_116 = arith.muli %arg1, %mul3A_115 : i32
    "tpu.region"() ({
      %run_scoped3A = tpu.sem_alloc : memref<!tpu.dma_semaphore, #tpu.memory_space<semaphore_mem>>
      %dma_start3A_117 = arith.constant 0 : i32
      %dma_start3A_118 = tpu.memref_slice %arg6[%arg0, %mul3A_116, %dma_start3A_117] : memref<2x10240x32xf32, #tpu.memory_space<hbm>> -> memref<1x640x32xf32, #tpu.memory_space<hbm>>
      %dma_start3A_119 = tpu.memref_squeeze %dma_start3A_118 : memref<1x640x32xf32, #tpu.memory_space<hbm>> -> memref<640x32xf32, #tpu.memory_space<hbm>>
      %dma_start3A_120 = arith.constant 0 : i32
      %dma_start3A_121 = tpu.memref_slice %arg32[%mul3A_114, %dma_start3A_120] : memref<10240x32xf32, #tpu.memory_space<vmem_shared>> -> memref<640x32xf32, #tpu.memory_space<vmem_shared>>
      tpu.enqueue_dma source(%dma_start3A_121 : memref<640x32xf32, #tpu.memory_space<vmem_shared>>) target(%dma_start3A_119 : memref<640x32xf32, #tpu.memory_space<hbm>>) target_semaphore(%run_scoped3A : memref<!tpu.dma_semaphore, #tpu.memory_space<semaphore_mem>>)
      %dma_wait3A_122 = arith.constant 0 : i32
      %dma_wait3A_123 = tpu.memref_slice %arg6[%arg0, %mul3A_116, %dma_wait3A_122] : memref<2x10240x32xf32, #tpu.memory_space<hbm>> -> memref<1x640x32xf32, #tpu.memory_space<hbm>>
      %dma_wait3A_124 = tpu.memref_squeeze %dma_wait3A_123 : memref<1x640x32xf32, #tpu.memory_space<hbm>> -> memref<640x32xf32, #tpu.memory_space<hbm>>
      %dma_wait3A_125 = arith.constant 0 : i32
      %dma_wait3A_126 = tpu.memref_slice %arg32[%mul3A_114, %dma_wait3A_125] : memref<10240x32xf32, #tpu.memory_space<vmem_shared>> -> memref<640x32xf32, #tpu.memory_space<vmem_shared>>
      tpu.wait_dma2 semaphore(%run_scoped3A : memref<!tpu.dma_semaphore, #tpu.memory_space<semaphore_mem>>) src(%dma_wait3A_126 : memref<640x32xf32, #tpu.memory_space<vmem_shared>>) dst(%dma_wait3A_124 : memref<640x32xf32, #tpu.memory_space<hbm>>)
      tpu.yield
    }) : () -> ()
    return
  }
}

module attributes {stable_mosaic.version = 14 : i64} {
  func.func @_dense1_body(%arg0: i32, %arg1: memref<1024x512xf32, #tpu.memory_space<vmem>>, %arg2: memref<512x128xf32, #tpu.memory_space<vmem>>, %arg3: memref<2x1024x128xf32, #tpu.memory_space<vmem>>, %arg4: memref<1024x128xf32, #tpu.memory_space<vmem>>, %arg5: memref<1024x128xf32, #tpu.memory_space<vmem>>) attributes {dimension_semantics = [#tpu.dimension_semantics<arbitrary>], iteration_bounds = array<i64: 5>, scalar_prefetch = 0 : i64, scratch_operands = 0 : i64, tpu.core_type = #tpu.core_type<tc>, window_params = [{transform_indices = @transform_0, window_bounds = array<i64: 1024, 512>}, {pipeline_mode = #tpu.pipeline_mode<synchronous>, transform_indices = @transform_1, window_bounds = array<i64: 512, 128>}, {transform_indices = @transform_2, window_bounds = array<i64: 2, 1024, 128>}, {transform_indices = @transform_3, window_bounds = array<i64: 1024, 128>}, {transform_indices = @transform_4, window_bounds = array<i64: 1024, 128>}]} {
    %get3A = arith.constant 0 : index
    %get3A_0 = arith.constant 0 : index
    %get3A_1 = vector.load %arg1[%get3A, %get3A_0] : memref<1024x512xf32, #tpu.memory_space<vmem>>, vector<1024x512xf32>
    %get3A_2 = arith.constant 0 : index
    %get3A_3 = arith.constant 0 : index
    %get3A_4 = vector.load %arg2[%get3A_2, %get3A_3] : memref<512x128xf32, #tpu.memory_space<vmem>>, vector<512x128xf32>
    %dot_general3A = arith.constant dense<0.000000e+00> : vector<1024x128xf32>
    %dot_general3A_5 = tpu.matmul %get3A_1, %get3A_4, %dot_general3A {dimension_numbers = #tpu.dot_dimension_numbers<[1], [0], [0], [1], [0, 0, 1, 1], [], []>, transpose_lhs_hint = false} : vector<1024x512xf32>, vector<512x128xf32>, vector<1024x128xf32> -> vector<1024x128xf32>
    %get3A_6 = arith.constant 0 : index
    %get3A_7 = arith.constant 0 : index
    %get3A_8 = arith.constant 0 : index
    %get3A_9 = vector.load %arg3[%get3A_6, %get3A_7, %get3A_8] : memref<2x1024x128xf32, #tpu.memory_space<vmem>>, vector<1x1024x128xf32>
    %get3A_10 = vector.shape_cast %get3A_9 : vector<1x1024x128xf32> to vector<1024x128xf32>
    %add3A = arith.constant 1.000000e+00 : f32
    %add3A_11 = vector.broadcast %add3A : f32 to vector<1024x128xf32>
    %add3A_12 = arith.addf %add3A_11, %get3A_10 : vector<1024x128xf32>
    %get3A_13 = arith.constant 1 : index
    %get3A_14 = arith.constant 0 : index
    %get3A_15 = arith.constant 0 : index
    %get3A_16 = vector.load %arg3[%get3A_13, %get3A_14, %get3A_15] : memref<2x1024x128xf32, #tpu.memory_space<vmem>>, vector<1x1024x128xf32>
    %get3A_17 = vector.shape_cast %get3A_16 : vector<1x1024x128xf32> to vector<1024x128xf32>
    %add3A_18 = arith.addf %add3A_12, %get3A_17 : vector<1024x128xf32>
    %sqrt3A = math.sqrt %add3A_18 : vector<1024x128xf32>
    %div3A = arith.constant 1.000000e+00 : f32
    %div3A_19 = vector.broadcast %div3A : f32 to vector<1024x128xf32>
    %div3A_20 = arith.divf %div3A_19, %sqrt3A : vector<1024x128xf32>
    %mul3A = arith.mulf %dot_general3A_5, %div3A_20 : vector<1024x128xf32>
    %swap3A = arith.constant 0 : index
    %swap3A_21 = arith.constant 0 : index
    %swap3A_22 = vector.load %arg4[%swap3A, %swap3A_21] : memref<1024x128xf32, #tpu.memory_space<vmem>>, vector<1024x128xf32>
    tpu.vector_store %arg4[%swap3A, %swap3A_21], %mul3A {strides = array<i32>} : memref<1024x128xf32, #tpu.memory_space<vmem>>, vector<1024x128xf32>,
    %mul3A_23 = arith.mulf %div3A_20, %div3A_20 : vector<1024x128xf32>
    %mul3A_24 = arith.mulf %dot_general3A_5, %mul3A_23 : vector<1024x128xf32>
    %swap3A_25 = arith.constant 0 : index
    %swap3A_26 = arith.constant 0 : index
    %swap3A_27 = vector.load %arg5[%swap3A_25, %swap3A_26] : memref<1024x128xf32, #tpu.memory_space<vmem>>, vector<1024x128xf32>
    tpu.vector_store %arg5[%swap3A_25, %swap3A_26], %mul3A_24 {strides = array<i32>} : memref<1024x128xf32, #tpu.memory_space<vmem>>, vector<1024x128xf32>,
    return
  }
  func.func @transform_0(%arg0: i32) -> (i32, i32) {
    %c0_i32 = arith.constant 0 : i32
    %c0_i32_0 = arith.constant 0 : i32
    return %arg0, %c0_i32 : i32, i32
  }
  func.func @transform_1(%arg0: i32) -> (i32, i32) {
    %c0_i32 = arith.constant 0 : i32
    %c0_i32_0 = arith.constant 0 : i32
    %c0_i32_1 = arith.constant 0 : i32
    return %c0_i32, %c0_i32_0 : i32, i32
  }
  func.func @transform_2(%arg0: i32) -> (i32, i32, i32) {
    %c0_i32 = arith.constant 0 : i32
    %c0_i32_0 = arith.constant 0 : i32
    %c0_i32_1 = arith.constant 0 : i32
    return %c0_i32, %arg0, %c0_i32_0 : i32, i32, i32
  }
  func.func @transform_3(%arg0: i32) -> (i32, i32) {
    %c0_i32 = arith.constant 0 : i32
    %c0_i32_0 = arith.constant 0 : i32
    return %arg0, %c0_i32 : i32, i32
  }
  func.func @transform_4(%arg0: i32) -> (i32, i32) {
    %c0_i32 = arith.constant 0 : i32
    %c0_i32_0 = arith.constant 0 : i32
    return %arg0, %c0_i32 : i32, i32
  }
}

module attributes {stable_mosaic.version = 14 : i64} {
  func.func @_dense2_body(%arg0: i32, %arg1: memref<2x1024x128xf32, #tpu.memory_space<vmem>>, %arg2: memref<1024x128xf32, #tpu.memory_space<vmem>>, %arg3: memref<2x1024x128xf32, #tpu.memory_space<vmem>>, %arg4: memref<128x64xf32, #tpu.memory_space<vmem>>, %arg5: memref<1x128xf32, #tpu.memory_space<vmem>>, %arg6: memref<1024x128xf32, #tpu.memory_space<vmem>>) attributes {dimension_semantics = [#tpu.dimension_semantics<arbitrary>], iteration_bounds = array<i64: 5>, scalar_prefetch = 0 : i64, scratch_operands = 0 : i64, tpu.core_type = #tpu.core_type<tc>, window_params = [{transform_indices = @transform_0, window_bounds = array<i64: 2, 1024, 128>}, {transform_indices = @transform_1, window_bounds = array<i64: 1024, 128>}, {transform_indices = @transform_2, window_bounds = array<i64: 2, 1024, 128>}, {pipeline_mode = #tpu.pipeline_mode<synchronous>, transform_indices = @transform_3, window_bounds = array<i64: 128, 64>}, {pipeline_mode = #tpu.pipeline_mode<synchronous>, transform_indices = @transform_4, window_bounds = array<i64: 1, 128>}, {transform_indices = @transform_5, window_bounds = array<i64: 1024, 128>}]} {
    %get3A = arith.constant 0 : index
    %get3A_0 = arith.constant 0 : index
    %get3A_1 = arith.constant 0 : index
    %get3A_2 = vector.load %arg3[%get3A, %get3A_0, %get3A_1] : memref<2x1024x128xf32, #tpu.memory_space<vmem>>, vector<1x1024x128xf32>
    %get3A_3 = vector.shape_cast %get3A_2 : vector<1x1024x128xf32> to vector<1024x128xf32>
    %add3A = arith.constant 1.000000e+00 : f32
    %add3A_4 = vector.broadcast %add3A : f32 to vector<1024x128xf32>
    %add3A_5 = arith.addf %add3A_4, %get3A_3 : vector<1024x128xf32>
    %get3A_6 = arith.constant 1 : index
    %get3A_7 = arith.constant 0 : index
    %get3A_8 = arith.constant 0 : index
    %get3A_9 = vector.load %arg3[%get3A_6, %get3A_7, %get3A_8] : memref<2x1024x128xf32, #tpu.memory_space<vmem>>, vector<1x1024x128xf32>
    %get3A_10 = vector.shape_cast %get3A_9 : vector<1x1024x128xf32> to vector<1024x128xf32>
    %add3A_11 = arith.addf %add3A_5, %get3A_10 : vector<1024x128xf32>
    %sqrt3A = math.sqrt %add3A_11 : vector<1024x128xf32>
    %div3A = arith.constant 1.000000e+00 : f32
    %div3A_12 = vector.broadcast %div3A : f32 to vector<1024x128xf32>
    %div3A_13 = arith.divf %div3A_12, %sqrt3A : vector<1024x128xf32>
    %get3A_14 = arith.constant 0 : index
    %get3A_15 = arith.constant 0 : index
    %get3A_16 = arith.constant 0 : index
    %get3A_17 = vector.load %arg1[%get3A_14, %get3A_15, %get3A_16] : memref<2x1024x128xf32, #tpu.memory_space<vmem>>, vector<1x1024x128xf32>
    %get3A_18 = vector.shape_cast %get3A_17 : vector<1x1024x128xf32> to vector<1024x128xf32>
    %get3A_19 = arith.constant 1 : index
    %get3A_20 = arith.constant 0 : index
    %get3A_21 = arith.constant 0 : index
    %get3A_22 = vector.load %arg1[%get3A_19, %get3A_20, %get3A_21] : memref<2x1024x128xf32, #tpu.memory_space<vmem>>, vector<1x1024x128xf32>
    %get3A_23 = vector.shape_cast %get3A_22 : vector<1x1024x128xf32> to vector<1024x128xf32>
    %add3A_24 = arith.addf %get3A_18, %get3A_23 : vector<1024x128xf32>
    %mul3A = arith.mulf %add3A_24, %div3A_13 : vector<1024x128xf32>
    %get3A_25 = arith.constant 0 : index
    %get3A_26 = arith.constant 0 : index
    %get3A_27 = vector.load %arg2[%get3A_25, %get3A_26] : memref<1024x128xf32, #tpu.memory_space<vmem>>, vector<1024x128xf32>
    %add3A_28 = arith.addf %mul3A, %get3A_27 : vector<1024x128xf32>
    %get3A_29 = arith.constant 0 : index
    %get3A_30 = arith.constant 0 : index
    %get3A_31 = vector.load %arg5[%get3A_29, %get3A_30] : memref<1x128xf32, #tpu.memory_space<vmem>>, vector<1x128xf32>
    %add3A_32 = vector.broadcast %get3A_31 : vector<1x128xf32> to vector<1024x128xf32>
    %add3A_33 = arith.addf %add3A_28, %add3A_32 : vector<1024x128xf32>
    %max3A = arith.constant 0.000000e+00 : f32
    %max3A_34 = vector.broadcast %max3A : f32 to vector<1024x128xf32>
    %max3A_35 = arith.maximumf %add3A_33, %max3A_34 : vector<1024x128xf32>
    %get3A_36 = arith.constant 0 : index
    %get3A_37 = arith.constant 0 : index
    %get3A_38 = vector.load %arg4[%get3A_36, %get3A_37] : memref<128x64xf32, #tpu.memory_space<vmem>>, vector<128x64xf32>
    %dot_general3A = arith.constant dense<0.000000e+00> : vector<1024x64xf32>
    %dot_general3A_39 = tpu.matmul %max3A_35, %get3A_38, %dot_general3A {dimension_numbers = #tpu.dot_dimension_numbers<[1], [0], [0], [1], [0, 0, 1, 1], [], []>, transpose_lhs_hint = false} : vector<1024x128xf32>, vector<128x64xf32>, vector<1024x64xf32> -> vector<1024x64xf32>
    %slice3A = vector.extract_strided_slice %div3A_13 {offsets = [0, 0], sizes = [1024, 32], strides = [1, 1]} : vector<1024x128xf32> to vector<1024x32xf32>
    %slice3A_40 = vector.extract_strided_slice %div3A_13 {offsets = [0, 64], sizes = [1024, 32], strides = [1, 1]} : vector<1024x128xf32> to vector<1024x32xf32>
    %concatenate3A = tpu.concatenate %slice3A, %slice3A_40 in 1 : vector<1024x32xf32>, vector<1024x32xf32> -> vector<1024x64xf32>
    %mul3A_41 = arith.mulf %dot_general3A_39, %concatenate3A : vector<1024x64xf32>
    %mul3A_42 = arith.mulf %concatenate3A, %concatenate3A : vector<1024x64xf32>
    %mul3A_43 = arith.mulf %dot_general3A_39, %mul3A_42 : vector<1024x64xf32>
    %concatenate3A_44 = tpu.concatenate %mul3A_41, %mul3A_43 in 1 : vector<1024x64xf32>, vector<1024x64xf32> -> vector<1024x128xf32>
    %swap3A = arith.constant 0 : index
    %swap3A_45 = arith.constant 0 : index
    %swap3A_46 = vector.load %arg6[%swap3A, %swap3A_45] : memref<1024x128xf32, #tpu.memory_space<vmem>>, vector<1024x128xf32>
    tpu.vector_store %arg6[%swap3A, %swap3A_45], %concatenate3A_44 {strides = array<i32>} : memref<1024x128xf32, #tpu.memory_space<vmem>>, vector<1024x128xf32>,
    return
  }
  func.func @transform_0(%arg0: i32) -> (i32, i32, i32) {
    %c0_i32 = arith.constant 0 : i32
    %c0_i32_0 = arith.constant 0 : i32
    %c0_i32_1 = arith.constant 0 : i32
    return %c0_i32, %arg0, %c0_i32_0 : i32, i32, i32
  }
  func.func @transform_1(%arg0: i32) -> (i32, i32) {
    %c0_i32 = arith.constant 0 : i32
    %c0_i32_0 = arith.constant 0 : i32
    return %arg0, %c0_i32 : i32, i32
  }
  func.func @transform_2(%arg0: i32) -> (i32, i32, i32) {
    %c0_i32 = arith.constant 0 : i32
    %c0_i32_0 = arith.constant 0 : i32
    %c0_i32_1 = arith.constant 0 : i32
    return %c0_i32, %arg0, %c0_i32_0 : i32, i32, i32
  }
  func.func @transform_3(%arg0: i32) -> (i32, i32) {
    %c0_i32 = arith.constant 0 : i32
    %c0_i32_0 = arith.constant 0 : i32
    %c0_i32_1 = arith.constant 0 : i32
    return %c0_i32, %c0_i32_0 : i32, i32
  }
  func.func @transform_4(%arg0: i32) -> (i32, i32) {
    %c0_i32 = arith.constant 0 : i32
    %c0_i32_0 = arith.constant 0 : i32
    %c0_i32_1 = arith.constant 0 : i32
    return %c0_i32, %c0_i32_0 : i32, i32
  }
  func.func @transform_5(%arg0: i32) -> (i32, i32) {
    %c0_i32 = arith.constant 0 : i32
    %c0_i32_0 = arith.constant 0 : i32
    return %arg0, %c0_i32 : i32, i32
  }
}

module attributes {stable_mosaic.version = 14 : i64} {
  func.func @_dense3_body(%arg0: i32, %arg1: memref<2x512x128xf32, #tpu.memory_space<vmem>>, %arg2: memref<512x256xf32, #tpu.memory_space<vmem>>, %arg3: memref<2x512x256xf32, #tpu.memory_space<vmem>>, %arg4: memref<128x4xf32, #tpu.memory_space<vmem>>, %arg5: memref<1x128xf32, #tpu.memory_space<vmem>>, %arg6: memref<1x1xf32, #tpu.memory_space<vmem>>, %arg7: memref<512x4xf32, #tpu.memory_space<vmem>>) attributes {dimension_semantics = [#tpu.dimension_semantics<arbitrary>], iteration_bounds = array<i64: 5>, scalar_prefetch = 0 : i64, scratch_operands = 0 : i64, tpu.core_type = #tpu.core_type<tc>, window_params = [{transform_indices = @transform_0, window_bounds = array<i64: 2, 512, 128>}, {transform_indices = @transform_1, window_bounds = array<i64: 512, 256>}, {transform_indices = @transform_2, window_bounds = array<i64: 2, 512, 256>}, {pipeline_mode = #tpu.pipeline_mode<synchronous>, transform_indices = @transform_3, window_bounds = array<i64: 128, 4>}, {pipeline_mode = #tpu.pipeline_mode<synchronous>, transform_indices = @transform_4, window_bounds = array<i64: 1, 128>}, {pipeline_mode = #tpu.pipeline_mode<synchronous>, transform_indices = @transform_5, window_bounds = array<i64: 1, 1>}, {transform_indices = @transform_6, window_bounds = array<i64: 512, 4>}]} {
    %get3A = arith.constant 0 : index
    %get3A_0 = arith.constant 0 : index
    %get3A_1 = arith.constant 0 : index
    %get3A_2 = vector.load %arg3[%get3A, %get3A_0, %get3A_1] : memref<2x512x256xf32, #tpu.memory_space<vmem>>, vector<1x512x256xf32>
    %get3A_3 = vector.shape_cast %get3A_2 : vector<1x512x256xf32> to vector<512x256xf32>
    %add3A = arith.constant 1.000000e+00 : f32
    %add3A_4 = vector.broadcast %add3A : f32 to vector<512x256xf32>
    %add3A_5 = arith.addf %add3A_4, %get3A_3 : vector<512x256xf32>
    %get3A_6 = arith.constant 1 : index
    %get3A_7 = arith.constant 0 : index
    %get3A_8 = arith.constant 0 : index
    %get3A_9 = vector.load %arg3[%get3A_6, %get3A_7, %get3A_8] : memref<2x512x256xf32, #tpu.memory_space<vmem>>, vector<1x512x256xf32>
    %get3A_10 = vector.shape_cast %get3A_9 : vector<1x512x256xf32> to vector<512x256xf32>
    %add3A_11 = arith.addf %add3A_5, %get3A_10 : vector<512x256xf32>
    %sqrt3A = math.sqrt %add3A_11 : vector<512x256xf32>
    %div3A = arith.constant 1.000000e+00 : f32
    %div3A_12 = vector.broadcast %div3A : f32 to vector<512x256xf32>
    %div3A_13 = arith.divf %div3A_12, %sqrt3A : vector<512x256xf32>
    %slice3A = vector.extract_strided_slice %div3A_13 {offsets = [0, 0], sizes = [512, 32], strides = [1, 1]} : vector<512x256xf32> to vector<512x32xf32>
    %slice3A_14 = vector.extract_strided_slice %div3A_13 {offsets = [0, 64], sizes = [512, 32], strides = [1, 1]} : vector<512x256xf32> to vector<512x32xf32>
    %slice3A_15 = vector.extract_strided_slice %div3A_13 {offsets = [0, 128], sizes = [512, 32], strides = [1, 1]} : vector<512x256xf32> to vector<512x32xf32>
    %slice3A_16 = vector.extract_strided_slice %div3A_13 {offsets = [0, 192], sizes = [512, 32], strides = [1, 1]} : vector<512x256xf32> to vector<512x32xf32>
    %concatenate3A = tpu.concatenate %slice3A, %slice3A_14, %slice3A_15, %slice3A_16 in 1 : vector<512x32xf32>, vector<512x32xf32>, vector<512x32xf32>, vector<512x32xf32> -> vector<512x128xf32>
    %get3A_17 = arith.constant 0 : index
    %get3A_18 = arith.constant 0 : index
    %get3A_19 = vector.load %arg2[%get3A_17, %get3A_18] : memref<512x256xf32, #tpu.memory_space<vmem>>, vector<512x256xf32>
    %slice3A_20 = vector.extract_strided_slice %get3A_19 {offsets = [0, 64], sizes = [512, 64], strides = [1, 1]} : vector<512x256xf32> to vector<512x64xf32>
    %slice3A_21 = vector.extract_strided_slice %get3A_19 {offsets = [0, 192], sizes = [512, 64], strides = [1, 1]} : vector<512x256xf32> to vector<512x64xf32>
    %concatenate3A_22 = tpu.concatenate %slice3A_20, %slice3A_21 in 1 : vector<512x64xf32>, vector<512x64xf32> -> vector<512x128xf32>
    %get3A_23 = arith.constant 0 : index
    %get3A_24 = arith.constant 0 : index
    %get3A_25 = arith.constant 0 : index
    %get3A_26 = vector.load %arg1[%get3A_23, %get3A_24, %get3A_25] : memref<2x512x128xf32, #tpu.memory_space<vmem>>, vector<1x512x128xf32>
    %get3A_27 = vector.shape_cast %get3A_26 : vector<1x512x128xf32> to vector<512x128xf32>
    %get3A_28 = arith.constant 1 : index
    %get3A_29 = arith.constant 0 : index
    %get3A_30 = arith.constant 0 : index
    %get3A_31 = vector.load %arg1[%get3A_28, %get3A_29, %get3A_30] : memref<2x512x128xf32, #tpu.memory_space<vmem>>, vector<1x512x128xf32>
    %get3A_32 = vector.shape_cast %get3A_31 : vector<1x512x128xf32> to vector<512x128xf32>
    %add3A_33 = arith.addf %get3A_27, %get3A_32 : vector<512x128xf32>
    %mul3A = arith.mulf %add3A_33, %concatenate3A : vector<512x128xf32>
    %add3A_34 = arith.addf %mul3A, %concatenate3A_22 : vector<512x128xf32>
    %get3A_35 = arith.constant 0 : index
    %get3A_36 = arith.constant 0 : index
    %get3A_37 = vector.load %arg5[%get3A_35, %get3A_36] : memref<1x128xf32, #tpu.memory_space<vmem>>, vector<1x128xf32>
    %add3A_38 = vector.broadcast %get3A_37 : vector<1x128xf32> to vector<512x128xf32>
    %add3A_39 = arith.addf %add3A_34, %add3A_38 : vector<512x128xf32>
    %max3A = arith.constant 0.000000e+00 : f32
    %max3A_40 = vector.broadcast %max3A : f32 to vector<512x128xf32>
    %max3A_41 = arith.maximumf %add3A_39, %max3A_40 : vector<512x128xf32>
    %get3A_42 = arith.constant 0 : index
    %get3A_43 = arith.constant 0 : index
    %get3A_44 = vector.load %arg4[%get3A_42, %get3A_43] : memref<128x4xf32, #tpu.memory_space<vmem>>, vector<128x4xf32>
    %dot_general3A = arith.constant dense<0.000000e+00> : vector<512x4xf32>
    %dot_general3A_45 = tpu.matmul %max3A_41, %get3A_44, %dot_general3A {dimension_numbers = #tpu.dot_dimension_numbers<[1], [0], [0], [1], [0, 0, 1, 1], [], []>, transpose_lhs_hint = false} : vector<512x128xf32>, vector<128x4xf32>, vector<512x4xf32> -> vector<512x4xf32>
    %get3A_46 = arith.constant 0 : index
    %get3A_47 = arith.constant 0 : index
    %get3A_48 = vector.load %arg6[%get3A_46, %get3A_47] : memref<1x1xf32, #tpu.memory_space<vmem>>, vector<1x1xf32>
    %add3A_49 = vector.broadcast %get3A_48 : vector<1x1xf32> to vector<512x4xf32>
    %add3A_50 = arith.addf %dot_general3A_45, %add3A_49 : vector<512x4xf32>
    %swap3A = arith.constant 0 : index
    %swap3A_51 = arith.constant 0 : index
    %swap3A_52 = vector.load %arg7[%swap3A, %swap3A_51] : memref<512x4xf32, #tpu.memory_space<vmem>>, vector<512x4xf32>
    tpu.vector_store %arg7[%swap3A, %swap3A_51], %add3A_50 {strides = array<i32>} : memref<512x4xf32, #tpu.memory_space<vmem>>, vector<512x4xf32>,
    return
  }
  func.func @transform_0(%arg0: i32) -> (i32, i32, i32) {
    %c0_i32 = arith.constant 0 : i32
    %c0_i32_0 = arith.constant 0 : i32
    %c0_i32_1 = arith.constant 0 : i32
    return %c0_i32, %arg0, %c0_i32_0 : i32, i32, i32
  }
  func.func @transform_1(%arg0: i32) -> (i32, i32) {
    %c0_i32 = arith.constant 0 : i32
    %c0_i32_0 = arith.constant 0 : i32
    return %arg0, %c0_i32 : i32, i32
  }
  func.func @transform_2(%arg0: i32) -> (i32, i32, i32) {
    %c0_i32 = arith.constant 0 : i32
    %c0_i32_0 = arith.constant 0 : i32
    %c0_i32_1 = arith.constant 0 : i32
    return %c0_i32, %arg0, %c0_i32_0 : i32, i32, i32
  }
  func.func @transform_3(%arg0: i32) -> (i32, i32) {
    %c0_i32 = arith.constant 0 : i32
    %c0_i32_0 = arith.constant 0 : i32
    %c0_i32_1 = arith.constant 0 : i32
    return %c0_i32, %c0_i32_0 : i32, i32
  }
  func.func @transform_4(%arg0: i32) -> (i32, i32) {
    %c0_i32 = arith.constant 0 : i32
    %c0_i32_0 = arith.constant 0 : i32
    %c0_i32_1 = arith.constant 0 : i32
    return %c0_i32, %c0_i32_0 : i32, i32
  }
  func.func @transform_5(%arg0: i32) -> (i32, i32) {
    %c0_i32 = arith.constant 0 : i32
    %c0_i32_0 = arith.constant 0 : i32
    %c0_i32_1 = arith.constant 0 : i32
    return %c0_i32, %c0_i32_0 : i32, i32
  }
  func.func @transform_6(%arg0: i32) -> (i32, i32) {
    %c0_i32 = arith.constant 0 : i32
    %c0_i32_0 = arith.constant 0 : i32
    return %arg0, %c0_i32 : i32, i32
  }
}

</mosaic_0001>

<sc_bundles>
// kernel: kernel.11.cloned.1.call-start
scs
__scs_entry_jumppad:
0x0: {  	(pc) =	sbr.rel $0x88, $3  }
0x1: {  	(tag) =	ssettag $0x0;
	lr =	simm.s32 $0x1  }
0x2: {  	[smem:$0x3F99] =	sst lr;
	_ =	strace $0xD0000000  }
0x3: {  	_ = 	snop  }
0x4: {  	_ = 	snop  }
0x5: {  	_ = 	snop  }
0x6: {  	_ = 	snop  }
0x7: {  	_ = 	snop  }
__scs_overlays_trampoline_lowered:
0x8: {  	[smem:$0x3FA8] =	sst s0  }
0x9: {  	[smem:$0x3FA9] =	sst s1  }
0xa: {  	[smem:$0x3FAA] =	sst s2  }
0xb: {  	[smem:$0x3FAB] =	sst s3  }
0xc: {  	[smem:$0x3FAC] =	sst s4  }
0xd: {  	[smem:$0x3FAD] =	sst s5  }
0xe: {  	[smem:$0x3FAE] =	sst s6  }
0xf: {  	[smem:$0x3FAF] =	sst s7  }
0x10: {  	[smem:$0x3FB0] =	sst s8  }
0x11: {  	[smem:$0x3FB1] =	sst s9;
	s0 =	simm.s32 @!p0 $0x0  }
0x12: {  	s1 =	sld [smem:$0x3F97];
	s0 =	simm.s32 @p0 $0x1  }
0x13: {  	[smem:$0x3FB2] =	sst s0;
	s0 =	simm.s32 @!p1 $0x0  }
0x14: {  	s2 =	sld [smem:$0x3F96];
	s0 =	simm.s32 @p1 $0x1  }
0x15: {  	[smem:$0x3FB3] =	sst s0;
	s0 =	simm.s32 @!p2 $0x0  }
0x16: {  	s3 =	sld [smem:$0x3FDB];
	s0 =	simm.s32 @p2 $0x1  }
0x17: {  	s4 =	simm.s32 $0x1BF5;
	[smem:$0x3FB5] =	sst s0  }
0x18: {  	s0 =	sld [smem:$0x3F98];
	_ =	swait.ge [sflag:s4], $0x0  }
0x19: {  	s7 =	sld [smem:$0x3F99]  }
0x1a: {  	s8 =	sadd.s32 $0xFFFFE003, lr  }
0x1b: {  	s9 =	sadd.s32 $0xFFFFFEF7, lr;
	s5 =	simm.s32 $0xFFFFFFFF;
	p2 =	slt.u32 s8, $0xFFFFF086  }
0x1c: {  	p1 =	slt.u32 s9, $0xF7A;
	s5 =	simm.s32 @!p2 $0x0  }
0x1d: {  	s5 =	simm.s32 @p1 $0x1;
	p0 =	seq.s32 s7, s2  }
0x1e: {  	s7 =	smul.u32 @!p0 $0xF7A, s2;
	p2 =	seq.s32 @!p0 s5, $0x0  }
0x1f: {  	s9 =	smul.u32 $0xF7A, s1;
	s8 =	simm.s32 @!p0 $0x1BF5;
	p2 =	por !p2, p0  }
0x20: {  	[sflag:s8] =	ssyncset.s32 @!p0 $0xFFFFF086;
	s6 =	sadd.s32 @!p0 s3, s7;
	s7 =	simm.s32 @!p0 $0x108  }
0x21: {  	s3 =	sadd.s32 s3, s9;
	s6 =	sadd.s32 @!p0 $0x88, s6;
	s7 =	simm.s32 @p2 $0x1082  }
0x22: {  	[simem:s7], [sflag:s8] =	dma.local @!p0 [hbm:s6], $0xF7A  }
0x23: {  	s9 =	sor.u32 $0xD0000000, s2;
	s6 =	simm.s32 $0x108;
	_ =	swait.ge @!p0 [sflag:s8], $0x0  }
0x24: {  	s3 =	sadd.s32 $0x88, s3;
	s6 =	simm.s32 @!p1 $0x1082;
	[sflag:s4] =	ssyncset.s32 $0xFFFFF086  }
0x25: {  	[simem:s6], [sflag:s4] =	dma.local [hbm:s3], $0xF7A  }
0x26: {  	[smem:$0x3F99] =	sst s1;
	(tag) =	ssettag s2;
	_ =	strace s9  }
0x27: {  	s1 =	sld [smem:$0x3FA9]  }
0x28: {  	s2 =	sld [smem:$0x3FAA]  }
0x29: {  	s4 =	sld [smem:$0x3FAC]  }
0x2a: {  	p0 =	seq.s32 s5, $0x0;
	s5 =	sld [smem:$0x3FAD]  }
0x2b: {  	s6 =	sld [smem:$0x3FAE]  }
0x2c: {  	s7 =	sld [smem:$0x3FAF]  }
0x2d: {  	s3 =	simm.s32 $0x108;
	s8 =	sld [smem:$0x3FB0]  }
0x2e: {  	s3 =	simm.s32 @!p0 $0x1082;
	s9 =	sld [smem:$0x3FB1]  }
0x2f: {  	lr =	sadd.s32 s0, s3;
	s0 =	sld [smem:$0x3FA8]  }
0x30: {  	s3 =	sld [smem:$0x3FAB]  }
0x31: {  	[smem:$0x3FB4] =	sst s10  }
0x32: {  	s10 =	sld [smem:$0x3FB2];
	_ =	sdelay $0x3  }
0x33: {  	p0 =	seq.s32 s10, $0x1;
	s10 =	sld [smem:$0x3FB4];
	_ =	sdelay $0x3  }
0x34: {  	[smem:$0x3FB4] =	sst s10  }
0x35: {  	s10 =	sld [smem:$0x3FB3];
	_ =	sdelay $0x3  }
0x36: {  	p1 =	seq.s32 s10, $0x1;
	s10 =	sld [smem:$0x3FB4];
	_ =	sdelay $0x3  }
0x37: {  	[smem:$0x3FB4] =	sst s10  }
0x38: {  	s10 =	sld [smem:$0x3FB5]  }
0x39: {  	_ = 	snop;
	(pc) =	sbr.ind lr, $3  }
0x3a: {  	_ = 	snop  }
0x3b: {  	_ = 	snop  }
0x3c: {  	p2 =	seq.s32 s10, $0x1;
	s10 =	sld [smem:$0x3FB4]  }
0x3d: {  	_ =	shalt  }
0x3e: {  	_ =	shalt  }
0x3f: {  	_ =	shalt  }
0x40: {  	_ =	shalt  }
0x41: {  	_ =	shalt  }
0x42: {  	_ =	shalt  }
0x43: {  	_ =	shalt  }
0x44: {  	_ =	shalt  }
0x45: {  	_ =	shalt  }
0x46: {  	_ =	shalt  }
0x47: {  	_ =	shalt  }
0x48: {  	_ =	shalt  }
0x49: {  	_ =	shalt  }
0x4a: {  	_ =	shalt  }
0x4b: {  	_ =	shalt  }
0x4c: {  	_ =	shalt  }
0x4d: {  	_ =	shalt  }
0x4e: {  	_ =	shalt  }
0x4f: {  	_ =	shalt  }
0x50: {  	_ =	shalt  }
0x51: {  	_ =	shalt  }
0x52: {  	_ =	shalt  }
0x53: {  	_ =	shalt  }
0x54: {  	_ =	shalt  }
0x55: {  	_ =	shalt  }
0x56: {  	_ =	shalt  }
0x57: {  	_ =	shalt  }
0x58: {  	_ =	shalt  }
0x59: {  	_ =	shalt  }
0x5a: {  	_ =	shalt  }
0x5b: {  	_ =	shalt  }
0x5c: {  	_ =	shalt  }
0x5d: {  	_ =	shalt  }
0x5e: {  	_ =	shalt  }
0x5f: {  	_ =	shalt  }
0x60: {  	_ =	shalt  }
0x61: {  	_ =	shalt  }
0x62: {  	_ =	shalt  }
0x63: {  	_ =	shalt  }
0x64: {  	_ =	shalt  }
0x65: {  	_ =	shalt  }
0x66: {  	_ =	shalt  }
0x67: {  	_ =	shalt  }
0x68: {  	_ =	shalt  }
0x69: {  	_ =	shalt  }
0x6a: {  	_ =	shalt  }
0x6b: {  	_ =	shalt  }
0x6c: {  	_ =	shalt  }
0x6d: {  	_ =	shalt  }
0x6e: {  	_ =	shalt  }
0x6f: {  	_ =	shalt  }
0x70: {  	_ =	shalt  }
0x71: {  	_ =	shalt  }
0x72: {  	_ =	shalt  }
0x73: {  	_ =	shalt  }
0x74: {  	_ =	shalt  }
0x75: {  	_ =	shalt  }
0x76: {  	_ =	shalt  }
0x77: {  	_ =	shalt  }
0x78: {  	_ =	shalt  }
0x79: {  	_ =	shalt  }
0x7a: {  	_ =	shalt  }
0x7b: {  	_ =	shalt  }
0x7c: {  	_ =	shalt  }
0x7d: {  	_ =	shalt  }
0x7e: {  	_ =	shalt  }
0x7f: {  	_ =	shalt  }
0x80: {  	_ =	shalt  }
0x81: {  	_ =	shalt  }
0x82: {  	_ =	shalt  }
0x83: {  	_ =	shalt  }
0x84: {  	_ =	shalt  }
0x85: {  	_ =	shalt  }
0x86: {  	_ =	shalt  }
0x87: {  	_ =	shalt  }
.Lfunc_end0:
.L_simem_size_0:
called_computation.1_lowered:
.L_overlay_start_0:
0x88: {  	s2 =	sld [smem:$0x3FD9]  }
0x89: {  	s3 =	sld [smem:$0x3FFE];
	_ =	sdelay $0x1  }
0x8a: {  	s1 =	srdreg.scid  }
0x8b: {  	s0 =	sand.u32 $0x1, s1  }
0x8c: {  	s17 =	sshll.u32 s0, $0xA;
	s2 =	sadd.s32 s3, s2  }
0x8d: {  	s2 =	sadd.s32 s2, s17  }
0x8e: {  	[smem:$0x3FC0] =	sst s2  }
0x8f: {  	_ = 	snop  }
0x90: {  	s2 =	sld [smem:$0x3FD0];
	(tm) =	ssettm $0x1  }
0x91: {  	s18 =	sld [smem:$0x3FFB];
	_ =	sdelay $0x3  }
0x92: {  	_ =	strace s18  }
0x93: {  	s3 =	sld [smem:$0x3FFC];
	_ =	sdelay $0x3  }
0x94: {  	_ =	strace s3  }
0x95: {  	s3 =	sld [smem:$0x3FFD];
	_ =	sdelay $0x3  }
0x96: {  	_ =	strace s3  }
0x97: {  	_ =	strace $0x8FFFFFFF  }
0x98: {  	s19 =	sld [smem:$0x3FDB];
	_ =	sdelay $0x1  }
0x99: {  	s4 =	simm.s32 $_scs_section_size  }
0x9a: {  	s5 =	simm.s32 $_size__tile_overlayer_lowered;
	s6 =	simm.s32 $_tile_overlayer_lowered  }
0x9b: {  	s22 =	simm.s32 $0x1BFF;
	s21 =	sshll.u32 s6, $0x1;
	s3 =	sadd.s32 s4, s19  }
0x9c: {  	s7 =	simm.s32 $0x0;
	s20 =	sshll.u32 s5, $0x1;
	s5 =	sadd.s32 s21, s3  }
0x9d: {  	[timem:s7], [sflag:s22] =	dma.local [hbm:s5], s20  }
0x9e: {  	_ =	swait.ge [sflag:s22], s20  }
0x9f: {  	s4 =	ssub.s32 $0x0, s20;
	[sflag:s22] =	ssyncset.done $0x0  }
0xa0: {  	[sflag:s22] =	ssyncadd.s32 s4;
	_ =	sdelay $0x1  }
0xa1: {  	s23 =	simm.s32 $0x1B8B  }
0xa2: {  	_ =	swait.ge [sflag:s23], $0x1  }
0xa3: {  	[sflag:s23] =	ssyncset.done $0x0  }
0xa4: {  	s25 =	simm.s32 $0x1B8E;
	s24 =	sld [smem:$0x3FFE];
	[sflag:s23] =	ssyncadd.s32 $0xFFFFFFFF  }
0xa5: {  	s26 =	simm.s32 $execute0_lowered;
	[smem:$0x3FD2] =	sst s25  }
0xa6: {  	s5 =	sshll.u32 s26, $0x1;
	_ =	strace $0x80000049;
	[dreg:$0x1] =	wrdreg $0xFFFFFFFF  }
0xa7: {  	s28 =	simm.s32 $_size_execute0_lowered;
	s3 =	sadd.s32 s3, s5;
	[dreg:$0x0] =	wrdreg $0x0  }
0xa8: {  	s5 =	sshll.u32 s28, $0x1;
	[dreg:$0x2] =	wrdreg s3  }
0xa9: {  	[dreg:$0x3] =	wrdreg s5  }
0xaa: {  	[dreg:$0x4] =	wrdreg $0xC0  }
0xab: {  	_ =	task [dreg:s7], $0x5FFFF  }
0xac: {  	[dreg:$0x1] =	wrdreg $0xFFFFFFFF  }
0xad: {  	[dreg:$0x0] =	wrdreg $0x60  }
0xae: {  	[dreg:$0x2] =	wrdreg s24  }
0xaf: {  	[dreg:$0x3] =	wrdreg s2  }
0xb0: {  	[dreg:$0x4] =	wrdreg $0x128000  }
0xb1: {  	[dreg:$0x5] =	wrdreg $0x9  }
0xb2: {  	_ =	task.clear_ibuf [dreg:s7], $0x6FFFF;
	_ =	strace $0x90000049  }
0xb3: {  	s29 =	simm.s32 $0x9;
	_ =	strace $0x8000004B  }
0xb4: {  	_ =	swait.ge [sflag:s29], $0x1  }
0xb5: {  	[sflag:s29] =	ssyncadd.s32 $0xFFFFFFFF  }
0xb6: {  	_ =	strace $0x9000004B  }
0xb7: {  	_ =	sfence  }
0xb8: {  	s30 =	sld [smem:$0x0];
	_ =	sdelay $0x2  }
0xb9: {  	s31 =	sshll.u32 s1, $0xD;
	s1 =	sshrl.u32 s1, $0x2  }
0xba: {  	s3 =	sand.u32 $0x4000, s31;
	s1 =	sadd.s32 s1, s30  }
0xbb: {  	s0 =	sor.u32 s3, s0;
	s1 =	sshll.u32 s1, $0x11  }
0xbc: {  	s0 =	sor.u32 s1, s0  }
0xbd: {  	s0 =	sadd.s32 $0x8F2B, s0  }
0xbe: {  	[sflag:s0] =	ssyncadd.remote.s32 $0x1  }
0xbf: {  	_ =	sfence.sel $0xFFFF  }
0xc0: {  	[dreg:$0x0] =	wrdreg $0xFFFFFFFF;
	(pc) =	sbr.abs _section_cstart, $3  }
0xc1: {  	[dreg:$0x1] =	wrdreg $0xFFFFFFFF  }
0xc2: {  	_ =	task.clear_ibuf [dreg:s7], $0x2FFFF;
	_ =	strace $0x9FFFFFFF  }
0xc3: {  	(tm) =	ssettm $0x7FFFFFFF  }
tec
execute0_lowered:
.L_overlay_start_1:
0x0: {  	(tag) =	ssettag $0x1  }
0x1: {  	s0 =	rddreg [dreg:$0x0]  }
0x2: {  	s3 =	rddreg [dreg:$0x2]  }
0x3: {  	s1 =	srdreg.scid;
	s9 =	stileid.u32;
	s5 =	simm.s32 $0x0  }
0x4: {  	s13 =	simm.s32 $0x11;
	s14 =	simm.s32 $0x80;
	s15 =	simm.s32 $0x2800  }
0x5: {  	s19 =	simm.s32 $0x6800;
	s21 =	simm.s32 $0x8800;
	s22 =	simm.s32 $0x1  }
0x6: {  	s23 =	simm.s32 $0xC800;
	s28 =	simm.s32 $0xA800;
	s29 =	simm.s32 $0x7  }
0x7: {  	s30 =	simm.s32 $0xE800;
	s31 =	simm.s32 $0x8;
	s18 =	simm.s32 $0xF  }
0x8: {  	s20 =	simm.s32 $0x10;
	s1 =	sand.u32 $0x1, s1;
	s4 =	smul.u32 $0xA000, s9  }
0x9: {  	[smem:$0x7FF] =	sst s5;
	s5 =	sadd.s32 $0xCE00, s0;
	s10 =	sadd.s32 $0x20E00, s0  }
0xa: {  	s26 =	sshll.u32 s9, $0x6;
	s2 =	sshll.u32 s1, $0x4;
	s6 =	smul.u32 $0xA0000, s1  }
0xb: {  	_ =	strace $0x8000004A;
	s1 =	ssub.s32 $0x2, s1;
	[dreg:$0x4] =	wrdreg s10  }
0xc: {  	s11 =	sor.u32 $0x1C11, s26;
	s26 =	simm.s32 $0x5;
	s2 =	sor.u32 s9, s2  }
0xd: {  	s8 =	sshrl.u32 s1, $0x1;
	s24 =	sadd.s32 s4, s3;
	s7 =	smul.u32 $0x500, s2  }
0xe: {  	s6 =	sadd.s32 s4, s6;
	s1 =	ssub.s32 s1, s8;
	p0 =	seq.s32 s2, $0x1F  }
0xf: {  	s12 =	sshrl.u32 s24, $0x3;
	s24 =	simm.s32 $0x3;
	s6 =	sshrl.u32 s6, $0x3  }
.Ltmp0:
0x10: {  	s1 =	smax.u32 s1, $0x1;
	s7 =	sadd.s32 s7, s0;
	(pc) =	sbr.rel .LBB2_1-.Ltmp0, $4  }
0x11: {  	s6 =	sadd.s32 s6, s0;
	s0 =	sadd.s32 $0xCB00, s0;
	[dreg:$0x8] =	wrdreg s1  }
0x12: {  	s2 =	simm.s32 $0xB;
	s7 =	sadd.s32 $0x3000, s7;
	[dreg:$0x6] =	wrdreg s0  }
0x13: {  	s4 =	simm.s32 $0xC;
	s25 =	sadd.s32 $0x22200, s6;
	[dreg:$0x5] =	wrdreg s7  }
0x14: {  	s6 =	simm.s32 $0x0;
	[dreg:$0x7] =	wrdreg s25;
	s25 =	simm.s32 $0x10800  }
.LBB2_4:
0x15: {  	_ =	swait.ge [sflag:s31], $0x2000  }
0x16: {  	[sflag:s31] =	ssyncset.done $0x0  }
0x17: {  	s0 =	simm.s32 $0x9;
	[sflag:s31] =	ssyncadd.s32 $0xFFFFE000  }
0x18: {  	[spmem:s3] =	stream.indirect.scatter.add.f32 [tilespmem:s25], [sflag:$0x10], $0x40, s9, s14, $0xb8;
	[tilespmem:$0x1C800] =	vst v63  }
0x19: {  	_ =	swait.ge [sflag:s0], $0x2000  }
0x1a: {  	[sflag:s0] =	ssyncset.done $0x0  }
0x1b: {  	s8 =	simm.s32 $0xA;
	[sflag:s0] =	ssyncadd.s32 $0xFFFFE000  }
0x1c: {  	_ =	swait.ge [sflag:s8], $0x2000  }
0x1d: {  	[sflag:s8] =	ssyncset.done $0x0  }
0x1e: {  	[sflag:s8] =	ssyncadd.s32 $0xFFFFE000  }
0x1f: {  	_ =	swait.ge [sflag:s2], $0x2000  }
0x20: {  	[sflag:s2] =	ssyncset.done $0x0  }
0x21: {  	[sflag:s2] =	ssyncadd.s32 $0xFFFFE000  }
0x22: {  	_ =	swait.ge [sflag:s4], $0x2000  }
0x23: {  	[sflag:s4] =	ssyncset.done $0x0  }
0x24: {  	s9 =	simm.s32 $0xD;
	[sflag:s4] =	ssyncadd.s32 $0xFFFFE000  }
0x25: {  	_ =	swait.ge [sflag:s9], $0x2000  }
0x26: {  	[sflag:s9] =	ssyncset.done $0x0  }
0x27: {  	s10 =	simm.s32 $0xE;
	[sflag:s9] =	ssyncadd.s32 $0xFFFFE000  }
0x28: {  	_ =	swait.ge [sflag:s10], $0x2000  }
0x29: {  	[sflag:s10] =	ssyncset.done $0x0  }
0x2a: {  	[sflag:s10] =	ssyncadd.s32 $0xFFFFE000  }
0x2b: {  	_ =	swait.ge [sflag:s18], $0x2000  }
0x2c: {  	[sflag:s18] =	ssyncset.done $0x0  }
0x2d: {  	[sflag:s18] =	ssyncadd.s32 $0xFFFFE000  }
0x2e: {  	_ =	swait.ge [sflag:s20], $0x2000  }
0x2f: {  	[sflag:s20] =	ssyncset.done $0x0  }
0x30: {  	[sflag:s20] =	ssyncadd.s32 $0xFFFFE000  }
0x31: {  	[bflag:$0x0] =	sbarrier.arrive $0xFFFF  }
0x32: {  	s16 =	rddreg [dreg:$0x7]  }
0x33: {  	[hbm:s16], [sflag:s11] =	dma.local [spmem:s12], $0x1400  }
0x34: {  	_ =	swait.ge [sflag:s13], $0x1400  }
0x35: {  	s6 =	sadd.s32 $0x1, s6;
	s17 =	rddreg [dreg:$0x8]  }
0x36: {  	p1 =	sne.s32 s6, s17  }
.Ltmp1:
0x37: {  	_ = 	snop;
	(pc) =	sbr.rel @!p1 .LBB2_5-.Ltmp1, $3  }
0x38: {  	_ =	sdelay $0x1  }
0x39: {  	[sflag:s13] =	ssyncset.done $0x0  }
0x3a: {  	[sflag:s13] =	ssyncadd.s32 $0xFFFFEC00  }
.LBB2_1:
0x3b: {  	s7 =	simm.s32 @p0 $0x0;
	s0 =	rddreg [dreg:$0x6];
	s8 =	simm.s32 @p0 $0x11  }
0x3c: {  	[tilespmem:s7], [sflag:$0x11] =	stream.linear.gather @p0 [hbm4b:s0+s7], $0xA00, $0x38;
	[tilespmem:$0x1C800] =	vst v63  }
0x3d: {  	_ =	swait.ge @p0 [sflag:s8], $0xA00  }
0x3e: {  	[sflag:s8] =	ssyncset.done @p0 $0x0  }
0x3f: {  	[sflag:s8] =	ssyncadd.s32 @p0 $0xFFFFF600  }
0x40: {  	s9 =	simm.s32 @p0 $0xA00;
	s0 =	rddreg [dreg:$0x1]  }
0x41: {  	[tilespmem:s9], [sflag:$0x11] =	stream.linear.gather @p0 [hbm4b:s0+s7], $0x1E00, $0x38;
	[tilespmem:$0x1C800] =	vst v63  }
0x42: {  	_ =	swait.ge @p0 [sflag:s8], $0x1E00  }
0x43: {  	[sflag:s8] =	ssyncset.done @p0 $0x0  }
0x44: {  	s7 =	simm.s32 @!p0 $0x0;
	s0 =	rddreg [dreg:$0x5];
	[sflag:s8] =	ssyncadd.s32 @p0 $0xFFFFE200  }
0x45: {  	[tilespmem:s7], [sflag:$0x11] =	stream.linear.gather @!p0 [hbm4b:s0+s7], $0x2800, $0x38;
	[tilespmem:$0x1C800] =	vst v63  }
0x46: {  	s7 =	simm.s32 @!p0 $0x11  }
0x47: {  	_ =	swait.ge @!p0 [sflag:s7], $0x2800  }
0x48: {  	[sflag:s7] =	ssyncset.done @!p0 $0x0  }
0x49: {  	s8 =	rddreg [dreg:$0x4];
	[sflag:s7] =	ssyncadd.s32 @!p0 $0xFFFFD800  }
0x4a: {  	[spmem:s12], [sflag:s11] =	dma.local [hbm:s8], $0x1400  }
0x4b: {  	_ =	swait.ge [sflag:s13], $0x1400  }
0x4c: {  	[sflag:s13] =	ssyncset.done $0x0  }
0x4d: {  	[sflag:s13] =	ssyncadd.s32 $0xFFFFEC00  }
0x4e: {  	s9 =	simm.s32 $0x0;
	[bflag:$0x0] =	sbarrier.arrive $0xFFFF  }
0x4f: {  	[tilespmem:s15], [sflag:$0x1] =	stream.indirect.gather [hbm4b:s5+s14], $0x40, s9, s14, $0xb8;
	[tilespmem:$0x1C800] =	vst v63  }
0x50: {  	s10 =	simm.s32 $0x100;
	s1 =	simm.s32 $0x4800  }
0x51: {  	[tilespmem:s1], [sflag:$0x2] =	stream.indirect.gather [hbm4b:s5+s14], $0x40, s10, s14, $0xb8;
	[tilespmem:$0x1C800] =	vst v63  }
0x52: {  	s16 =	simm.s32 $0x200  }
0x53: {  	[tilespmem:s19], [sflag:$0x3] =	stream.indirect.gather [hbm4b:s5+s14], $0x40, s16, s14, $0xb8;
	[tilespmem:$0x1C800] =	vst v63  }
0x54: {  	s17 =	simm.s32 $0x300;
	s7 =	simm.s32 $0x0  }
0x55: {  	[tilespmem:s21], [sflag:$0x4] =	stream.indirect.gather [hbm4b:s5+s14], $0x40, s17, s14, $0xb8;
	[tilespmem:$0x1C800] =	vst v63  }
.LBB2_2:
0x56: {  	_ =	swait.ge [sflag:s22], $0x2000  }
0x57: {  	s8 =	sshra.s32 s7, $0x2;
	[sflag:s22] =	ssyncset.done $0x0  }
0x58: {  	p1 =	seq.s32 s7, $0x0;
	s9 =	sadd.s32 $0x80, s8;
	[sflag:s22] =	ssyncadd.s32 $0xFFFFE000  }
0x59: {  	[spmem:s3] =	stream.indirect.scatter.add.f32 [tilespmem:s15], [sflag:$0x9], $0x40, s9, s14, $0xb8;
	[tilespmem:$0x1C800] =	vst v63  }
0x5a: {  	s9 =	sshra.s32 @p1 s7, $0x2  }
0x5b: {  	s0 =	simm.s32 @p1 $0x80;
	s1 =	simm.s32 @p1 $0xA800;
	s10 =	sadd.s32 @p1 $0x400, s9  }
0x5c: {  	[tilespmem:s1], [sflag:$0x5] =	stream.indirect.gather @p1 [hbm4b:s5+s0], $0x40, s10, s0, $0xb8;
	[tilespmem:$0x1C800] =	vst v63  }
0x5d: {  	s1 =	simm.s32 @p1 $0x2  }
0x5e: {  	_ =	swait.ge @p1 [sflag:s1], $0x2000  }
0x5f: {  	[sflag:s1] =	ssyncset.done @p1 $0x0  }
0x60: {  	s10 =	simm.s32 @p1 $0x4800;
	[sflag:s1] =	ssyncadd.s32 @p1 $0xFFFFE000;
	s1 =	sadd.s32 @p1 $0x180, s9  }
0x61: {  	[spmem:s3] =	stream.indirect.scatter.add.f32 @p1 [tilespmem:s10], [sflag:$0xA], $0x40, s1, s0, $0xb8;
	[tilespmem:$0x1C800] =	vst v63  }
0x62: {  	s1 =	simm.s32 @!p1 $0xD  }
0x63: {  	_ =	swait.ge @!p1 [sflag:s1], $0x2000  }
0x64: {  	[sflag:s1] =	ssyncset.done @!p1 $0x0  }
0x65: {  	[sflag:s1] =	ssyncadd.s32 @!p1 $0xFFFFE000;
	s1 =	sshra.s32 @!p1 s7, $0x2  }
0x66: {  	s16 =	simm.s32 @!p1 $0x80;
	s17 =	simm.s32 @!p1 $0xA800;
	s10 =	sadd.s32 @!p1 $0x400, s1  }
0x67: {  	[tilespmem:s17], [sflag:$0x5] =	stream.indirect.gather @!p1 [hbm4b:s5+s16], $0x40, s10, s16, $0xb8;
	[tilespmem:$0x1C800] =	vst v63  }
0x68: {  	s10 =	simm.s32 @!p1 $0x2  }
0x69: {  	_ =	swait.ge @!p1 [sflag:s10], $0x2000  }
0x6a: {  	[sflag:s10] =	ssyncset.done @!p1 $0x0  }
0x6b: {  	s17 =	simm.s32 @!p1 $0x4800;
	[sflag:s10] =	ssyncadd.s32 @!p1 $0xFFFFE000;
	s10 =	sadd.s32 @!p1 $0x180, s1  }
0x6c: {  	[spmem:s3] =	stream.indirect.scatter.add.f32 @!p1 [tilespmem:s17], [sflag:$0xA], $0x40, s10, s16, $0xb8;
	[tilespmem:$0x1C800] =	vst v63  }
0x6d: {  	s10 =	simm.s32 @!p1 $0xE  }
0x6e: {  	_ =	swait.ge @!p1 [sflag:s10], $0x2000  }
0x6f: {  	[sflag:s10] =	ssyncset.done @!p1 $0x0  }
0x70: {  	s17 =	sadd.s32 $0x500, s8;
	[sflag:s10] =	ssyncadd.s32 @!p1 $0xFFFFE000  }
0x71: {  	[tilespmem:s23], [sflag:$0x6] =	stream.indirect.gather [hbm4b:s5+s14], $0x40, s17, s14, $0xb8;
	[tilespmem:$0x1C800] =	vst v63  }
0x72: {  	_ =	swait.ge [sflag:s24], $0x2000  }
0x73: {  	[sflag:s24] =	ssyncset.done $0x0  }
0x74: {  	s17 =	sadd.s32 $0x280, s8;
	[sflag:s24] =	ssyncadd.s32 $0xFFFFE000  }
0x75: {  	[spmem:s3] =	stream.indirect.scatter.add.f32 [tilespmem:s19], [sflag:$0xB], $0x40, s17, s14, $0xb8;
	[tilespmem:$0x1C800] =	vst v63  }
0x76: {  	s10 =	sadd.s32 @p1 $0x600, s9;
	s17 =	simm.s32 @p1 $0xE800  }
0x77: {  	[tilespmem:s17], [sflag:$0x7] =	stream.indirect.gather @p1 [hbm4b:s5+s0], $0x40, s10, s0, $0xb8;
	[tilespmem:$0x1C800] =	vst v63  }
0x78: {  	s10 =	simm.s32 @p1 $0x4  }
0x79: {  	_ =	swait.ge @p1 [sflag:s10], $0x2000  }
0x7a: {  	[sflag:s10] =	ssyncset.done @p1 $0x0  }
0x7b: {  	s9 =	sadd.s32 @p1 $0x380, s9;
	[sflag:s10] =	ssyncadd.s32 @p1 $0xFFFFE000;
	s10 =	simm.s32 @p1 $0x8800  }
0x7c: {  	[spmem:s3] =	stream.indirect.scatter.add.f32 @p1 [tilespmem:s10], [sflag:$0xC], $0x40, s9, s0, $0xb8;
	[tilespmem:$0x1C800] =	vst v63  }
0x7d: {  	s0 =	simm.s32 @!p1 $0xF  }
0x7e: {  	_ =	swait.ge @!p1 [sflag:s0], $0x2000  }
0x7f: {  	[sflag:s0] =	ssyncset.done @!p1 $0x0  }
0x80: {  	s9 =	simm.s32 @!p1 $0xE800;
	[sflag:s0] =	ssyncadd.s32 @!p1 $0xFFFFE000;
	s0 =	sadd.s32 @!p1 $0x600, s1  }
0x81: {  	[tilespmem:s9], [sflag:$0x7] =	stream.indirect.gather @!p1 [hbm4b:s5+s16], $0x40, s0, s16, $0xb8;
	[tilespmem:$0x1C800] =	vst v63  }
0x82: {  	s0 =	simm.s32 @!p1 $0x4  }
0x83: {  	_ =	swait.ge @!p1 [sflag:s0], $0x2000  }
0x84: {  	[sflag:s0] =	ssyncset.done @!p1 $0x0  }
0x85: {  	[sflag:s0] =	ssyncadd.s32 @!p1 $0xFFFFE000;
	s0 =	sadd.s32 @!p1 $0x380, s1;
	s1 =	simm.s32 @!p1 $0x8800  }
0x86: {  	[spmem:s3] =	stream.indirect.scatter.add.f32 @!p1 [tilespmem:s1], [sflag:$0xC], $0x40, s0, s16, $0xb8;
	[tilespmem:$0x1C800] =	vst v63  }
0x87: {  	s0 =	simm.s32 @!p1 $0x10  }
0x88: {  	_ =	swait.ge @!p1 [sflag:s0], $0x2000  }
0x89: {  	[sflag:s0] =	ssyncset.done @!p1 $0x0  }
0x8a: {  	s10 =	sadd.s32 $0x700, s8;
	[sflag:s0] =	ssyncadd.s32 @!p1 $0xFFFFE000  }
0x8b: {  	[tilespmem:s25], [sflag:$0x8] =	stream.indirect.gather [hbm4b:s5+s14], $0x40, s10, s14, $0xb8;
	[tilespmem:$0x1C800] =	vst v63  }
0x8c: {  	_ =	swait.ge [sflag:s26], $0x2000  }
0x8d: {  	p1 =	seq.s32 s7, $0x8000;
	[sflag:s26] =	ssyncset.done $0x0  }
0x8e: {  	s16 =	sadd.s32 $0x480, s8;
	s0 =	simm.s32 @p1 $0x6;
	[sflag:s26] =	ssyncadd.s32 $0xFFFFE000  }
0x8f: {  	[spmem:s3] =	stream.indirect.scatter.add.f32 [tilespmem:s28], [sflag:$0xD], $0x40, s16, s14, $0xb8;
	[tilespmem:$0x1C800] =	vst v63  }
0x90: {  	_ =	swait.ge @p1 [sflag:s0], $0x2000  }
0x91: {  	[sflag:s0] =	ssyncset.done @p1 $0x0  }
0x92: {  	[sflag:s0] =	ssyncadd.s32 @p1 $0xFFFFE000;
	s0 =	sshra.s32 @p1 s7, $0x2  }
0x93: {  	s1 =	simm.s32 @p1 $0x80;
	s9 =	simm.s32 @p1 $0xC800;
	s0 =	sadd.s32 @p1 $0x580, s0  }
0x94: {  	[spmem:s3] =	stream.indirect.scatter.add.f32 @p1 [tilespmem:s9], [sflag:$0xE], $0x40, s0, s1, $0xb8;
	[tilespmem:$0x1C800] =	vst v63  }
0x95: {  	s0 =	simm.s32 @!p1 $0x9  }
0x96: {  	_ =	swait.ge @!p1 [sflag:s0], $0x2000  }
0x97: {  	[sflag:s0] =	ssyncset.done @!p1 $0x0  }
0x98: {  	[sflag:s0] =	ssyncadd.s32 @!p1 $0xFFFFE000;
	s0 =	sshra.s32 @!p1 s7, $0x2  }
0x99: {  	s10 =	simm.s32 @!p1 $0x2800;
	s9 =	simm.s32 @!p1 $0x80;
	s1 =	sadd.s32 @!p1 $0x800, s0  }
0x9a: {  	[tilespmem:s10], [sflag:$0x1] =	stream.indirect.gather @!p1 [hbm4b:s5+s9], $0x40, s1, s9, $0xb8;
	[tilespmem:$0x1C800] =	vst v63  }
0x9b: {  	s1 =	simm.s32 @!p1 $0x6  }
0x9c: {  	_ =	swait.ge @!p1 [sflag:s1], $0x2000  }
0x9d: {  	[sflag:s1] =	ssyncset.done @!p1 $0x0  }
0x9e: {  	s10 =	simm.s32 @!p1 $0xC800;
	[sflag:s1] =	ssyncadd.s32 @!p1 $0xFFFFE000;
	s1 =	sadd.s32 @!p1 $0x580, s0  }
0x9f: {  	[spmem:s3] =	stream.indirect.scatter.add.f32 @!p1 [tilespmem:s10], [sflag:$0xE], $0x40, s1, s9, $0xb8;
	[tilespmem:$0x1C800] =	vst v63  }
0xa0: {  	s1 =	simm.s32 @!p1 $0xA  }
0xa1: {  	_ =	swait.ge @!p1 [sflag:s1], $0x2000  }
0xa2: {  	[sflag:s1] =	ssyncset.done @!p1 $0x0  }
0xa3: {  	s0 =	sadd.s32 @!p1 $0x900, s0;
	[sflag:s1] =	ssyncadd.s32 @!p1 $0xFFFFE000;
	s1 =	simm.s32 @!p1 $0x4800  }
0xa4: {  	[tilespmem:s1], [sflag:$0x2] =	stream.indirect.gather @!p1 [hbm4b:s5+s9], $0x40, s0, s9, $0xb8;
	[tilespmem:$0x1C800] =	vst v63  }
.Ltmp2:
0xa5: {  	_ = 	snop;
	(pc) =	sbr.rel @p1 .LBB2_4-.Ltmp2, $4  }
0xa6: {  	_ =	swait.ge [sflag:s29], $0x2000  }
0xa7: {  	[sflag:s29] =	ssyncset.done $0x0  }
0xa8: {  	s17 =	sadd.s32 $0x680, s8;
	s9 =	sadd.s32 $0x780, s8;
	[sflag:s29] =	ssyncadd.s32 $0xFFFFE000  }
0xa9: {  	[spmem:s3] =	stream.indirect.scatter.add.f32 [tilespmem:s30], [sflag:$0xF], $0x40, s17, s14, $0xb8;
	[tilespmem:$0x1C800] =	vst v63  }
0xaa: {  	_ =	swait.ge [sflag:s2], $0x2000  }
0xab: {  	[sflag:s2] =	ssyncset.done $0x0  }
0xac: {  	s0 =	sadd.s32 $0xA00, s8;
	[sflag:s2] =	ssyncadd.s32 $0xFFFFE000  }
0xad: {  	[tilespmem:s19], [sflag:$0x3] =	stream.indirect.gather [hbm4b:s5+s14], $0x40, s0, s14, $0xb8;
	[tilespmem:$0x1C800] =	vst v63  }
0xae: {  	_ =	swait.ge [sflag:s31], $0x2000  }
0xaf: {  	[sflag:s31] =	ssyncset.done $0x0  }
0xb0: {  	[sflag:s31] =	ssyncadd.s32 $0xFFFFE000  }
0xb1: {  	[spmem:s3] =	stream.indirect.scatter.add.f32 [tilespmem:s25], [sflag:$0x10], $0x40, s9, s14, $0xb8;
	[tilespmem:$0x1C800] =	vst v63  }
.Ltmp3:
0xb2: {  	_ = 	snop;
	(pc) =	sbr.rel .LBB2_2-.Ltmp3, $4  }
0xb3: {  	_ =	swait.ge [sflag:s4], $0x2000  }
0xb4: {  	[sflag:s4] =	ssyncset.done $0x0  }
0xb5: {  	s17 =	sadd.s32 $0xB00, s8;
	s7 =	sadd.s32 $0x2000, s7;
	[sflag:s4] =	ssyncadd.s32 $0xFFFFE000  }
0xb6: {  	[tilespmem:s21], [sflag:$0x4] =	stream.indirect.gather [hbm4b:s5+s14], $0x40, s17, s14, $0xb8;
	[tilespmem:$0x1C800] =	vst v63  }
.LBB2_5:
0xb7: {  	_ =	sfence.sel $0x180000  }
0xb8: {  	[bflag:$0x0] =	sbarrier.arrive $0xFFFF  }
0xb9: {  	_ =	strace $0x9000004A  }
0xba: {  	s0 =	stileid.u32;
	[bflag:$0x2] =	sbarrier.arrive $0xFFFF  }
0xbb: {  	p0 =	sne.s32 s0, $0x0;
	s0 =	rddreg [dreg:$0x3]  }
0xbc: {  	s0 =	sadd.s32 @!p0 $0x100000, s0  }
0xbd: {  	[sflag:s0] =	ssyncadd.tile.s32 @!p0 $0x1;
	_ =	shalt  }
.Lfunc_end2:
_tile_overlayer_lowered:
.L_overlay_start_2:
0xbe: {  	(tag) =	ssettag $0x2  }
0xbf: {  	s0 =	rddreg [dreg:$0x0];
	s2 =	stileid.u32  }
0xc0: {  	s1 =	rddreg [dreg:$0x1];
	p0 =	sne.s32 s2, $0x0  }
0xc1: {  	s3 =	rddreg [dreg:$0x2];
	[bflag:$0x3] =	sbarrier.arrive $0xFFFF;
	s2 =	simm.s32 @!p0 $0x1C11  }
0xc2: {  	[timem:s3], [sflag:s2] =	dma.local @!p0 [hbm:s0], s1  }
0xc3: {  	s0 =	simm.s32 @!p0 $0x11  }
0xc4: {  	_ =	swait.ge @!p0 [sflag:s0], s1  }
0xc5: {  	s1 =	ssub.s32 @!p0 $0x0, s1;
	[sflag:s0] =	ssyncset.done @!p0 $0x0  }
0xc6: {  	[sflag:s0] =	ssyncadd.s32 @!p0 s1  }
0xc7: {  	[bflag:$0x3] =	sbarrier.arrive $0xFFFF  }
0xc8: {  	_ =	shalt  }

// kernel: kernel.14.cloned.1.call-start
scs
__scs_entry_jumppad:
0x0: {  	(pc) =	sbr.rel $0x88, $3  }
0x1: {  	(tag) =	ssettag $0x0;
	lr =	simm.s32 $0x1  }
0x2: {  	[smem:$0x3F99] =	sst lr;
	_ =	strace $0xD0000000  }
0x3: {  	_ = 	snop  }
0x4: {  	_ = 	snop  }
0x5: {  	_ = 	snop  }
0x6: {  	_ = 	snop  }
0x7: {  	_ = 	snop  }
__scs_overlays_trampoline_lowered:
0x8: {  	[smem:$0x3FA8] =	sst s0  }
0x9: {  	[smem:$0x3FA9] =	sst s1  }
0xa: {  	[smem:$0x3FAA] =	sst s2  }
0xb: {  	[smem:$0x3FAB] =	sst s3  }
0xc: {  	[smem:$0x3FAC] =	sst s4  }
0xd: {  	[smem:$0x3FAD] =	sst s5  }
0xe: {  	[smem:$0x3FAE] =	sst s6  }
0xf: {  	[smem:$0x3FAF] =	sst s7  }
0x10: {  	[smem:$0x3FB0] =	sst s8  }
0x11: {  	[smem:$0x3FB1] =	sst s9;
	s0 =	simm.s32 @!p0 $0x0  }
0x12: {  	s1 =	sld [smem:$0x3F97];
	s0 =	simm.s32 @p0 $0x1  }
0x13: {  	[smem:$0x3FB2] =	sst s0;
	s0 =	simm.s32 @!p1 $0x0  }
0x14: {  	s2 =	sld [smem:$0x3F96];
	s0 =	simm.s32 @p1 $0x1  }
0x15: {  	[smem:$0x3FB3] =	sst s0;
	s0 =	simm.s32 @!p2 $0x0  }
0x16: {  	s3 =	sld [smem:$0x3FDB];
	s0 =	simm.s32 @p2 $0x1  }
0x17: {  	s4 =	simm.s32 $0x1BF5;
	[smem:$0x3FB5] =	sst s0  }
0x18: {  	s0 =	sld [smem:$0x3F98];
	_ =	swait.ge [sflag:s4], $0x0  }
0x19: {  	s7 =	sld [smem:$0x3F99]  }
0x1a: {  	s8 =	sadd.s32 $0xFFFFE003, lr  }
0x1b: {  	s9 =	sadd.s32 $0xFFFFFEF7, lr;
	s5 =	simm.s32 $0xFFFFFFFF;
	p2 =	slt.u32 s8, $0xFFFFF086  }
0x1c: {  	p1 =	slt.u32 s9, $0xF7A;
	s5 =	simm.s32 @!p2 $0x0  }
0x1d: {  	s5 =	simm.s32 @p1 $0x1;
	p0 =	seq.s32 s7, s2  }
0x1e: {  	s7 =	smul.u32 @!p0 $0xF7A, s2;
	p2 =	seq.s32 @!p0 s5, $0x0  }
0x1f: {  	s9 =	smul.u32 $0xF7A, s1;
	s8 =	simm.s32 @!p0 $0x1BF5;
	p2 =	por !p2, p0  }
0x20: {  	[sflag:s8] =	ssyncset.s32 @!p0 $0xFFFFF086;
	s6 =	sadd.s32 @!p0 s3, s7;
	s7 =	simm.s32 @!p0 $0x108  }
0x21: {  	s3 =	sadd.s32 s3, s9;
	s6 =	sadd.s32 @!p0 $0x88, s6;
	s7 =	simm.s32 @p2 $0x1082  }
0x22: {  	[simem:s7], [sflag:s8] =	dma.local @!p0 [hbm:s6], $0xF7A  }
0x23: {  	s9 =	sor.u32 $0xD0000000, s2;
	s6 =	simm.s32 $0x108;
	_ =	swait.ge @!p0 [sflag:s8], $0x0  }
0x24: {  	s3 =	sadd.s32 $0x88, s3;
	s6 =	simm.s32 @!p1 $0x1082;
	[sflag:s4] =	ssyncset.s32 $0xFFFFF086  }
0x25: {  	[simem:s6], [sflag:s4] =	dma.local [hbm:s3], $0xF7A  }
0x26: {  	[smem:$0x3F99] =	sst s1;
	(tag) =	ssettag s2;
	_ =	strace s9  }
0x27: {  	s1 =	sld [smem:$0x3FA9]  }
0x28: {  	s2 =	sld [smem:$0x3FAA]  }
0x29: {  	s4 =	sld [smem:$0x3FAC]  }
0x2a: {  	p0 =	seq.s32 s5, $0x0;
	s5 =	sld [smem:$0x3FAD]  }
0x2b: {  	s6 =	sld [smem:$0x3FAE]  }
0x2c: {  	s7 =	sld [smem:$0x3FAF]  }
0x2d: {  	s3 =	simm.s32 $0x108;
	s8 =	sld [smem:$0x3FB0]  }
0x2e: {  	s3 =	simm.s32 @!p0 $0x1082;
	s9 =	sld [smem:$0x3FB1]  }
0x2f: {  	lr =	sadd.s32 s0, s3;
	s0 =	sld [smem:$0x3FA8]  }
0x30: {  	s3 =	sld [smem:$0x3FAB]  }
0x31: {  	[smem:$0x3FB4] =	sst s10  }
0x32: {  	s10 =	sld [smem:$0x3FB2];
	_ =	sdelay $0x3  }
0x33: {  	p0 =	seq.s32 s10, $0x1;
	s10 =	sld [smem:$0x3FB4];
	_ =	sdelay $0x3  }
0x34: {  	[smem:$0x3FB4] =	sst s10  }
0x35: {  	s10 =	sld [smem:$0x3FB3];
	_ =	sdelay $0x3  }
0x36: {  	p1 =	seq.s32 s10, $0x1;
	s10 =	sld [smem:$0x3FB4];
	_ =	sdelay $0x3  }
0x37: {  	[smem:$0x3FB4] =	sst s10  }
0x38: {  	s10 =	sld [smem:$0x3FB5]  }
0x39: {  	_ = 	snop;
	(pc) =	sbr.ind lr, $3  }
0x3a: {  	_ = 	snop  }
0x3b: {  	_ = 	snop  }
0x3c: {  	p2 =	seq.s32 s10, $0x1;
	s10 =	sld [smem:$0x3FB4]  }
0x3d: {  	_ =	shalt  }
0x3e: {  	_ =	shalt  }
0x3f: {  	_ =	shalt  }
0x40: {  	_ =	shalt  }
0x41: {  	_ =	shalt  }
0x42: {  	_ =	shalt  }
0x43: {  	_ =	shalt  }
0x44: {  	_ =	shalt  }
0x45: {  	_ =	shalt  }
0x46: {  	_ =	shalt  }
0x47: {  	_ =	shalt  }
0x48: {  	_ =	shalt  }
0x49: {  	_ =	shalt  }
0x4a: {  	_ =	shalt  }
0x4b: {  	_ =	shalt  }
0x4c: {  	_ =	shalt  }
0x4d: {  	_ =	shalt  }
0x4e: {  	_ =	shalt  }
0x4f: {  	_ =	shalt  }
0x50: {  	_ =	shalt  }
0x51: {  	_ =	shalt  }
0x52: {  	_ =	shalt  }
0x53: {  	_ =	shalt  }
0x54: {  	_ =	shalt  }
0x55: {  	_ =	shalt  }
0x56: {  	_ =	shalt  }
0x57: {  	_ =	shalt  }
0x58: {  	_ =	shalt  }
0x59: {  	_ =	shalt  }
0x5a: {  	_ =	shalt  }
0x5b: {  	_ =	shalt  }
0x5c: {  	_ =	shalt  }
0x5d: {  	_ =	shalt  }
0x5e: {  	_ =	shalt  }
0x5f: {  	_ =	shalt  }
0x60: {  	_ =	shalt  }
0x61: {  	_ =	shalt  }
0x62: {  	_ =	shalt  }
0x63: {  	_ =	shalt  }
0x64: {  	_ =	shalt  }
0x65: {  	_ =	shalt  }
0x66: {  	_ =	shalt  }
0x67: {  	_ =	shalt  }
0x68: {  	_ =	shalt  }
0x69: {  	_ =	shalt  }
0x6a: {  	_ =	shalt  }
0x6b: {  	_ =	shalt  }
0x6c: {  	_ =	shalt  }
0x6d: {  	_ =	shalt  }
0x6e: {  	_ =	shalt  }
0x6f: {  	_ =	shalt  }
0x70: {  	_ =	shalt  }
0x71: {  	_ =	shalt  }
0x72: {  	_ =	shalt  }
0x73: {  	_ =	shalt  }
0x74: {  	_ =	shalt  }
0x75: {  	_ =	shalt  }
0x76: {  	_ =	shalt  }
0x77: {  	_ =	shalt  }
0x78: {  	_ =	shalt  }
0x79: {  	_ =	shalt  }
0x7a: {  	_ =	shalt  }
0x7b: {  	_ =	shalt  }
0x7c: {  	_ =	shalt  }
0x7d: {  	_ =	shalt  }
0x7e: {  	_ =	shalt  }
0x7f: {  	_ =	shalt  }
0x80: {  	_ =	shalt  }
0x81: {  	_ =	shalt  }
0x82: {  	_ =	shalt  }
0x83: {  	_ =	shalt  }
0x84: {  	_ =	shalt  }
0x85: {  	_ =	shalt  }
0x86: {  	_ =	shalt  }
0x87: {  	_ =	shalt  }
.Lfunc_end0:
.L_simem_size_0:
called_computation.2_lowered:
.L_overlay_start_0:
0x88: {  	s2 =	sld [smem:$0x3FD9]  }
0x89: {  	s3 =	sld [smem:$0x3FFE];
	_ =	sdelay $0x1  }
0x8a: {  	s1 =	srdreg.scid  }
0x8b: {  	s0 =	sand.u32 $0x1, s1  }
0x8c: {  	s17 =	sshll.u32 s0, $0xA;
	s2 =	sadd.s32 s3, s2  }
0x8d: {  	s2 =	sadd.s32 s2, s17  }
0x8e: {  	[smem:$0x3FC0] =	sst s2  }
0x8f: {  	_ = 	snop  }
0x90: {  	s2 =	sld [smem:$0x3FD0];
	(tm) =	ssettm $0x1  }
0x91: {  	s18 =	sld [smem:$0x3FFB];
	_ =	sdelay $0x3  }
0x92: {  	_ =	strace s18  }
0x93: {  	s3 =	sld [smem:$0x3FFC];
	_ =	sdelay $0x3  }
0x94: {  	_ =	strace s3  }
0x95: {  	s3 =	sld [smem:$0x3FFD];
	_ =	sdelay $0x3  }
0x96: {  	_ =	strace s3  }
0x97: {  	_ =	strace $0x8FFFFFFF  }
0x98: {  	s19 =	sld [smem:$0x3FDB];
	_ =	sdelay $0x1  }
0x99: {  	s4 =	simm.s32 $_scs_section_size  }
0x9a: {  	s5 =	simm.s32 $_size__tile_overlayer_lowered;
	s6 =	simm.s32 $_tile_overlayer_lowered  }
0x9b: {  	s22 =	simm.s32 $0x1BFF;
	s21 =	sshll.u32 s6, $0x1;
	s3 =	sadd.s32 s4, s19  }
0x9c: {  	s7 =	simm.s32 $0x0;
	s20 =	sshll.u32 s5, $0x1;
	s5 =	sadd.s32 s21, s3  }
0x9d: {  	[timem:s7], [sflag:s22] =	dma.local [hbm:s5], s20  }
0x9e: {  	_ =	swait.ge [sflag:s22], s20  }
0x9f: {  	s4 =	ssub.s32 $0x0, s20;
	[sflag:s22] =	ssyncset.done $0x0  }
0xa0: {  	[sflag:s22] =	ssyncadd.s32 s4;
	_ =	sdelay $0x1  }
0xa1: {  	s23 =	simm.s32 $0x1B8B  }
0xa2: {  	_ =	swait.ge [sflag:s23], $0x1  }
0xa3: {  	[sflag:s23] =	ssyncset.done $0x0  }
0xa4: {  	s25 =	simm.s32 $0x1B8E;
	s24 =	sld [smem:$0x3FFE];
	[sflag:s23] =	ssyncadd.s32 $0xFFFFFFFF  }
0xa5: {  	s26 =	simm.s32 $execute0_lowered;
	[smem:$0x3FD2] =	sst s25  }
0xa6: {  	s5 =	sshll.u32 s26, $0x1;
	_ =	strace $0x8000004C;
	[dreg:$0x1] =	wrdreg $0xFFFFFFFF  }
0xa7: {  	s28 =	simm.s32 $_size_execute0_lowered;
	s3 =	sadd.s32 s3, s5;
	[dreg:$0x0] =	wrdreg $0x0  }
0xa8: {  	s5 =	sshll.u32 s28, $0x1;
	[dreg:$0x2] =	wrdreg s3  }
0xa9: {  	[dreg:$0x3] =	wrdreg s5  }
0xaa: {  	[dreg:$0x4] =	wrdreg $0xC0  }
0xab: {  	_ =	task [dreg:s7], $0x5FFFF  }
0xac: {  	[dreg:$0x1] =	wrdreg $0xFFFFFFFF  }
0xad: {  	[dreg:$0x0] =	wrdreg $0x60  }
0xae: {  	[dreg:$0x2] =	wrdreg s24  }
0xaf: {  	[dreg:$0x3] =	wrdreg s2  }
0xb0: {  	[dreg:$0x4] =	wrdreg $0xA8000  }
0xb1: {  	[dreg:$0x5] =	wrdreg $0x9  }
0xb2: {  	_ =	task.clear_ibuf [dreg:s7], $0x6FFFF;
	_ =	strace $0x9000004C  }
0xb3: {  	s29 =	simm.s32 $0x9;
	_ =	strace $0x8000004E  }
0xb4: {  	_ =	swait.ge [sflag:s29], $0x1  }
0xb5: {  	[sflag:s29] =	ssyncadd.s32 $0xFFFFFFFF  }
0xb6: {  	_ =	strace $0x9000004E  }
0xb7: {  	_ =	sfence  }
0xb8: {  	s30 =	sld [smem:$0x0];
	_ =	sdelay $0x2  }
0xb9: {  	s31 =	sshll.u32 s1, $0xD;
	s1 =	sshrl.u32 s1, $0x2  }
0xba: {  	s3 =	sand.u32 $0x4000, s31;
	s1 =	sadd.s32 s1, s30  }
0xbb: {  	s0 =	sor.u32 s3, s0;
	s1 =	sshll.u32 s1, $0x11  }
0xbc: {  	s0 =	sor.u32 s1, s0  }
0xbd: {  	s0 =	sadd.s32 $0x8F2B, s0  }
0xbe: {  	[sflag:s0] =	ssyncadd.remote.s32 $0x1  }
0xbf: {  	_ =	sfence.sel $0xFFFF  }
0xc0: {  	[dreg:$0x0] =	wrdreg $0xFFFFFFFF;
	(pc) =	sbr.abs _section_cstart, $3  }
0xc1: {  	[dreg:$0x1] =	wrdreg $0xFFFFFFFF  }
0xc2: {  	_ =	task.clear_ibuf [dreg:s7], $0x2FFFF;
	_ =	strace $0x9FFFFFFF  }
0xc3: {  	(tm) =	ssettm $0x7FFFFFFF  }
tec
execute0_lowered:
.L_overlay_start_1:
0x0: {  	(tag) =	ssettag $0x1  }
0x1: {  	s0 =	rddreg [dreg:$0x0];
	s1 =	srdreg.scid  }
0x2: {  	s3 =	rddreg [dreg:$0x2];
	s10 =	stileid.u32  }
0x3: {  	s4 =	simm.s32 $0x0;
	s13 =	simm.s32 $0x11;
	s14 =	simm.s32 $0x80  }
0x4: {  	s15 =	simm.s32 $0x2800;
	s19 =	simm.s32 $0x4800;
	s21 =	simm.s32 $0x5800  }
0x5: {  	s22 =	simm.s32 $0x1;
	s28 =	simm.s32 $0x6800;
	s29 =	simm.s32 $0x7  }
0x6: {  	s30 =	simm.s32 $0x8800;
	s31 =	simm.s32 $0x8;
	s16 =	simm.s32 $0xC  }
0x7: {  	s20 =	simm.s32 $0xF;
	s1 =	sand.u32 $0x1, s1;
	s6 =	smul.u32 $0x5000, s10  }
0x8: {  	[smem:$0x7FF] =	sst s4;
	s5 =	sadd.s32 $0xCE00, s0;
	s9 =	sadd.s32 $0x20E00, s0  }
0x9: {  	s26 =	sshll.u32 s10, $0x6;
	s2 =	sshll.u32 s1, $0x4;
	s7 =	smul.u32 $0x50000, s1  }
0xa: {  	_ =	strace $0x8000004D;
	s1 =	ssub.s32 $0x2, s1;
	[dreg:$0x4] =	wrdreg s9  }
0xb: {  	s11 =	sor.u32 $0x1C11, s26;
	s26 =	simm.s32 $0x5;
	s2 =	sor.u32 s10, s2  }
0xc: {  	s23 =	sshrl.u32 s1, $0x1;
	s24 =	sadd.s32 s6, s3;
	s8 =	smul.u32 $0x500, s2  }
0xd: {  	s7 =	sadd.s32 s6, s7;
	s1 =	ssub.s32 s1, s23;
	p0 =	seq.s32 s2, $0x1F  }
0xe: {  	s12 =	sshrl.u32 s24, $0x3;
	s23 =	simm.s32 $0x7800;
	s7 =	sshrl.u32 s7, $0x3  }
.Ltmp0:
0xf: {  	s1 =	smax.u32 s1, $0x1;
	s8 =	sadd.s32 s8, s0;
	(pc) =	sbr.rel .LBB2_1-.Ltmp0, $4  }
0x10: {  	s7 =	sadd.s32 s7, s0;
	s0 =	sadd.s32 $0xCB00, s0;
	[dreg:$0x8] =	wrdreg s1  }
0x11: {  	s24 =	simm.s32 $0x3;
	s8 =	sadd.s32 $0x3000, s8;
	[dreg:$0x6] =	wrdreg s0  }
0x12: {  	s2 =	simm.s32 $0xB;
	s25 =	sadd.s32 $0x21800, s7;
	[dreg:$0x5] =	wrdreg s8  }
0x13: {  	s6 =	simm.s32 $0x10;
	[dreg:$0x7] =	wrdreg s25;
	s25 =	simm.s32 $0x9800  }
.LBB2_6:
0x14: {  	_ =	swait.ge [sflag:s31], $0x1000  }
0x15: {  	[sflag:s31] =	ssyncset.done $0x0  }
0x16: {  	s0 =	simm.s32 $0x9;
	[sflag:s31] =	ssyncadd.s32 $0xFFFFF000  }
0x17: {  	[spmem:s3] =	stream.indirect.scatter.add.f32 [tilespmem:s25], [sflag:$0x10], $0x20, s9, s14, $0xb8;
	[tilespmem:$0xF800] =	vst v63  }
0x18: {  	_ =	swait.ge [sflag:s0], $0x1000  }
0x19: {  	[sflag:s0] =	ssyncset.done $0x0  }
0x1a: {  	s8 =	simm.s32 $0xA;
	[sflag:s0] =	ssyncadd.s32 $0xFFFFF000  }
0x1b: {  	_ =	swait.ge [sflag:s8], $0x1000  }
0x1c: {  	[sflag:s8] =	ssyncset.done $0x0  }
0x1d: {  	[sflag:s8] =	ssyncadd.s32 $0xFFFFF000  }
0x1e: {  	_ =	swait.ge [sflag:s2], $0x1000  }
0x1f: {  	[sflag:s2] =	ssyncset.done $0x0  }
0x20: {  	[sflag:s2] =	ssyncadd.s32 $0xFFFFF000  }
0x21: {  	_ =	swait.ge [sflag:s16], $0x1000  }
0x22: {  	[sflag:s16] =	ssyncset.done $0x0  }
0x23: {  	s9 =	simm.s32 $0xD;
	[sflag:s16] =	ssyncadd.s32 $0xFFFFF000  }
0x24: {  	_ =	swait.ge [sflag:s9], $0x1000  }
0x25: {  	[sflag:s9] =	ssyncset.done $0x0  }
0x26: {  	s10 =	simm.s32 $0xE;
	[sflag:s9] =	ssyncadd.s32 $0xFFFFF000  }
0x27: {  	_ =	swait.ge [sflag:s10], $0x1000  }
0x28: {  	[sflag:s10] =	ssyncset.done $0x0  }
0x29: {  	[sflag:s10] =	ssyncadd.s32 $0xFFFFF000  }
0x2a: {  	_ =	swait.ge [sflag:s20], $0x1000  }
0x2b: {  	[sflag:s20] =	ssyncset.done $0x0  }
0x2c: {  	[sflag:s20] =	ssyncadd.s32 $0xFFFFF000  }
0x2d: {  	_ =	swait.ge [sflag:s6], $0x1000  }
0x2e: {  	[sflag:s6] =	ssyncset.done $0x0  }
0x2f: {  	[sflag:s6] =	ssyncadd.s32 $0xFFFFF000  }
0x30: {  	[bflag:$0x0] =	sbarrier.arrive $0xFFFF  }
0x31: {  	s17 =	rddreg [dreg:$0x7]  }
0x32: {  	[hbm:s17], [sflag:s11] =	dma.local [spmem:s12], $0xA00  }
0x33: {  	_ =	swait.ge [sflag:s13], $0xA00  }
0x34: {  	s4 =	sadd.s32 $0x1, s4;
	s18 =	rddreg [dreg:$0x8]  }
0x35: {  	p1 =	sne.s32 s4, s18  }
.Ltmp1:
0x36: {  	_ = 	snop;
	(pc) =	sbr.rel @!p1 .LBB2_7-.Ltmp1, $3  }
0x37: {  	_ =	sdelay $0x1  }
0x38: {  	[sflag:s13] =	ssyncset.done $0x0  }
0x39: {  	[sflag:s13] =	ssyncadd.s32 $0xFFFFF600  }
.LBB2_1:
0x3a: {  	s7 =	simm.s32 @p0 $0x0;
	s0 =	rddreg [dreg:$0x6];
	s8 =	simm.s32 @p0 $0x11  }
0x3b: {  	[tilespmem:s7], [sflag:$0x11] =	stream.linear.gather @p0 [hbm4b:s0+s7], $0xA00, $0x38;
	[tilespmem:$0xF800] =	vst v63  }
0x3c: {  	_ =	swait.ge @p0 [sflag:s8], $0xA00  }
0x3d: {  	[sflag:s8] =	ssyncset.done @p0 $0x0  }
0x3e: {  	[sflag:s8] =	ssyncadd.s32 @p0 $0xFFFFF600  }
0x3f: {  	s9 =	simm.s32 @p0 $0xA00;
	s0 =	rddreg [dreg:$0x1]  }
0x40: {  	[tilespmem:s9], [sflag:$0x11] =	stream.linear.gather @p0 [hbm4b:s0+s7], $0x1E00, $0x38;
	[tilespmem:$0xF800] =	vst v63  }
0x41: {  	_ =	swait.ge @p0 [sflag:s8], $0x1E00  }
0x42: {  	[sflag:s8] =	ssyncset.done @p0 $0x0  }
0x43: {  	s7 =	simm.s32 @!p0 $0x0;
	s0 =	rddreg [dreg:$0x5];
	[sflag:s8] =	ssyncadd.s32 @p0 $0xFFFFE200  }
0x44: {  	[tilespmem:s7], [sflag:$0x11] =	stream.linear.gather @!p0 [hbm4b:s0+s7], $0x2800, $0x38;
	[tilespmem:$0xF800] =	vst v63  }
0x45: {  	s7 =	simm.s32 @!p0 $0x11  }
0x46: {  	_ =	swait.ge @!p0 [sflag:s7], $0x2800  }
0x47: {  	[sflag:s7] =	ssyncset.done @!p0 $0x0  }
0x48: {  	s18 =	rddreg [dreg:$0x4];
	[sflag:s7] =	ssyncadd.s32 @!p0 $0xFFFFD800  }
0x49: {  	[spmem:s12], [sflag:s11] =	dma.local [hbm:s18], $0xA00  }
0x4a: {  	_ =	swait.ge [sflag:s13], $0xA00  }
0x4b: {  	[sflag:s13] =	ssyncset.done $0x0  }
0x4c: {  	s7 =	simm.s32 $0x0;
	[sflag:s13] =	ssyncadd.s32 $0xFFFFF600  }
0x4d: {  	v0 =	vld [tilespmem:s7+$0x0]  }
0x4e: {  	v1 =	vld [tilespmem:s7+$0x10]  }
0x4f: {  	v7 =	vld [tilespmem:s7+$0x20]  }
0x50: {  	v3 =	vld [tilespmem:s7+$0x30];
	_ =	sdelay $0x2  }
0x51: {  	v2 =	vld [tilespmem:s7+$0x40];
	v4 =	vshll.u32 v0, $0x1  }
0x52: {  	v5 =	vand.u32 $0x1, v0;
	v6 =	vshll.u32 v1, $0x1;
	v0 =	vld [tilespmem:s7+$0x50];
	v8 =	vshll.u32 v7, $0x1  }
0x53: {  	v7 =	vand.u32 $0x1, v7;
	v9 =	vshll.u32 v3, $0x1;
	v4 =	vand.u32 $0xFFFFFFFC, v4  }
0x54: {  	s8 =	simm.s32 $0x400;
	v4 =	vor.u32 v5, v4;
	v5 =	vand.u32 $0xFFFFFFFC, v6;
	v6 =	vand.u32 $0x1, v1;
	v1 =	vld [tilespmem:s7+$0x60]  }
.LBB2_2:
0x55: {  	p1 =	sne.s32 s8, $0x9C00;
	v8 =	vand.u32 $0xFFFFFFFC, v8;
	v9 =	vand.u32 $0xFFFFFFFC, v9;
	v3 =	vand.u32 $0x1, v3;
	v10 =	vld [tilespmem:s7+$0x70]  }
0x56: {  	s9 =	sshra.s32 s8, $0x2;
	[tilespmem:s7+$0x0] =	vst v4;
	v4 =	vor.u32 v6, v5;
	v5 =	vor.u32 v7, v8;
	v3 =	vor.u32 v3, v9  }
0x57: {  	v6 =	vld [tilespmem:s9+$0x0];
	[tilespmem:s7+$0x10] =	vst v4;
	v4 =	vshll.u32 v2, $0x1;
	v2 =	vand.u32 $0x1, v2;
	v7 =	vshll.u32 v0, $0x1  }
0x58: {  	v0 =	vand.u32 $0x1, v0;
	v8 =	vld [tilespmem:s9+$0x10];
	[tilespmem:s7+$0x20] =	vst v5;
	v4 =	vand.u32 $0xFFFFFFFC, v4;
	v5 =	vand.u32 $0xFFFFFFFC, v7  }
0x59: {  	v7 =	vld [tilespmem:s9+$0x20];
	[tilespmem:s7+$0x30] =	vst v3;
	v2 =	vor.u32 v2, v4;
	v0 =	vor.u32 v0, v5;
	v4 =	vshll.u32 v1, $0x1  }
0x5a: {  	v1 =	vand.u32 $0x1, v1;
	v3 =	vld [tilespmem:s9+$0x30];
	[tilespmem:s7+$0x40] =	vst v2;
	v2 =	vand.u32 $0xFFFFFFFC, v4;
	v4 =	vshll.u32 v10, $0x1  }
.Ltmp2:
0x5b: {  	[tilespmem:s7+$0x50] =	vst v0;
	v0 =	vor.u32 v1, v2;
	v1 =	vand.u32 $0xFFFFFFFC, v4;
	v4 =	vand.u32 $0x1, v10;
	(pc) =	sbr.rel @p1 .LBB2_2-.Ltmp2, $4  }
0x5c: {  	v5 =	vshll.u32 v6, $0x1;
	v2 =	vld [tilespmem:s9+$0x40];
	[tilespmem:s7+$0x60] =	vst v0;
	v1 =	vor.u32 v4, v1  }
0x5d: {  	v4 =	vand.u32 $0xFFFFFFFC, v5;
	v5 =	vand.u32 $0x1, v6;
	v6 =	vshll.u32 v8, $0x1;
	v0 =	vld [tilespmem:s9+$0x50];
	[tilespmem:s7+$0x70] =	vst v1;
	s7 =	smov.u32 s9  }
0x5e: {  	v4 =	vor.u32 v5, v4;
	v5 =	vand.u32 $0xFFFFFFFC, v6;
	v6 =	vand.u32 $0x1, v8  }
0x5f: {  	s8 =	sadd.s32 $0x400, s8;
	v8 =	vshll.u32 v7, $0x1;
	v7 =	vand.u32 $0x1, v7;
	v9 =	vshll.u32 v3, $0x1;
	v1 =	vld [tilespmem:s7+$0x60]  }
0x60: {  	v8 =	vand.u32 $0xFFFFFFFC, v8;
	v9 =	vand.u32 $0xFFFFFFFC, v9;
	v3 =	vand.u32 $0x1, v3;
	v10 =	vld [tilespmem:s7+$0x70]  }
0x61: {  	[tilespmem:s7+$0x0] =	vst v4;
	v49 =	vor.u32 v6, v5;
	v50 =	vor.u32 v7, v8;
	v3 =	vor.u32 v3, v9  }
0x62: {  	[tilespmem:s7+$0x10] =	vst v49;
	v51 =	vshll.u32 v2, $0x1;
	v52 =	vand.u32 $0x1, v2;
	v53 =	vshll.u32 v0, $0x1  }
0x63: {  	[tilespmem:s7+$0x20] =	vst v50;
	v4 =	vand.u32 $0xFFFFFFFC, v51;
	v55 =	vand.u32 $0x1, v0;
	v54 =	vand.u32 $0xFFFFFFFC, v53  }
0x64: {  	[tilespmem:s7+$0x30] =	vst v3;
	v2 =	vor.u32 v52, v4;
	v0 =	vor.u32 v55, v54;
	v56 =	vshll.u32 v1, $0x1  }
0x65: {  	[tilespmem:s7+$0x40] =	vst v2;
	v58 =	vand.u32 $0x1, v1;
	v57 =	vand.u32 $0xFFFFFFFC, v56;
	v59 =	vshll.u32 v10, $0x1  }
0x66: {  	[tilespmem:s7+$0x50] =	vst v0;
	v62 =	vand.u32 $0x1, v10;
	v60 =	vor.u32 v58, v57;
	v61 =	vand.u32 $0xFFFFFFFC, v59  }
0x67: {  	[tilespmem:s7+$0x60] =	vst v60;
	v63 =	vor.u32 v62, v61  }
0x68: {  	[tilespmem:s7+$0x70] =	vst v63  }
0x69: {  	s7 =	simm.s32 $0x0;
	[bflag:$0x0] =	sbarrier.arrive $0xFFFF  }
0x6a: {  	[tilespmem:s15], [sflag:$0x1] =	stream.indirect.gather [hbm4b:s5+s14], $0x20, s7, s14, $0xb8;
	[tilespmem:$0xF800] =	vst v63  }
0x6b: {  	s0 =	simm.s32 $0x100;
	s1 =	simm.s32 $0x3800  }
0x6c: {  	[tilespmem:s1], [sflag:$0x2] =	stream.indirect.gather [hbm4b:s5+s14], $0x20, s0, s14, $0xb8;
	[tilespmem:$0xF800] =	vst v63  }
0x6d: {  	s17 =	simm.s32 $0x200  }
0x6e: {  	[tilespmem:s19], [sflag:$0x3] =	stream.indirect.gather [hbm4b:s5+s14], $0x20, s17, s14, $0xb8;
	[tilespmem:$0xF800] =	vst v63  }
0x6f: {  	s18 =	simm.s32 $0x300  }
0x70: {  	[tilespmem:s21], [sflag:$0x4] =	stream.indirect.gather [hbm4b:s5+s14], $0x20, s18, s14, $0xb8;
	[tilespmem:$0xF800] =	vst v63  }
.LBB2_4:
0x71: {  	_ =	swait.ge [sflag:s22], $0x1000  }
0x72: {  	s8 =	sshra.s32 s7, $0x2;
	[sflag:s22] =	ssyncset.done $0x0  }
0x73: {  	p1 =	seq.s32 s7, $0x0;
	s9 =	sadd.s32 $0x80, s8;
	[sflag:s22] =	ssyncadd.s32 $0xFFFFF000  }
0x74: {  	[spmem:s3] =	stream.indirect.scatter.add.f32 [tilespmem:s15], [sflag:$0x9], $0x20, s9, s14, $0xb8;
	[tilespmem:$0xF800] =	vst v63  }
0x75: {  	s9 =	sshra.s32 @p1 s7, $0x2  }
0x76: {  	s0 =	simm.s32 @p1 $0x80;
	s1 =	simm.s32 @p1 $0x6800;
	s10 =	sadd.s32 @p1 $0x400, s9  }
0x77: {  	[tilespmem:s1], [sflag:$0x5] =	stream.indirect.gather @p1 [hbm4b:s5+s0], $0x20, s10, s0, $0xb8;
	[tilespmem:$0xF800] =	vst v63  }
0x78: {  	s1 =	simm.s32 @p1 $0x2  }
0x79: {  	_ =	swait.ge @p1 [sflag:s1], $0x1000  }
0x7a: {  	[sflag:s1] =	ssyncset.done @p1 $0x0  }
0x7b: {  	s10 =	simm.s32 @p1 $0x3800;
	[sflag:s1] =	ssyncadd.s32 @p1 $0xFFFFF000;
	s1 =	sadd.s32 @p1 $0x180, s9  }
0x7c: {  	[spmem:s3] =	stream.indirect.scatter.add.f32 @p1 [tilespmem:s10], [sflag:$0xA], $0x20, s1, s0, $0xb8;
	[tilespmem:$0xF800] =	vst v63  }
0x7d: {  	s1 =	simm.s32 @!p1 $0xD  }
0x7e: {  	_ =	swait.ge @!p1 [sflag:s1], $0x1000  }
0x7f: {  	[sflag:s1] =	ssyncset.done @!p1 $0x0  }
0x80: {  	[sflag:s1] =	ssyncadd.s32 @!p1 $0xFFFFF000;
	s1 =	sshra.s32 @!p1 s7, $0x2  }
0x81: {  	s17 =	simm.s32 @!p1 $0x80;
	s18 =	simm.s32 @!p1 $0x6800;
	s10 =	sadd.s32 @!p1 $0x400, s1  }
0x82: {  	[tilespmem:s18], [sflag:$0x5] =	stream.indirect.gather @!p1 [hbm4b:s5+s17], $0x20, s10, s17, $0xb8;
	[tilespmem:$0xF800] =	vst v63  }
0x83: {  	s10 =	simm.s32 @!p1 $0x2  }
0x84: {  	_ =	swait.ge @!p1 [sflag:s10], $0x1000  }
0x85: {  	[sflag:s10] =	ssyncset.done @!p1 $0x0  }
0x86: {  	s18 =	simm.s32 @!p1 $0x3800;
	[sflag:s10] =	ssyncadd.s32 @!p1 $0xFFFFF000;
	s10 =	sadd.s32 @!p1 $0x180, s1  }
0x87: {  	[spmem:s3] =	stream.indirect.scatter.add.f32 @!p1 [tilespmem:s18], [sflag:$0xA], $0x20, s10, s17, $0xb8;
	[tilespmem:$0xF800] =	vst v63  }
0x88: {  	s10 =	simm.s32 @!p1 $0xE  }
0x89: {  	_ =	swait.ge @!p1 [sflag:s10], $0x1000  }
0x8a: {  	[sflag:s10] =	ssyncset.done @!p1 $0x0  }
0x8b: {  	s18 =	sadd.s32 $0x500, s8;
	[sflag:s10] =	ssyncadd.s32 @!p1 $0xFFFFF000  }
0x8c: {  	[tilespmem:s23], [sflag:$0x6] =	stream.indirect.gather [hbm4b:s5+s14], $0x20, s18, s14, $0xb8;
	[tilespmem:$0xF800] =	vst v63  }
0x8d: {  	_ =	swait.ge [sflag:s24], $0x1000  }
0x8e: {  	[sflag:s24] =	ssyncset.done $0x0  }
0x8f: {  	s18 =	sadd.s32 $0x280, s8;
	[sflag:s24] =	ssyncadd.s32 $0xFFFFF000  }
0x90: {  	[spmem:s3] =	stream.indirect.scatter.add.f32 [tilespmem:s19], [sflag:$0xB], $0x20, s18, s14, $0xb8;
	[tilespmem:$0xF800] =	vst v63  }
0x91: {  	s10 =	sadd.s32 @p1 $0x600, s9;
	s18 =	simm.s32 @p1 $0x8800  }
0x92: {  	[tilespmem:s18], [sflag:$0x7] =	stream.indirect.gather @p1 [hbm4b:s5+s0], $0x20, s10, s0, $0xb8;
	[tilespmem:$0xF800] =	vst v63  }
0x93: {  	s10 =	simm.s32 @p1 $0x4  }
0x94: {  	_ =	swait.ge @p1 [sflag:s10], $0x1000  }
0x95: {  	[sflag:s10] =	ssyncset.done @p1 $0x0  }
0x96: {  	s9 =	sadd.s32 @p1 $0x380, s9;
	[sflag:s10] =	ssyncadd.s32 @p1 $0xFFFFF000;
	s10 =	simm.s32 @p1 $0x5800  }
0x97: {  	[spmem:s3] =	stream.indirect.scatter.add.f32 @p1 [tilespmem:s10], [sflag:$0xC], $0x20, s9, s0, $0xb8;
	[tilespmem:$0xF800] =	vst v63  }
0x98: {  	s0 =	simm.s32 @!p1 $0xF  }
0x99: {  	_ =	swait.ge @!p1 [sflag:s0], $0x1000  }
0x9a: {  	[sflag:s0] =	ssyncset.done @!p1 $0x0  }
0x9b: {  	s9 =	simm.s32 @!p1 $0x8800;
	[sflag:s0] =	ssyncadd.s32 @!p1 $0xFFFFF000;
	s0 =	sadd.s32 @!p1 $0x600, s1  }
0x9c: {  	[tilespmem:s9], [sflag:$0x7] =	stream.indirect.gather @!p1 [hbm4b:s5+s17], $0x20, s0, s17, $0xb8;
	[tilespmem:$0xF800] =	vst v63  }
0x9d: {  	s0 =	simm.s32 @!p1 $0x4  }
0x9e: {  	_ =	swait.ge @!p1 [sflag:s0], $0x1000  }
0x9f: {  	[sflag:s0] =	ssyncset.done @!p1 $0x0  }
0xa0: {  	[sflag:s0] =	ssyncadd.s32 @!p1 $0xFFFFF000;
	s0 =	sadd.s32 @!p1 $0x380, s1;
	s1 =	simm.s32 @!p1 $0x5800  }
0xa1: {  	[spmem:s3] =	stream.indirect.scatter.add.f32 @!p1 [tilespmem:s1], [sflag:$0xC], $0x20, s0, s17, $0xb8;
	[tilespmem:$0xF800] =	vst v63  }
0xa2: {  	s0 =	simm.s32 @!p1 $0x10  }
0xa3: {  	_ =	swait.ge @!p1 [sflag:s0], $0x1000  }
0xa4: {  	[sflag:s0] =	ssyncset.done @!p1 $0x0  }
0xa5: {  	s10 =	sadd.s32 $0x700, s8;
	[sflag:s0] =	ssyncadd.s32 @!p1 $0xFFFFF000  }
0xa6: {  	[tilespmem:s25], [sflag:$0x8] =	stream.indirect.gather [hbm4b:s5+s14], $0x20, s10, s14, $0xb8;
	[tilespmem:$0xF800] =	vst v63  }
0xa7: {  	_ =	swait.ge [sflag:s26], $0x1000  }
0xa8: {  	p1 =	seq.s32 s7, $0x8000;
	[sflag:s26] =	ssyncset.done $0x0  }
0xa9: {  	s17 =	sadd.s32 $0x480, s8;
	s0 =	simm.s32 @p1 $0x6;
	[sflag:s26] =	ssyncadd.s32 $0xFFFFF000  }
0xaa: {  	[spmem:s3] =	stream.indirect.scatter.add.f32 [tilespmem:s28], [sflag:$0xD], $0x20, s17, s14, $0xb8;
	[tilespmem:$0xF800] =	vst v63  }
0xab: {  	_ =	swait.ge @p1 [sflag:s0], $0x1000  }
0xac: {  	[sflag:s0] =	ssyncset.done @p1 $0x0  }
0xad: {  	[sflag:s0] =	ssyncadd.s32 @p1 $0xFFFFF000;
	s0 =	sshra.s32 @p1 s7, $0x2  }
0xae: {  	s1 =	simm.s32 @p1 $0x80;
	s9 =	simm.s32 @p1 $0x7800;
	s0 =	sadd.s32 @p1 $0x580, s0  }
0xaf: {  	[spmem:s3] =	stream.indirect.scatter.add.f32 @p1 [tilespmem:s9], [sflag:$0xE], $0x20, s0, s1, $0xb8;
	[tilespmem:$0xF800] =	vst v63  }
0xb0: {  	s0 =	simm.s32 @!p1 $0x9  }
0xb1: {  	_ =	swait.ge @!p1 [sflag:s0], $0x1000  }
0xb2: {  	[sflag:s0] =	ssyncset.done @!p1 $0x0  }
0xb3: {  	[sflag:s0] =	ssyncadd.s32 @!p1 $0xFFFFF000;
	s0 =	sshra.s32 @!p1 s7, $0x2  }
0xb4: {  	s10 =	simm.s32 @!p1 $0x2800;
	s9 =	simm.s32 @!p1 $0x80;
	s1 =	sadd.s32 @!p1 $0x800, s0  }
0xb5: {  	[tilespmem:s10], [sflag:$0x1] =	stream.indirect.gather @!p1 [hbm4b:s5+s9], $0x20, s1, s9, $0xb8;
	[tilespmem:$0xF800] =	vst v63  }
0xb6: {  	s1 =	simm.s32 @!p1 $0x6  }
0xb7: {  	_ =	swait.ge @!p1 [sflag:s1], $0x1000  }
0xb8: {  	[sflag:s1] =	ssyncset.done @!p1 $0x0  }
0xb9: {  	s10 =	simm.s32 @!p1 $0x7800;
	[sflag:s1] =	ssyncadd.s32 @!p1 $0xFFFFF000;
	s1 =	sadd.s32 @!p1 $0x580, s0  }
0xba: {  	[spmem:s3] =	stream.indirect.scatter.add.f32 @!p1 [tilespmem:s10], [sflag:$0xE], $0x20, s1, s9, $0xb8;
	[tilespmem:$0xF800] =	vst v63  }
0xbb: {  	s1 =	simm.s32 @!p1 $0xA  }
0xbc: {  	_ =	swait.ge @!p1 [sflag:s1], $0x1000  }
0xbd: {  	[sflag:s1] =	ssyncset.done @!p1 $0x0  }
0xbe: {  	s0 =	sadd.s32 @!p1 $0x900, s0;
	[sflag:s1] =	ssyncadd.s32 @!p1 $0xFFFFF000;
	s1 =	simm.s32 @!p1 $0x3800  }
0xbf: {  	[tilespmem:s1], [sflag:$0x2] =	stream.indirect.gather @!p1 [hbm4b:s5+s9], $0x20, s0, s9, $0xb8;
	[tilespmem:$0xF800] =	vst v63  }
.Ltmp3:
0xc0: {  	_ = 	snop;
	(pc) =	sbr.rel @p1 .LBB2_6-.Ltmp3, $4  }
0xc1: {  	_ =	swait.ge [sflag:s29], $0x1000  }
0xc2: {  	[sflag:s29] =	ssyncset.done $0x0  }
0xc3: {  	s18 =	sadd.s32 $0x680, s8;
	s9 =	sadd.s32 $0x780, s8;
	[sflag:s29] =	ssyncadd.s32 $0xFFFFF000  }
0xc4: {  	[spmem:s3] =	stream.indirect.scatter.add.f32 [tilespmem:s30], [sflag:$0xF], $0x20, s18, s14, $0xb8;
	[tilespmem:$0xF800] =	vst v63  }
0xc5: {  	_ =	swait.ge [sflag:s2], $0x1000  }
0xc6: {  	[sflag:s2] =	ssyncset.done $0x0  }
0xc7: {  	s0 =	sadd.s32 $0xA00, s8;
	[sflag:s2] =	ssyncadd.s32 $0xFFFFF000  }
0xc8: {  	[tilespmem:s19], [sflag:$0x3] =	stream.indirect.gather [hbm4b:s5+s14], $0x20, s0, s14, $0xb8;
	[tilespmem:$0xF800] =	vst v63  }
0xc9: {  	_ =	swait.ge [sflag:s31], $0x1000  }
0xca: {  	[sflag:s31] =	ssyncset.done $0x0  }
0xcb: {  	[sflag:s31] =	ssyncadd.s32 $0xFFFFF000  }
0xcc: {  	[spmem:s3] =	stream.indirect.scatter.add.f32 [tilespmem:s25], [sflag:$0x10], $0x20, s9, s14, $0xb8;
	[tilespmem:$0xF800] =	vst v63  }
.Ltmp4:
0xcd: {  	_ = 	snop;
	(pc) =	sbr.rel .LBB2_4-.Ltmp4, $4  }
0xce: {  	_ =	swait.ge [sflag:s16], $0x1000  }
0xcf: {  	[sflag:s16] =	ssyncset.done $0x0  }
0xd0: {  	s18 =	sadd.s32 $0xB00, s8;
	s7 =	sadd.s32 $0x2000, s7;
	[sflag:s16] =	ssyncadd.s32 $0xFFFFF000  }
0xd1: {  	[tilespmem:s21], [sflag:$0x4] =	stream.indirect.gather [hbm4b:s5+s14], $0x20, s18, s14, $0xb8;
	[tilespmem:$0xF800] =	vst v63  }
.LBB2_7:
0xd2: {  	_ =	sfence.sel $0x180000  }
0xd3: {  	[bflag:$0x0] =	sbarrier.arrive $0xFFFF  }
0xd4: {  	_ =	strace $0x9000004D  }
0xd5: {  	s0 =	stileid.u32;
	[bflag:$0x2] =	sbarrier.arrive $0xFFFF  }
0xd6: {  	p0 =	sne.s32 s0, $0x0;
	s0 =	rddreg [dreg:$0x3]  }
0xd7: {  	s0 =	sadd.s32 @!p0 $0x100000, s0  }
0xd8: {  	[sflag:s0] =	ssyncadd.tile.s32 @!p0 $0x1;
	_ =	shalt  }
.Lfunc_end2:
_tile_overlayer_lowered:
.L_overlay_start_2:
0xd9: {  	(tag) =	ssettag $0x2  }
0xda: {  	s0 =	rddreg [dreg:$0x0];
	s2 =	stileid.u32  }
0xdb: {  	s1 =	rddreg [dreg:$0x1];
	p0 =	sne.s32 s2, $0x0  }
0xdc: {  	s3 =	rddreg [dreg:$0x2];
	[bflag:$0x3] =	sbarrier.arrive $0xFFFF;
	s2 =	simm.s32 @!p0 $0x1C11  }
0xdd: {  	[timem:s3], [sflag:s2] =	dma.local @!p0 [hbm:s0], s1  }
0xde: {  	s0 =	simm.s32 @!p0 $0x11  }
0xdf: {  	_ =	swait.ge @!p0 [sflag:s0], s1  }
0xe0: {  	s1 =	ssub.s32 @!p0 $0x0, s1;
	[sflag:s0] =	ssyncset.done @!p0 $0x0  }
0xe1: {  	[sflag:s0] =	ssyncadd.s32 @!p0 s1  }
0xe2: {  	[bflag:$0x3] =	sbarrier.arrive $0xFFFF  }
0xe3: {  	_ =	shalt  }

// kernel: kernel.8.cloned.1.call-start
scs
__scs_entry_jumppad:
0x0: {  	(pc) =	sbr.rel $0x88, $3  }
0x1: {  	(tag) =	ssettag $0x0;
	lr =	simm.s32 $0x1  }
0x2: {  	[smem:$0x3F99] =	sst lr;
	_ =	strace $0xD0000000  }
0x3: {  	_ = 	snop  }
0x4: {  	_ = 	snop  }
0x5: {  	_ = 	snop  }
0x6: {  	_ = 	snop  }
0x7: {  	_ = 	snop  }
__scs_overlays_trampoline_lowered:
0x8: {  	[smem:$0x3FA8] =	sst s0  }
0x9: {  	[smem:$0x3FA9] =	sst s1  }
0xa: {  	[smem:$0x3FAA] =	sst s2  }
0xb: {  	[smem:$0x3FAB] =	sst s3  }
0xc: {  	[smem:$0x3FAC] =	sst s4  }
0xd: {  	[smem:$0x3FAD] =	sst s5  }
0xe: {  	[smem:$0x3FAE] =	sst s6  }
0xf: {  	[smem:$0x3FAF] =	sst s7  }
0x10: {  	[smem:$0x3FB0] =	sst s8  }
0x11: {  	[smem:$0x3FB1] =	sst s9;
	s0 =	simm.s32 @!p0 $0x0  }
0x12: {  	s1 =	sld [smem:$0x3F97];
	s0 =	simm.s32 @p0 $0x1  }
0x13: {  	[smem:$0x3FB2] =	sst s0;
	s0 =	simm.s32 @!p1 $0x0  }
0x14: {  	s2 =	sld [smem:$0x3F96];
	s0 =	simm.s32 @p1 $0x1  }
0x15: {  	[smem:$0x3FB3] =	sst s0;
	s0 =	simm.s32 @!p2 $0x0  }
0x16: {  	s3 =	sld [smem:$0x3FDB];
	s0 =	simm.s32 @p2 $0x1  }
0x17: {  	s4 =	simm.s32 $0x1BF5;
	[smem:$0x3FB5] =	sst s0  }
0x18: {  	s0 =	sld [smem:$0x3F98];
	_ =	swait.ge [sflag:s4], $0x0  }
0x19: {  	s7 =	sld [smem:$0x3F99]  }
0x1a: {  	s8 =	sadd.s32 $0xFFFFE003, lr  }
0x1b: {  	s9 =	sadd.s32 $0xFFFFFEF7, lr;
	s5 =	simm.s32 $0xFFFFFFFF;
	p2 =	slt.u32 s8, $0xFFFFF086  }
0x1c: {  	p1 =	slt.u32 s9, $0xF7A;
	s5 =	simm.s32 @!p2 $0x0  }
0x1d: {  	s5 =	simm.s32 @p1 $0x1;
	p0 =	seq.s32 s7, s2  }
0x1e: {  	s7 =	smul.u32 @!p0 $0xF7A, s2;
	p2 =	seq.s32 @!p0 s5, $0x0  }
0x1f: {  	s9 =	smul.u32 $0xF7A, s1;
	s8 =	simm.s32 @!p0 $0x1BF5;
	p2 =	por !p2, p0  }
0x20: {  	[sflag:s8] =	ssyncset.s32 @!p0 $0xFFFFF086;
	s6 =	sadd.s32 @!p0 s3, s7;
	s7 =	simm.s32 @!p0 $0x108  }
0x21: {  	s3 =	sadd.s32 s3, s9;
	s6 =	sadd.s32 @!p0 $0x88, s6;
	s7 =	simm.s32 @p2 $0x1082  }
0x22: {  	[simem:s7], [sflag:s8] =	dma.local @!p0 [hbm:s6], $0xF7A  }
0x23: {  	s9 =	sor.u32 $0xD0000000, s2;
	s6 =	simm.s32 $0x108;
	_ =	swait.ge @!p0 [sflag:s8], $0x0  }
0x24: {  	s3 =	sadd.s32 $0x88, s3;
	s6 =	simm.s32 @!p1 $0x1082;
	[sflag:s4] =	ssyncset.s32 $0xFFFFF086  }
0x25: {  	[simem:s6], [sflag:s4] =	dma.local [hbm:s3], $0xF7A  }
0x26: {  	[smem:$0x3F99] =	sst s1;
	(tag) =	ssettag s2;
	_ =	strace s9  }
0x27: {  	s1 =	sld [smem:$0x3FA9]  }
0x28: {  	s2 =	sld [smem:$0x3FAA]  }
0x29: {  	s4 =	sld [smem:$0x3FAC]  }
0x2a: {  	p0 =	seq.s32 s5, $0x0;
	s5 =	sld [smem:$0x3FAD]  }
0x2b: {  	s6 =	sld [smem:$0x3FAE]  }
0x2c: {  	s7 =	sld [smem:$0x3FAF]  }
0x2d: {  	s3 =	simm.s32 $0x108;
	s8 =	sld [smem:$0x3FB0]  }
0x2e: {  	s3 =	simm.s32 @!p0 $0x1082;
	s9 =	sld [smem:$0x3FB1]  }
0x2f: {  	lr =	sadd.s32 s0, s3;
	s0 =	sld [smem:$0x3FA8]  }
0x30: {  	s3 =	sld [smem:$0x3FAB]  }
0x31: {  	[smem:$0x3FB4] =	sst s10  }
0x32: {  	s10 =	sld [smem:$0x3FB2];
	_ =	sdelay $0x3  }
0x33: {  	p0 =	seq.s32 s10, $0x1;
	s10 =	sld [smem:$0x3FB4];
	_ =	sdelay $0x3  }
0x34: {  	[smem:$0x3FB4] =	sst s10  }
0x35: {  	s10 =	sld [smem:$0x3FB3];
	_ =	sdelay $0x3  }
0x36: {  	p1 =	seq.s32 s10, $0x1;
	s10 =	sld [smem:$0x3FB4];
	_ =	sdelay $0x3  }
0x37: {  	[smem:$0x3FB4] =	sst s10  }
0x38: {  	s10 =	sld [smem:$0x3FB5]  }
0x39: {  	_ = 	snop;
	(pc) =	sbr.ind lr, $3  }
0x3a: {  	_ = 	snop  }
0x3b: {  	_ = 	snop  }
0x3c: {  	p2 =	seq.s32 s10, $0x1;
	s10 =	sld [smem:$0x3FB4]  }
0x3d: {  	_ =	shalt  }
0x3e: {  	_ =	shalt  }
0x3f: {  	_ =	shalt  }
0x40: {  	_ =	shalt  }
0x41: {  	_ =	shalt  }
0x42: {  	_ =	shalt  }
0x43: {  	_ =	shalt  }
0x44: {  	_ =	shalt  }
0x45: {  	_ =	shalt  }
0x46: {  	_ =	shalt  }
0x47: {  	_ =	shalt  }
0x48: {  	_ =	shalt  }
0x49: {  	_ =	shalt  }
0x4a: {  	_ =	shalt  }
0x4b: {  	_ =	shalt  }
0x4c: {  	_ =	shalt  }
0x4d: {  	_ =	shalt  }
0x4e: {  	_ =	shalt  }
0x4f: {  	_ =	shalt  }
0x50: {  	_ =	shalt  }
0x51: {  	_ =	shalt  }
0x52: {  	_ =	shalt  }
0x53: {  	_ =	shalt  }
0x54: {  	_ =	shalt  }
0x55: {  	_ =	shalt  }
0x56: {  	_ =	shalt  }
0x57: {  	_ =	shalt  }
0x58: {  	_ =	shalt  }
0x59: {  	_ =	shalt  }
0x5a: {  	_ =	shalt  }
0x5b: {  	_ =	shalt  }
0x5c: {  	_ =	shalt  }
0x5d: {  	_ =	shalt  }
0x5e: {  	_ =	shalt  }
0x5f: {  	_ =	shalt  }
0x60: {  	_ =	shalt  }
0x61: {  	_ =	shalt  }
0x62: {  	_ =	shalt  }
0x63: {  	_ =	shalt  }
0x64: {  	_ =	shalt  }
0x65: {  	_ =	shalt  }
0x66: {  	_ =	shalt  }
0x67: {  	_ =	shalt  }
0x68: {  	_ =	shalt  }
0x69: {  	_ =	shalt  }
0x6a: {  	_ =	shalt  }
0x6b: {  	_ =	shalt  }
0x6c: {  	_ =	shalt  }
0x6d: {  	_ =	shalt  }
0x6e: {  	_ =	shalt  }
0x6f: {  	_ =	shalt  }
0x70: {  	_ =	shalt  }
0x71: {  	_ =	shalt  }
0x72: {  	_ =	shalt  }
0x73: {  	_ =	shalt  }
0x74: {  	_ =	shalt  }
0x75: {  	_ =	shalt  }
0x76: {  	_ =	shalt  }
0x77: {  	_ =	shalt  }
0x78: {  	_ =	shalt  }
0x79: {  	_ =	shalt  }
0x7a: {  	_ =	shalt  }
0x7b: {  	_ =	shalt  }
0x7c: {  	_ =	shalt  }
0x7d: {  	_ =	shalt  }
0x7e: {  	_ =	shalt  }
0x7f: {  	_ =	shalt  }
0x80: {  	_ =	shalt  }
0x81: {  	_ =	shalt  }
0x82: {  	_ =	shalt  }
0x83: {  	_ =	shalt  }
0x84: {  	_ =	shalt  }
0x85: {  	_ =	shalt  }
0x86: {  	_ =	shalt  }
0x87: {  	_ =	shalt  }
.Lfunc_end0:
.L_simem_size_0:
called_computation_lowered:
.L_overlay_start_0:
0x88: {  	s2 =	sld [smem:$0x3FD9]  }
0x89: {  	s3 =	sld [smem:$0x3FFE];
	_ =	sdelay $0x1  }
0x8a: {  	s1 =	srdreg.scid  }
0x8b: {  	s0 =	sand.u32 $0x1, s1  }
0x8c: {  	s17 =	sshll.u32 s0, $0xA;
	s2 =	sadd.s32 s3, s2  }
0x8d: {  	s2 =	sadd.s32 s2, s17  }
0x8e: {  	[smem:$0x3FC0] =	sst s2  }
0x8f: {  	_ = 	snop  }
0x90: {  	s2 =	sld [smem:$0x3FD0];
	(tm) =	ssettm $0x1  }
0x91: {  	s18 =	sld [smem:$0x3FFB];
	_ =	sdelay $0x3  }
0x92: {  	_ =	strace s18  }
0x93: {  	s3 =	sld [smem:$0x3FFC];
	_ =	sdelay $0x3  }
0x94: {  	_ =	strace s3  }
0x95: {  	s3 =	sld [smem:$0x3FFD];
	_ =	sdelay $0x3  }
0x96: {  	_ =	strace s3  }
0x97: {  	_ =	strace $0x8FFFFFFF  }
0x98: {  	s19 =	sld [smem:$0x3FDB];
	_ =	sdelay $0x1  }
0x99: {  	s4 =	simm.s32 $_scs_section_size  }
0x9a: {  	s5 =	simm.s32 $_size__tile_overlayer_lowered;
	s6 =	simm.s32 $_tile_overlayer_lowered  }
0x9b: {  	s22 =	simm.s32 $0x1BFF;
	s21 =	sshll.u32 s6, $0x1;
	s3 =	sadd.s32 s4, s19  }
0x9c: {  	s7 =	simm.s32 $0x0;
	s20 =	sshll.u32 s5, $0x1;
	s5 =	sadd.s32 s21, s3  }
0x9d: {  	[timem:s7], [sflag:s22] =	dma.local [hbm:s5], s20  }
0x9e: {  	_ =	swait.ge [sflag:s22], s20  }
0x9f: {  	s4 =	ssub.s32 $0x0, s20;
	[sflag:s22] =	ssyncset.done $0x0  }
0xa0: {  	[sflag:s22] =	ssyncadd.s32 s4;
	_ =	sdelay $0x1  }
0xa1: {  	s23 =	simm.s32 $0x1B8B  }
0xa2: {  	_ =	swait.ge [sflag:s23], $0x1  }
0xa3: {  	[sflag:s23] =	ssyncset.done $0x0  }
0xa4: {  	s25 =	simm.s32 $0x1B8E;
	s24 =	sld [smem:$0x3FFE];
	[sflag:s23] =	ssyncadd.s32 $0xFFFFFFFF  }
0xa5: {  	s26 =	simm.s32 $execute0_lowered;
	[smem:$0x3FD2] =	sst s25  }
0xa6: {  	s5 =	sshll.u32 s26, $0x1;
	_ =	strace $0x80000046;
	[dreg:$0x1] =	wrdreg $0xFFFFFFFF  }
0xa7: {  	s28 =	simm.s32 $_size_execute0_lowered;
	s3 =	sadd.s32 s3, s5;
	[dreg:$0x0] =	wrdreg $0x0  }
0xa8: {  	s5 =	sshll.u32 s28, $0x1;
	[dreg:$0x2] =	wrdreg s3  }
0xa9: {  	[dreg:$0x3] =	wrdreg s5  }
0xaa: {  	[dreg:$0x4] =	wrdreg $0xC0  }
0xab: {  	_ =	task [dreg:s7], $0x5FFFF  }
0xac: {  	[dreg:$0x1] =	wrdreg $0xFFFFFFFF  }
0xad: {  	[dreg:$0x0] =	wrdreg $0x60  }
0xae: {  	[dreg:$0x2] =	wrdreg s24  }
0xaf: {  	[dreg:$0x3] =	wrdreg s2  }
0xb0: {  	[dreg:$0x4] =	wrdreg $0x11A800  }
0xb1: {  	[dreg:$0x5] =	wrdreg $0x9  }
0xb2: {  	_ =	task.clear_ibuf [dreg:s7], $0x6FFFF;
	_ =	strace $0x90000046  }
0xb3: {  	s29 =	simm.s32 $0x9;
	_ =	strace $0x80000048  }
0xb4: {  	_ =	swait.ge [sflag:s29], $0x1  }
0xb5: {  	[sflag:s29] =	ssyncadd.s32 $0xFFFFFFFF  }
0xb6: {  	_ =	strace $0x90000048  }
0xb7: {  	_ =	sfence  }
0xb8: {  	s30 =	sld [smem:$0x0];
	_ =	sdelay $0x2  }
0xb9: {  	s31 =	sshll.u32 s1, $0xD;
	s1 =	sshrl.u32 s1, $0x2  }
0xba: {  	s3 =	sand.u32 $0x4000, s31;
	s1 =	sadd.s32 s1, s30  }
0xbb: {  	s0 =	sor.u32 s3, s0;
	s1 =	sshll.u32 s1, $0x11  }
0xbc: {  	s0 =	sor.u32 s1, s0  }
0xbd: {  	s0 =	sadd.s32 $0x8F2B, s0  }
0xbe: {  	[sflag:s0] =	ssyncadd.remote.s32 $0x1  }
0xbf: {  	_ =	sfence.sel $0xFFFF  }
0xc0: {  	[dreg:$0x0] =	wrdreg $0xFFFFFFFF;
	(pc) =	sbr.abs _section_cstart, $3  }
0xc1: {  	[dreg:$0x1] =	wrdreg $0xFFFFFFFF  }
0xc2: {  	_ =	task.clear_ibuf [dreg:s7], $0x2FFFF;
	_ =	strace $0x9FFFFFFF  }
0xc3: {  	(tm) =	ssettm $0x7FFFFFFF  }
tec
execute0_lowered:
.L_overlay_start_1:
0x0: {  	(tag) =	ssettag $0x1  }
0x1: {  	s6 =	rddreg [dreg:$0x0]  }
0x2: {  	s2 =	rddreg [dreg:$0x1]  }
0x3: {  	s0 =	srdreg.scid;
	s8 =	rddreg [dreg:$0x2]  }
0x4: {  	s3 =	simm.s32 $0x0;
	s14 =	simm.s32 $0x5000;
	s15 =	simm.s32 $0x7800  }
0x5: {  	s16 =	simm.s32 $0x7A80;
	s5 =	sand.u32 $0x1, s0;
	s0 =	stileid.u32  }
0x6: {  	s17 =	simm.s32 $0x0;
	[smem:$0x7FF] =	sst s3;
	s7 =	smul.u32 $0xA000, s0  }
0x7: {  	s1 =	sshll.u32 s5, $0x4;
	s9 =	smul.u32 $0xA0000, s5;
	s5 =	ssub.s32 $0x2, s5  }
0x8: {  	s13 =	smul.u32 $0xA00, s0;
	s11 =	sor.u32 s0, s1;
	s1 =	rddreg [dreg:$0x3]  }
0x9: {  	_ =	strace $0x80000047;
	s12 =	sshrl.u32 s5, $0x1;
	s4 =	smul.u32 $0x500, s11  }
0xa: {  	s9 =	sadd.s32 s7, s9;
	s12 =	ssub.s32 s5, s12;
	s7 =	sshrl.u32 s7, $0x2  }
0xb: {  	s31 =	sshrl.u32 s13, $0x2;
	p0 =	seq.s32 s11, $0x1F;
	s11 =	simm.s32 $0x2800  }
0xc: {  	s13 =	simm.s32 $0x280;
	s9 =	sshrl.u32 s9, $0x3;
	s7 =	sadd.s32 s7, s8  }
0xd: {  	s8 =	sadd.s32 s31, s8;
	s10 =	sadd.s32 s4, s6;
	s4 =	sadd.s32 $0xCE00, s6  }
0xe: {  	s9 =	sadd.s32 s9, s6;
	s6 =	sadd.s32 $0xCB00, s6;
	s5 =	sadd.s32 $0x3000, s10  }
0xf: {  	v0 =	vimm.f32 $1.000000000e+00;
	s9 =	sadd.s32 $0xD400, s9;
	s10 =	smax.u32 s12, $0x1;
	s12 =	simm.s32 $0x1  }
.LBB2_1:
0x10: {  	s18 =	simm.s32 @p0 $0x0;
	s19 =	simm.s32 @p0 $0x1  }
0x11: {  	[tilespmem:s18], [sflag:$0x1] =	stream.linear.gather @p0 [hbm4b:s6+s18], $0xA00, $0x38;
	[tilespmem:$0x14280] =	vst v63  }
0x12: {  	_ =	swait.ge @p0 [sflag:s19], $0xA00  }
0x13: {  	[sflag:s19] =	ssyncset.done @p0 $0x0  }
0x14: {  	s20 =	simm.s32 @p0 $0xA00;
	[sflag:s19] =	ssyncadd.s32 @p0 $0xFFFFF600  }
0x15: {  	[tilespmem:s20], [sflag:$0x1] =	stream.linear.gather @p0 [hbm4b:s2+s18], $0x1E00, $0x38;
	[tilespmem:$0x14280] =	vst v63  }
0x16: {  	_ =	swait.ge @p0 [sflag:s19], $0x1E00  }
0x17: {  	[sflag:s19] =	ssyncset.done @p0 $0x0  }
0x18: {  	s18 =	simm.s32 @!p0 $0x0;
	[sflag:s19] =	ssyncadd.s32 @p0 $0xFFFFE200  }
0x19: {  	[tilespmem:s18], [sflag:$0x1] =	stream.linear.gather @!p0 [hbm4b:s5+s18], $0x2800, $0x38;
	[tilespmem:$0x14280] =	vst v63  }
0x1a: {  	s18 =	simm.s32 @!p0 $0x1  }
0x1b: {  	_ =	swait.ge @!p0 [sflag:s18], $0x2800  }
0x1c: {  	[sflag:s18] =	ssyncset.done @!p0 $0x0  }
0x1d: {  	[sflag:s18] =	ssyncadd.s32 @!p0 $0xFFFFD800  }
0x1e: {  	[tilespmem:s11], [sflag:$0x1] =	stream.linear.gather [hbm4b:s4+s3], $0x2800, $0x38;
	[tilespmem:$0x14280] =	vst v63  }
0x1f: {  	_ =	swait.ge [sflag:s12], $0x2800  }
0x20: {  	[sflag:s12] =	ssyncset.done $0x0  }
0x21: {  	s18 =	simm.s32 $0x3C0;
	[sflag:s12] =	ssyncadd.s32 $0xFFFFD800  }
.LBB2_2:
0x22: {  	s19 =	sshra.s32 s18, $0x2  }
0x23: {  	v1 =	vld [tilespmem:s19+$0xFFFFFF90];
	_ =	sdelay $0x7  }
0x24: {  	[tilespmem:v1+s11+$0x0] =	vst.idx.add.f32.msk $0xffff, v0  }
0x25: {  	v1 =	vld [tilespmem:s19+$0xFFFFFFA0];
	_ =	sdelay $0x7  }
0x26: {  	[tilespmem:v1+s11+$0x0] =	vst.idx.add.f32.msk $0xffff, v0  }
0x27: {  	v1 =	vld [tilespmem:s19+$0xFFFFFFB0];
	_ =	sdelay $0x7  }
0x28: {  	[tilespmem:v1+s11+$0x0] =	vst.idx.add.f32.msk $0xffff, v0  }
0x29: {  	v1 =	vld [tilespmem:s19+$0xFFFFFFC0];
	_ =	sdelay $0x7  }
0x2a: {  	[tilespmem:v1+s11+$0x0] =	vst.idx.add.f32.msk $0xffff, v0  }
0x2b: {  	v1 =	vld [tilespmem:s19+$0xFFFFFFD0];
	_ =	sdelay $0x7  }
0x2c: {  	[tilespmem:v1+s11+$0x0] =	vst.idx.add.f32.msk $0xffff, v0  }
0x2d: {  	v1 =	vld [tilespmem:s19+$0xFFFFFFE0];
	_ =	sdelay $0x7  }
0x2e: {  	[tilespmem:v1+s11+$0x0] =	vst.idx.add.f32.msk $0xffff, v0  }
0x2f: {  	v1 =	vld [tilespmem:s19+$0xFFFFFFF0];
	_ =	sdelay $0x7  }
0x30: {  	[tilespmem:v1+s11+$0x0] =	vst.idx.add.f32.msk $0xffff, v0  }
0x31: {  	v1 =	vld [tilespmem:s19+$0x0];
	_ =	sdelay $0x2  }
0x32: {  	p1 =	sne.s32 s18, $0x9FC0  }
.Ltmp0:
0x33: {  	_ = 	snop;
	(pc) =	sbr.rel @p1 .LBB2_2-.Ltmp0, $2  }
0x34: {  	_ =	sdelay $0x2  }
0x35: {  	s18 =	sadd.s32 $0x400, s18;
	[tilespmem:v1+s11+$0x0] =	vst.idx.add.f32.msk $0xffff, v0  }
0x36: {  	[spmem:s7] =	stream.linear.scatter [tilespmem:s11], [sflag:$0x1], $0x2800, $0x38;
	[tilespmem:$0x14280] =	vst v63  }
0x37: {  	_ =	swait.ge [sflag:s12], $0x2800  }
0x38: {  	[sflag:s12] =	ssyncset.done $0x0  }
0x39: {  	[sflag:s12] =	ssyncadd.s32 $0xFFFFD800  }
0x3a: {  	[bflag:$0x0] =	sbarrier.arrive $0xFFFF  }
0x3b: {  	[tilespmem:s14], [sflag:$0x1] =	stream.strided.gather [spmem:s8], $0x2800, s11, s13, $0x38;
	[tilespmem:$0x14280] =	vst v63  }
0x3c: {  	_ =	swait.ge [sflag:s12], $0x2800  }
0x3d: {  	[sflag:s12] =	ssyncset.done $0x0  }
0x3e: {  	s19 =	simm.s32 $0x0;
	[sflag:s12] =	ssyncadd.s32 $0xFFFFD800  }
0x3f: {  	v1 =	vld [tilespmem:s19+$0x5000]  }
0x40: {  	v2 =	vld [tilespmem:s19+$0x5280];
	_ =	sdelay $0x1  }
0x41: {  	v3 =	vld [tilespmem:s19+$0x5500];
	_ =	sdelay $0x1  }
0x42: {  	v4 =	vld [tilespmem:s19+$0x5780]  }
0x43: {  	v1 =	vadd.f32 v2, v1  }
0x44: {  	v2 =	vld [tilespmem:s19+$0x5A00]  }
0x45: {  	v1 =	vadd.f32 v3, v1  }
0x46: {  	v3 =	vld [tilespmem:s19+$0x5C80]  }
0x47: {  	v1 =	vadd.f32 v4, v1  }
0x48: {  	v4 =	vld [tilespmem:s19+$0x5F00]  }
0x49: {  	v1 =	vadd.f32 v2, v1  }
0x4a: {  	v2 =	vld [tilespmem:s19+$0x6180]  }
0x4b: {  	s18 =	simm.s32 $0x10;
	v5 =	vld [tilespmem:s19+$0x6400];
	v1 =	vadd.f32 v3, v1  }
0x4c: {  	v6 =	vld [tilespmem:s18+$0x5000]  }
0x4d: {  	v3 =	vld [tilespmem:s19+$0x6680];
	v1 =	vadd.f32 v4, v1  }
0x4e: {  	v4 =	vld [tilespmem:s18+$0x5280]  }
0x4f: {  	v7 =	vld [tilespmem:s18+$0x5500];
	v1 =	vadd.f32 v2, v1  }
0x50: {  	v2 =	vld [tilespmem:s19+$0x6900]  }
0x51: {  	v8 =	vld [tilespmem:s18+$0x5780];
	v1 =	vadd.f32 v5, v1  }
0x52: {  	v5 =	vld [tilespmem:s19+$0x6B80]  }
0x53: {  	v4 =	vadd.f32 v4, v6;
	v6 =	vld [tilespmem:s18+$0x5A00];
	v1 =	vadd.f32 v3, v1  }
0x54: {  	v3 =	vld [tilespmem:s19+$0x6E00]  }
0x55: {  	v9 =	vld [tilespmem:s18+$0x5C80];
	v4 =	vadd.f32 v7, v4;
	v1 =	vadd.f32 v2, v1  }
0x56: {  	v7 =	vld [tilespmem:s19+$0x7080]  }
0x57: {  	v10 =	vld [tilespmem:s18+$0x5F00];
	v2 =	vadd.f32 v8, v4;
	v1 =	vadd.f32 v5, v1  }
0x58: {  	v8 =	vld [tilespmem:s19+$0x7300]  }
0x59: {  	v4 =	vld [tilespmem:s18+$0x6180];
	v5 =	vadd.f32 v6, v2;
	v3 =	vadd.f32 v3, v1  }
0x5a: {  	v2 =	vld [tilespmem:s19+$0x7580]  }
0x5b: {  	v1 =	vld [tilespmem:s18+$0x6680];
	v6 =	vadd.f32 v9, v5;
	v7 =	vadd.f32 v7, v3  }
0x5c: {  	s21 =	simm.s32 $0x20;
	v5 =	vld [tilespmem:s18+$0x6400]  }
0x5d: {  	s20 =	simm.s32 $0x0;
	s22 =	simm.s32 $0xC0;
	v3 =	vld [tilespmem:s21+$0x5000];
	v6 =	vadd.f32 v10, v6;
	v7 =	vadd.f32 v8, v7  }
.LBB2_4:
0x5e: {  	p1 =	sne.s32 s22, $0x9C0;
	v8 =	vld [tilespmem:s21+$0x5280]  }
0x5f: {  	v4 =	vadd.f32 v4, v6;
	v6 =	vld [tilespmem:s18+$0x6900];
	v2 =	vadd.f32 v2, v7  }
0x60: {  	v7 =	vld [tilespmem:s21+$0x5500]  }
0x61: {  	v4 =	vadd.f32 v5, v4;
	v5 =	vld [tilespmem:s18+$0x6B80];
	[tilespmem:s19+$0x7800] =	vst v2;
	s19 =	smov.u32 s18;
	s18 =	smov.u32 s21  }
0x62: {  	v2 =	vld [tilespmem:s18+$0x5780]  }
0x63: {  	v3 =	vadd.f32 v8, v3;
	v1 =	vadd.f32 v1, v4;
	v4 =	vld [tilespmem:s19+$0x6E00]  }
0x64: {  	v8 =	vld [tilespmem:s18+$0x5A00]  }
0x65: {  	v3 =	vadd.f32 v7, v3;
	v1 =	vadd.f32 v6, v1;
	v6 =	vld [tilespmem:s19+$0x7080]  }
0x66: {  	v7 =	vld [tilespmem:s18+$0x5C80]  }
0x67: {  	v2 =	vadd.f32 v2, v3;
	v1 =	vadd.f32 v5, v1;
	v9 =	vld [tilespmem:s19+$0x7300]  }
0x68: {  	v10 =	vld [tilespmem:s18+$0x5F00]  }
.Ltmp1:
0x69: {  	v3 =	vadd.f32 v8, v2;
	v5 =	vadd.f32 v4, v1;
	v2 =	vld [tilespmem:s19+$0x7580];
	(pc) =	sbr.rel @p1 .LBB2_4-.Ltmp1, $4  }
0x6a: {  	v4 =	vld [tilespmem:s18+$0x6180]  }
0x6b: {  	v7 =	vadd.f32 v7, v3;
	v1 =	vld [tilespmem:s18+$0x6680];
	v8 =	vadd.f32 v6, v5  }
0x6c: {  	s21 =	sshra.s32 s22, $0x2;
	v5 =	vld [tilespmem:s18+$0x6400]  }
0x6d: {  	s22 =	sadd.s32 $0x40, s22;
	v3 =	vld [tilespmem:s21+$0x5000];
	v6 =	vadd.f32 v10, v7;
	v7 =	vadd.f32 v9, v8  }
0x6e: {  	v8 =	vld [tilespmem:s21+$0x5280]  }
0x6f: {  	v9 =	vld [tilespmem:s18+$0x6900];
	v2 =	vadd.f32 v2, v7  }
0x70: {  	v52 =	vld [tilespmem:s21+$0x5500]  }
0x71: {  	v10 =	vld [tilespmem:s18+$0x6B80];
	v4 =	vadd.f32 v4, v6;
	[tilespmem:s19+$0x7800] =	vst v2  }
0x72: {  	v2 =	vld [tilespmem:s21+$0x5780]  }
0x73: {  	v4 =	vadd.f32 v5, v4;
	v3 =	vadd.f32 v8, v3  }
0x74: {  	v53 =	vld [tilespmem:s21+$0x5A00]  }
0x75: {  	v54 =	vld [tilespmem:s18+$0x6E00];
	v1 =	vadd.f32 v1, v4;
	v3 =	vadd.f32 v52, v3  }
0x76: {  	v55 =	vld [tilespmem:s21+$0x5C80]  }
0x77: {  	v56 =	vld [tilespmem:s18+$0x7080];
	v1 =	vadd.f32 v9, v1;
	v2 =	vadd.f32 v2, v3  }
0x78: {  	v3 =	vld [tilespmem:s21+$0x5F00]  }
0x79: {  	v57 =	vld [tilespmem:s18+$0x7300];
	v1 =	vadd.f32 v10, v1;
	v2 =	vadd.f32 v53, v2  }
0x7a: {  	v58 =	vld [tilespmem:s21+$0x6180]  }
0x7b: {  	v59 =	vld [tilespmem:s18+$0x7580];
	v1 =	vadd.f32 v54, v1;
	v2 =	vadd.f32 v55, v2  }
0x7c: {  	v60 =	vld [tilespmem:s21+$0x6400]  }
0x7d: {  	v1 =	vadd.f32 v56, v1;
	v2 =	vadd.f32 v3, v2  }
0x7e: {  	v3 =	vld [tilespmem:s21+$0x6680]  }
0x7f: {  	v1 =	vadd.f32 v57, v1;
	v2 =	vadd.f32 v58, v2  }
0x80: {  	v61 =	vld [tilespmem:s21+$0x6900]  }
0x81: {  	v1 =	vadd.f32 v59, v1;
	v2 =	vadd.f32 v60, v2  }
0x82: {  	v62 =	vld [tilespmem:s21+$0x6B80]  }
0x83: {  	[tilespmem:s18+$0x7800] =	vst v1;
	v1 =	vadd.f32 v3, v2  }
0x84: {  	v2 =	vld [tilespmem:s21+$0x6E00]  }
0x85: {  	v1 =	vadd.f32 v61, v1  }
0x86: {  	v3 =	vld [tilespmem:s21+$0x7080]  }
0x87: {  	v1 =	vadd.f32 v62, v1  }
0x88: {  	v63 =	vld [tilespmem:s21+$0x7300]  }
0x89: {  	v1 =	vadd.f32 v2, v1  }
0x8a: {  	v2 =	vld [tilespmem:s21+$0x7580]  }
0x8b: {  	v1 =	vadd.f32 v3, v1;
	_ =	sdelay $0x1  }
0x8c: {  	v3 =	vmov s20;
	v1 =	vadd.f32 v63, v1;
	_ =	sdelay $0x1  }
0x8d: {  	v1 =	vadd.f32 v2, v1;
	_ =	sdelay $0x1  }
0x8e: {  	[tilespmem:s21+$0x7800] =	vst v1  }
0x8f: {  	v1 =	vld.idx.msk [tilespmem:v3+s15+$0x0], $0xffff;
	_ =	sdelay $0x2  }
0x90: {  	s31 =	simm.s32 $0x1  }
0x91: {  	s19 =	simm.s32 $0x2;
	s18 =	simm.s32 $0x7AA0;
	v2 =	vmov s31  }
.LBB2_6:
0x92: {  	p1 =	sne.s32 s19, $0x27F;
	[tilespmem:s18+$0xFFFFFFE0] =	vst v1  }
0x93: {  	[tilespmem:s18+$0xFFFFFFF0] =	vst v1  }
0x94: {  	[tilespmem:s18+$0x0] =	vst v1  }
0x95: {  	[tilespmem:s18+$0x10] =	vst v1  }
0x96: {  	v1 =	vld.idx.msk [tilespmem:v2+s15+$0x0], $0xffff  }
.Ltmp2:
0x97: {  	(pc) =	sbr.rel @p1 .LBB2_6-.Ltmp2, $2  }
0x98: {  	_ =	sdelay $0x2  }
0x99: {  	s18 =	sadd.s32 $0x40, s18;
	v2 =	vmov s19;
	s19 =	sadd.s32 $0x1, s19  }
0x9a: {  	[tilespmem:s18+$0xFFFFFFE0] =	vst v1  }
0x9b: {  	[tilespmem:s18+$0xFFFFFFF0] =	vst v1  }
0x9c: {  	[tilespmem:s18+$0x0] =	vst v1  }
0x9d: {  	[tilespmem:s18+$0x10] =	vst v1  }
0x9e: {  	v1 =	vld.idx.msk [tilespmem:v2+s15+$0x0], $0xffff;
	_ =	sdelay $0x3  }
0x9f: {  	s31 =	sadd.s32 $0x40, s18  }
0xa0: {  	[tilespmem:s31+$0xFFFFFFE0] =	vst v1  }
0xa1: {  	s17 =	sadd.s32 $0x1, s17;
	[tilespmem:s31+$0xFFFFFFF0] =	vst v1  }
0xa2: {  	p1 =	sne.s32 s17, s10;
	[tilespmem:s31+$0x0] =	vst v1  }
.Ltmp3:
0xa3: {  	[tilespmem:s31+$0x10] =	vst v1;
	(pc) =	sbr.rel @p1 .LBB2_1-.Ltmp3, $4  }
0xa4: {  	[hbm4b:s9+s3] =	stream.linear.scatter [tilespmem:s16], [sflag:$0x1], $0xA000, $0x38;
	[tilespmem:$0x14280] =	vst v63  }
0xa5: {  	_ =	swait.ge [sflag:s12], $0xA000  }
0xa6: {  	[sflag:s12] =	ssyncset.done $0x0  }
0xa7: {  	[sflag:s12] =	ssyncadd.s32 $0xFFFF6000  }
0xa8: {  	_ =	sfence.sel $0x180000  }
0xa9: {  	[bflag:$0x0] =	sbarrier.arrive $0xFFFF  }
0xaa: {  	p0 =	sne.s32 s0, $0x0;
	_ =	strace $0x90000047  }
0xab: {  	s0 =	sadd.s32 @!p0 $0x100000, s1;
	[bflag:$0x2] =	sbarrier.arrive $0xFFFF  }
0xac: {  	[sflag:s0] =	ssyncadd.tile.s32 @!p0 $0x1;
	_ =	shalt  }
.Lfunc_end2:
_tile_overlayer_lowered:
.L_overlay_start_2:
0xad: {  	(tag) =	ssettag $0x2  }
0xae: {  	s0 =	rddreg [dreg:$0x0];
	s2 =	stileid.u32  }
0xaf: {  	s1 =	rddreg [dreg:$0x1];
	p0 =	sne.s32 s2, $0x0  }
0xb0: {  	s3 =	rddreg [dreg:$0x2];
	[bflag:$0x3] =	sbarrier.arrive $0xFFFF;
	s2 =	simm.s32 @!p0 $0x1C01  }
0xb1: {  	[timem:s3], [sflag:s2] =	dma.local @!p0 [hbm:s0], s1  }
0xb2: {  	s0 =	simm.s32 @!p0 $0x1  }
0xb3: {  	_ =	swait.ge @!p0 [sflag:s0], s1  }
0xb4: {  	s1 =	ssub.s32 @!p0 $0x0, s1;
	[sflag:s0] =	ssyncset.done @!p0 $0x0  }
0xb5: {  	[sflag:s0] =	ssyncadd.s32 @!p0 s1  }
0xb6: {  	[bflag:$0x3] =	sbarrier.arrive $0xFFFF  }
0xb7: {  	_ =	shalt  }

</sc_bundles>
